<compile_context>
chip_gen: v7x
topology: tpu7x:2x2x1
jax: 0.10.2.dev20260603
libtpu: 0.0.44.dev20260713+nightly
codegen_flags: <defaults>
</compile_context>

<pallas_src>
import functools

import jax
import jax.numpy as jnp
from jax import lax
from jax.experimental import pallas as pl
from jax.experimental.pallas import tpu as pltpu
from jax.experimental.pallas import tpu_sc as plsc

B = 16384
N = 200
D = 64
R = 6.0

_info = plsc.get_sparse_core_info()
NC, NS, L = _info.num_cores, _info.num_subcores, _info.num_lanes
NW = NC * NS
BPW = B // NW
TPG = 128
NTG = BPW // TPG
IC = 64
NCH = BPW // IC
NBUF = 4
H1 = 128
H2 = N - H1

_C = (1.0000006974281586, -0.5000073548516979, 0.3331793391436614,
      -0.2492950419943796, 0.2045542018978282, -0.1845583495672427,
      0.11784427706676123)
_SQRT2 = 1.4142135623730951
_LN2 = 0.6931471805599453

_mesh = plsc.VectorSubcoreMesh(core_axis_name="c", subcore_axis_name="s")

_FBM = 2048


def _split_body(w_ref, a_ref, b_ref):
    a_ref[...] = w_ref[:, :H1]
    b_ref[...] = jnp.zeros((_FBM, 128), jnp.int32)
    b_ref[:, :H2] = w_ref[:, H1:]


def _split_tc(words):
    return pl.pallas_call(
        _split_body,
        grid=(B // _FBM,),
        in_specs=[pl.BlockSpec((_FBM, N), lambda i: (i, 0))],
        out_specs=[pl.BlockSpec((_FBM, 128), lambda i: (i, 0)),
                   pl.BlockSpec((_FBM, 128), lambda i: (i, 0))],
        out_shape=[jax.ShapeDtypeStruct((B, 128), jnp.int32),
                   jax.ShapeDtypeStruct((B, 128), jnp.int32)],
    )(words)


def _log_over_r(a):
    bits = plsc.bitcast(a, jnp.int32)
    e = lax.shift_right_logical(bits, 23) - 127
    m = plsc.bitcast((bits & 0x007FFFFF) | 0x3F800000, jnp.float32)
    adj = m >= _SQRT2
    m = jnp.where(adj, m * 0.5, m)
    e = (e + adj.astype(jnp.int32)).astype(jnp.float32)
    t = m - 1.0
    p = jnp.float32(_C[6])
    for k in range(5, -1, -1):
        p = p * t + _C[k]
    return (e * _LN2 + t * p) * (1.0 / R)


@functools.partial(
    pl.kernel,
    out_type=jax.ShapeDtypeStruct((B, 2 * D), jnp.float32),
    mesh=_mesh,
    compiler_params=pltpu.CompilerParams(
        use_tc_tiling_on_sc=False, needs_layout_passes=False),
    scratch_types=[
        pltpu.VMEM((IC, 128), jnp.int32),
        pltpu.VMEM((IC, 128), jnp.int32),
        pltpu.VMEM((NBUF, N, D), jnp.float32),
        pltpu.VMEM((IC, D), jnp.float32),
        pltpu.VMEM((TPG,), jnp.int32),
        pltpu.VMEM((TPG, D), jnp.float32),
        pltpu.SemaphoreType.DMA,
        pltpu.SemaphoreType.DMA,
        pltpu.SemaphoreType.DMA,
        pltpu.SemaphoreType.DMA,
        pltpu.SemaphoreType.DMA,
    ],
)
def _sc_emb(wa_hbm, wb_hbm, tag_hbm, wtab_hbm, ttab_hbm, out_hbm,
            icha, ichb, rows_v, out_v, tidx_v, trows_v, s0, s1, s2, s3, tsem):
    sems = (s0, s1, s2, s3)
    wid = lax.axis_index("s") * NC + lax.axis_index("c")
    base = wid * BPW

    for t in range(NTG):
        pltpu.sync_copy(tag_hbm.at[pl.ds(base + t * TPG, TPG)], tidx_v)
        pltpu.async_copy(ttab_hbm.at[tidx_v], trows_v, tsem).wait()
        pltpu.sync_copy(
            trows_v, out_hbm.at[pl.ds(base + t * TPG, TPG), pl.ds(0, D)])

    def fire(s, local):
        pltpu.async_copy(wtab_hbm.at[icha.at[local]],
                         rows_v.at[s, pl.ds(0, H1)], sems[s])
        pltpu.async_copy(wtab_hbm.at[ichb.at[local, pl.ds(0, H2)]],
                         rows_v.at[s, pl.ds(H1, H2)], sems[s])

    @pl.loop(0, NCH)
    def _chunk(c):
        cb = base + c * IC
        pltpu.sync_copy(wa_hbm.at[pl.ds(cb, IC)], icha)
        pltpu.sync_copy(wb_hbm.at[pl.ds(cb, IC)], ichb)
        for s in range(NBUF):
            fire(s, s)

        @pl.loop(0, IC, step=NBUF)
        def _group(l):
            for s in range(NBUF):
                local = l + s
                pltpu.make_async_copy(
                    wtab_hbm.at[pl.ds(0, N)], rows_v.at[s], sems[s]).wait()

                zeros = jnp.zeros((L,), jnp.float32)

                @pl.loop(0, N, step=2, init_carry=(zeros, zeros, zeros, zeros))
                def _row(n, carry):
                    a0, a1, a2, a3 = carry
                    for dn in range(2):
                        a0 = a0 + jnp.exp(rows_v[s, n + dn, pl.ds(0 * L, L)] * R)
                        a1 = a1 + jnp.exp(rows_v[s, n + dn, pl.ds(1 * L, L)] * R)
                        a2 = a2 + jnp.exp(rows_v[s, n + dn, pl.ds(2 * L, L)] * R)
                        a3 = a3 + jnp.exp(rows_v[s, n + dn, pl.ds(3 * L, L)] * R)
                    return a0, a1, a2, a3

                a0, a1, a2, a3 = _row
                out_v[local, pl.ds(0 * L, L)] = _log_over_r(a0)
                out_v[local, pl.ds(1 * L, L)] = _log_over_r(a1)
                out_v[local, pl.ds(2 * L, L)] = _log_over_r(a2)
                out_v[local, pl.ds(3 * L, L)] = _log_over_r(a3)

                @pl.when(local + NBUF < IC)
                def _():
                    fire(s, local + NBUF)

        pltpu.sync_copy(out_v, out_hbm.at[pl.ds(cb, IC), pl.ds(D, D)])


@jax.jit
def kernel(words, tag, word_table, tag_table):
    wa, wb = _split_tc(words)
    return _sc_emb(wa, wb, tag, word_table, tag_table)

# --- scband reference (transcript-rebuilt; emitter-appended) ---
"""Pipeline reference for scband-multi-level-emb-layer-59279138619570 (READ-ONLY COPY).

The authoritative reference and input builder live on the scoring server;
editing this copy changes nothing except your own understanding.
"""

import jax, jax.numpy as jnp
import numpy as np

WORD_VOCAB = 1000000
TAG_VOCAB = 100000
WORD_DIM = 64
TAG_DIM = 64
B = 16384
N = 200
R = 6.0


def setup_inputs(seed: int = 0) -> dict:
    key = jax.random.key(seed)
    k1, k2, k3, k4 = jax.random.split(key, 4)
    words = jax.random.randint(k1, (B, N), 0, WORD_VOCAB, dtype=jnp.int64 if jax.config.jax_enable_x64 else jnp.int32)
    tag = jax.random.randint(k2, (B,), 0, TAG_VOCAB, dtype=jnp.int64 if jax.config.jax_enable_x64 else jnp.int32)
    word_table = jax.random.normal(k3, (WORD_VOCAB, WORD_DIM), dtype=jnp.float32)
    tag_table = jax.random.normal(k4, (TAG_VOCAB, TAG_DIM), dtype=jnp.float32)
    return {"words": words, "tag": tag, "word_table": word_table, "tag_table": tag_table}


def reference(words, tag, word_table, tag_table):
    # word embedding lookup: [B, N, WORD_DIM]
    words_vecs = jnp.take(word_table, words, axis=0)
    # tag embedding lookup: [B, TAG_DIM]
    tag_vecs = jnp.take(tag_table, tag, axis=0)
    # LSE pool over dim=1 with r=6
    tensor_exp = jnp.exp(words_vecs * R)
    tensor_sum = jnp.sum(tensor_exp, axis=1, keepdims=True)
    lse = jnp.log(tensor_sum) / R  # [B, 1, WORD_DIM]
    pool_word_vec = jnp.squeeze(lse, axis=1)  # [B, WORD_DIM]
    return jnp.concatenate([tag_vecs, pool_word_vec], axis=1)

if __name__ == "__main__":
    import jax
    _d = setup_inputs()
    print(jax.jit(kernel)(*tuple(_d.values())))

</pallas_src>

<mosaic_0001>
#map = affine_map<(d0, d1) -> (0, 0)>
#map1 = affine_map<(d0, d1) -> (0)>
module attributes {stable_mosaic.version = 14 : i64} {
  func.func @_sc_emb(%arg0: i32, %arg1: i32, %arg2: memref<16384x128xi32, #tpu.memory_space<hbm>>, %arg3: memref<16384x128xi32, #tpu.memory_space<hbm>>, %arg4: memref<16384xi32, #tpu.memory_space<hbm>>, %arg5: memref<1000000x64xf32, #tpu.memory_space<hbm>>, %arg6: memref<100000x64xf32, #tpu.memory_space<hbm>>, %arg7: memref<16384x128xf32, #tpu.memory_space<hbm>>, %arg8: memref<64x128xi32, #tpu.memory_space<vmem>>, %arg9: memref<64x128xi32, #tpu.memory_space<vmem>>, %arg10: memref<4x200x64xf32, #tpu.memory_space<vmem>>, %arg11: memref<64x64xf32, #tpu.memory_space<vmem>>, %arg12: memref<128xi32, #tpu.memory_space<vmem>>, %arg13: memref<128x64xf32, #tpu.memory_space<vmem>>, %arg14: memref<!tpu.dma_semaphore, #tpu.memory_space<semaphore_mem>>, %arg15: memref<!tpu.dma_semaphore, #tpu.memory_space<semaphore_mem>>, %arg16: memref<!tpu.dma_semaphore, #tpu.memory_space<semaphore_mem>>, %arg17: memref<!tpu.dma_semaphore, #tpu.memory_space<semaphore_mem>>, %arg18: memref<!tpu.dma_semaphore, #tpu.memory_space<semaphore_mem>>) attributes {dimension_semantics = [#tpu.dimension_semantics<core_parallel>, #tpu.dimension_semantics<subcore_parallel>], iteration_bounds = array<i64: 2, 16>, scalar_prefetch = 0 : i64, scratch_operands = 11 : i64, tpu.core_type = #tpu.core_type<sc_vector_subcore>, window_params = [{transform_indices = #map}, {transform_indices = #map}, {transform_indices = #map1}, {transform_indices = #map}, {transform_indices = #map}, {transform_indices = #map}]} {
    %mul3A = arith.constant 2 : i32
    %mul3A_0 = arith.muli %arg1, %mul3A : i32
    %add3A = arith.addi %mul3A_0, %arg0 : i32
    %mul3A_1 = arith.constant 512 : i32
    %mul3A_2 = arith.muli %add3A, %mul3A_1 : i32
    %add3A_3 = arith.constant 0 : i32
    %add3A_4 = arith.addi %mul3A_2, %add3A_3 : i32
    "tpu.region"() ({
      %run_scoped3A = tpu.sem_alloc : memref<!tpu.dma_semaphore, #tpu.memory_space<semaphore_mem>>
      %dma_start3A_45 = tpu.memref_slice %arg4[%add3A_4] : memref<16384xi32, #tpu.memory_space<hbm>> -> memref<128xi32, #tpu.memory_space<hbm>>
      %dma_start3A_46 = tpu.memref_slice %arg4[%add3A_4] : memref<16384xi32, #tpu.memory_space<hbm>> -> memref<128xi32, #tpu.memory_space<hbm>>
      tpu.enqueue_dma source(%dma_start3A_46 : memref<128xi32, #tpu.memory_space<hbm>>) target(%arg12 : memref<128xi32, #tpu.memory_space<vmem>>) target_semaphore(%run_scoped3A : memref<!tpu.dma_semaphore, #tpu.memory_space<semaphore_mem>>)
      %dma_wait3A_47 = tpu.memref_slice %arg4[%add3A_4] : memref<16384xi32, #tpu.memory_space<hbm>> -> memref<128xi32, #tpu.memory_space<hbm>>
      %dma_wait3A_48 = tpu.memref_slice %arg4[%add3A_4] : memref<16384xi32, #tpu.memory_space<hbm>> -> memref<128xi32, #tpu.memory_space<hbm>>
      tpu.wait_dma2 semaphore(%run_scoped3A : memref<!tpu.dma_semaphore, #tpu.memory_space<semaphore_mem>>) src(%dma_wait3A_48 : memref<128xi32, #tpu.memory_space<hbm>>) dst(%arg12 : memref<128xi32, #tpu.memory_space<vmem>>)
      tpu.yield
    }) : () -> ()
    %dma_start3A = arith.constant 0 : i32
    %dma_start3A_5 = arith.constant 0 : i32
    %dma_start3A_6 = tpu.memref_slice %arg6[%dma_start3A, %dma_start3A_5] : memref<100000x64xf32, #tpu.memory_space<hbm>> -> memref<100000x64xf32, #tpu.memory_space<hbm>>
    tpu.enqueue_indirect_dma source(%dma_start3A_6 : memref<100000x64xf32, #tpu.memory_space<hbm>>) target(%arg13 : memref<128x64xf32, #tpu.memory_space<vmem>>) offsets(%arg12 : memref<128xi32, #tpu.memory_space<vmem>>) semaphore(%arg18 : memref<!tpu.dma_semaphore, #tpu.memory_space<semaphore_mem>>)
    %dma_wait3A = arith.constant 0 : i32
    %dma_wait3A_7 = arith.constant 0 : i32
    %dma_wait3A_8 = tpu.memref_slice %arg6[%dma_wait3A, %dma_wait3A_7] : memref<100000x64xf32, #tpu.memory_space<hbm>> -> memref<100000x64xf32, #tpu.memory_space<hbm>>
    tpu.wait_indirect_dma semaphore(%arg18 : memref<!tpu.dma_semaphore, #tpu.memory_space<semaphore_mem>>) src(%dma_wait3A_8 : memref<100000x64xf32, #tpu.memory_space<hbm>>) dst(%arg13 : memref<128x64xf32, #tpu.memory_space<vmem>>)
    %add3A_9 = arith.constant 0 : i32
    %add3A_10 = arith.addi %mul3A_2, %add3A_9 : i32
    "tpu.region"() ({
      %run_scoped3A = tpu.sem_alloc : memref<!tpu.dma_semaphore, #tpu.memory_space<semaphore_mem>>
      %dma_start3A_45 = arith.constant 0 : i32
      %dma_start3A_46 = tpu.memref_slice %arg7[%add3A_10, %dma_start3A_45] : memref<16384x128xf32, #tpu.memory_space<hbm>> -> memref<128x64xf32, #tpu.memory_space<hbm>>
      %dma_start3A_47 = arith.constant 0 : i32
      %dma_start3A_48 = tpu.memref_slice %arg7[%add3A_10, %dma_start3A_47] : memref<16384x128xf32, #tpu.memory_space<hbm>> -> memref<128x64xf32, #tpu.memory_space<hbm>>
      tpu.enqueue_dma source(%arg13 : memref<128x64xf32, #tpu.memory_space<vmem>>) target(%dma_start3A_48 : memref<128x64xf32, #tpu.memory_space<hbm>>) target_semaphore(%run_scoped3A : memref<!tpu.dma_semaphore, #tpu.memory_space<semaphore_mem>>)
      %dma_wait3A_49 = arith.constant 0 : i32
      %dma_wait3A_50 = tpu.memref_slice %arg7[%add3A_10, %dma_wait3A_49] : memref<16384x128xf32, #tpu.memory_space<hbm>> -> memref<128x64xf32, #tpu.memory_space<hbm>>
      %dma_wait3A_51 = arith.constant 0 : i32
      %dma_wait3A_52 = tpu.memref_slice %arg7[%add3A_10, %dma_wait3A_51] : memref<16384x128xf32, #tpu.memory_space<hbm>> -> memref<128x64xf32, #tpu.memory_space<hbm>>
      tpu.wait_dma2 semaphore(%run_scoped3A : memref<!tpu.dma_semaphore, #tpu.memory_space<semaphore_mem>>) src(%arg13 : memref<128x64xf32, #tpu.memory_space<vmem>>) dst(%dma_wait3A_52 : memref<128x64xf32, #tpu.memory_space<hbm>>)
      tpu.yield
    }) : () -> ()
    %add3A_11 = arith.constant 128 : i32
    %add3A_12 = arith.addi %mul3A_2, %add3A_11 : i32
    "tpu.region"() ({
      %run_scoped3A = tpu.sem_alloc : memref<!tpu.dma_semaphore, #tpu.memory_space<semaphore_mem>>
      %dma_start3A_45 = tpu.memref_slice %arg4[%add3A_12] : memref<16384xi32, #tpu.memory_space<hbm>> -> memref<128xi32, #tpu.memory_space<hbm>>
      %dma_start3A_46 = tpu.memref_slice %arg4[%add3A_12] : memref<16384xi32, #tpu.memory_space<hbm>> -> memref<128xi32, #tpu.memory_space<hbm>>
      tpu.enqueue_dma source(%dma_start3A_46 : memref<128xi32, #tpu.memory_space<hbm>>) target(%arg12 : memref<128xi32, #tpu.memory_space<vmem>>) target_semaphore(%run_scoped3A : memref<!tpu.dma_semaphore, #tpu.memory_space<semaphore_mem>>)
      %dma_wait3A_47 = tpu.memref_slice %arg4[%add3A_12] : memref<16384xi32, #tpu.memory_space<hbm>> -> memref<128xi32, #tpu.memory_space<hbm>>
      %dma_wait3A_48 = tpu.memref_slice %arg4[%add3A_12] : memref<16384xi32, #tpu.memory_space<hbm>> -> memref<128xi32, #tpu.memory_space<hbm>>
      tpu.wait_dma2 semaphore(%run_scoped3A : memref<!tpu.dma_semaphore, #tpu.memory_space<semaphore_mem>>) src(%dma_wait3A_48 : memref<128xi32, #tpu.memory_space<hbm>>) dst(%arg12 : memref<128xi32, #tpu.memory_space<vmem>>)
      tpu.yield
    }) : () -> ()
    %dma_start3A_13 = arith.constant 0 : i32
    %dma_start3A_14 = arith.constant 0 : i32
    %dma_start3A_15 = tpu.memref_slice %arg6[%dma_start3A_13, %dma_start3A_14] : memref<100000x64xf32, #tpu.memory_space<hbm>> -> memref<100000x64xf32, #tpu.memory_space<hbm>>
    tpu.enqueue_indirect_dma source(%dma_start3A_15 : memref<100000x64xf32, #tpu.memory_space<hbm>>) target(%arg13 : memref<128x64xf32, #tpu.memory_space<vmem>>) offsets(%arg12 : memref<128xi32, #tpu.memory_space<vmem>>) semaphore(%arg18 : memref<!tpu.dma_semaphore, #tpu.memory_space<semaphore_mem>>)
    %dma_wait3A_16 = arith.constant 0 : i32
    %dma_wait3A_17 = arith.constant 0 : i32
    %dma_wait3A_18 = tpu.memref_slice %arg6[%dma_wait3A_16, %dma_wait3A_17] : memref<100000x64xf32, #tpu.memory_space<hbm>> -> memref<100000x64xf32, #tpu.memory_space<hbm>>
    tpu.wait_indirect_dma semaphore(%arg18 : memref<!tpu.dma_semaphore, #tpu.memory_space<semaphore_mem>>) src(%dma_wait3A_18 : memref<100000x64xf32, #tpu.memory_space<hbm>>) dst(%arg13 : memref<128x64xf32, #tpu.memory_space<vmem>>)
    %add3A_19 = arith.constant 128 : i32
    %add3A_20 = arith.addi %mul3A_2, %add3A_19 : i32
    "tpu.region"() ({
      %run_scoped3A = tpu.sem_alloc : memref<!tpu.dma_semaphore, #tpu.memory_space<semaphore_mem>>
      %dma_start3A_45 = arith.constant 0 : i32
      %dma_start3A_46 = tpu.memref_slice %arg7[%add3A_20, %dma_start3A_45] : memref<16384x128xf32, #tpu.memory_space<hbm>> -> memref<128x64xf32, #tpu.memory_space<hbm>>
      %dma_start3A_47 = arith.constant 0 : i32
      %dma_start3A_48 = tpu.memref_slice %arg7[%add3A_20, %dma_start3A_47] : memref<16384x128xf32, #tpu.memory_space<hbm>> -> memref<128x64xf32, #tpu.memory_space<hbm>>
      tpu.enqueue_dma source(%arg13 : memref<128x64xf32, #tpu.memory_space<vmem>>) target(%dma_start3A_48 : memref<128x64xf32, #tpu.memory_space<hbm>>) target_semaphore(%run_scoped3A : memref<!tpu.dma_semaphore, #tpu.memory_space<semaphore_mem>>)
      %dma_wait3A_49 = arith.constant 0 : i32
      %dma_wait3A_50 = tpu.memref_slice %arg7[%add3A_20, %dma_wait3A_49] : memref<16384x128xf32, #tpu.memory_space<hbm>> -> memref<128x64xf32, #tpu.memory_space<hbm>>
      %dma_wait3A_51 = arith.constant 0 : i32
      %dma_wait3A_52 = tpu.memref_slice %arg7[%add3A_20, %dma_wait3A_51] : memref<16384x128xf32, #tpu.memory_space<hbm>> -> memref<128x64xf32, #tpu.memory_space<hbm>>
      tpu.wait_dma2 semaphore(%run_scoped3A : memref<!tpu.dma_semaphore, #tpu.memory_space<semaphore_mem>>) src(%arg13 : memref<128x64xf32, #tpu.memory_space<vmem>>) dst(%dma_wait3A_52 : memref<128x64xf32, #tpu.memory_space<hbm>>)
      tpu.yield
    }) : () -> ()
    %add3A_21 = arith.constant 256 : i32
    %add3A_22 = arith.addi %mul3A_2, %add3A_21 : i32
    "tpu.region"() ({
      %run_scoped3A = tpu.sem_alloc : memref<!tpu.dma_semaphore, #tpu.memory_space<semaphore_mem>>
      %dma_start3A_45 = tpu.memref_slice %arg4[%add3A_22] : memref<16384xi32, #tpu.memory_space<hbm>> -> memref<128xi32, #tpu.memory_space<hbm>>
      %dma_start3A_46 = tpu.memref_slice %arg4[%add3A_22] : memref<16384xi32, #tpu.memory_space<hbm>> -> memref<128xi32, #tpu.memory_space<hbm>>
      tpu.enqueue_dma source(%dma_start3A_46 : memref<128xi32, #tpu.memory_space<hbm>>) target(%arg12 : memref<128xi32, #tpu.memory_space<vmem>>) target_semaphore(%run_scoped3A : memref<!tpu.dma_semaphore, #tpu.memory_space<semaphore_mem>>)
      %dma_wait3A_47 = tpu.memref_slice %arg4[%add3A_22] : memref<16384xi32, #tpu.memory_space<hbm>> -> memref<128xi32, #tpu.memory_space<hbm>>
      %dma_wait3A_48 = tpu.memref_slice %arg4[%add3A_22] : memref<16384xi32, #tpu.memory_space<hbm>> -> memref<128xi32, #tpu.memory_space<hbm>>
      tpu.wait_dma2 semaphore(%run_scoped3A : memref<!tpu.dma_semaphore, #tpu.memory_space<semaphore_mem>>) src(%dma_wait3A_48 : memref<128xi32, #tpu.memory_space<hbm>>) dst(%arg12 : memref<128xi32, #tpu.memory_space<vmem>>)
      tpu.yield
    }) : () -> ()
    %dma_start3A_23 = arith.constant 0 : i32
    %dma_start3A_24 = arith.constant 0 : i32
    %dma_start3A_25 = tpu.memref_slice %arg6[%dma_start3A_23, %dma_start3A_24] : memref<100000x64xf32, #tpu.memory_space<hbm>> -> memref<100000x64xf32, #tpu.memory_space<hbm>>
    tpu.enqueue_indirect_dma source(%dma_start3A_25 : memref<100000x64xf32, #tpu.memory_space<hbm>>) target(%arg13 : memref<128x64xf32, #tpu.memory_space<vmem>>) offsets(%arg12 : memref<128xi32, #tpu.memory_space<vmem>>) semaphore(%arg18 : memref<!tpu.dma_semaphore, #tpu.memory_space<semaphore_mem>>)
    %dma_wait3A_26 = arith.constant 0 : i32
    %dma_wait3A_27 = arith.constant 0 : i32
    %dma_wait3A_28 = tpu.memref_slice %arg6[%dma_wait3A_26, %dma_wait3A_27] : memref<100000x64xf32, #tpu.memory_space<hbm>> -> memref<100000x64xf32, #tpu.memory_space<hbm>>
    tpu.wait_indirect_dma semaphore(%arg18 : memref<!tpu.dma_semaphore, #tpu.memory_space<semaphore_mem>>) src(%dma_wait3A_28 : memref<100000x64xf32, #tpu.memory_space<hbm>>) dst(%arg13 : memref<128x64xf32, #tpu.memory_space<vmem>>)
    %add3A_29 = arith.constant 256 : i32
    %add3A_30 = arith.addi %mul3A_2, %add3A_29 : i32
    "tpu.region"() ({
      %run_scoped3A = tpu.sem_alloc : memref<!tpu.dma_semaphore, #tpu.memory_space<semaphore_mem>>
      %dma_start3A_45 = arith.constant 0 : i32
      %dma_start3A_46 = tpu.memref_slice %arg7[%add3A_30, %dma_start3A_45] : memref<16384x128xf32, #tpu.memory_space<hbm>> -> memref<128x64xf32, #tpu.memory_space<hbm>>
      %dma_start3A_47 = arith.constant 0 : i32
      %dma_start3A_48 = tpu.memref_slice %arg7[%add3A_30, %dma_start3A_47] : memref<16384x128xf32, #tpu.memory_space<hbm>> -> memref<128x64xf32, #tpu.memory_space<hbm>>
      tpu.enqueue_dma source(%arg13 : memref<128x64xf32, #tpu.memory_space<vmem>>) target(%dma_start3A_48 : memref<128x64xf32, #tpu.memory_space<hbm>>) target_semaphore(%run_scoped3A : memref<!tpu.dma_semaphore, #tpu.memory_space<semaphore_mem>>)
      %dma_wait3A_49 = arith.constant 0 : i32
      %dma_wait3A_50 = tpu.memref_slice %arg7[%add3A_30, %dma_wait3A_49] : memref<16384x128xf32, #tpu.memory_space<hbm>> -> memref<128x64xf32, #tpu.memory_space<hbm>>
      %dma_wait3A_51 = arith.constant 0 : i32
      %dma_wait3A_52 = tpu.memref_slice %arg7[%add3A_30, %dma_wait3A_51] : memref<16384x128xf32, #tpu.memory_space<hbm>> -> memref<128x64xf32, #tpu.memory_space<hbm>>
      tpu.wait_dma2 semaphore(%run_scoped3A : memref<!tpu.dma_semaphore, #tpu.memory_space<semaphore_mem>>) src(%arg13 : memref<128x64xf32, #tpu.memory_space<vmem>>) dst(%dma_wait3A_52 : memref<128x64xf32, #tpu.memory_space<hbm>>)
      tpu.yield
    }) : () -> ()
    %add3A_31 = arith.constant 384 : i32
    %add3A_32 = arith.addi %mul3A_2, %add3A_31 : i32
    "tpu.region"() ({
      %run_scoped3A = tpu.sem_alloc : memref<!tpu.dma_semaphore, #tpu.memory_space<semaphore_mem>>
      %dma_start3A_45 = tpu.memref_slice %arg4[%add3A_32] : memref<16384xi32, #tpu.memory_space<hbm>> -> memref<128xi32, #tpu.memory_space<hbm>>
      %dma_start3A_46 = tpu.memref_slice %arg4[%add3A_32] : memref<16384xi32, #tpu.memory_space<hbm>> -> memref<128xi32, #tpu.memory_space<hbm>>
      tpu.enqueue_dma source(%dma_start3A_46 : memref<128xi32, #tpu.memory_space<hbm>>) target(%arg12 : memref<128xi32, #tpu.memory_space<vmem>>) target_semaphore(%run_scoped3A : memref<!tpu.dma_semaphore, #tpu.memory_space<semaphore_mem>>)
      %dma_wait3A_47 = tpu.memref_slice %arg4[%add3A_32] : memref<16384xi32, #tpu.memory_space<hbm>> -> memref<128xi32, #tpu.memory_space<hbm>>
      %dma_wait3A_48 = tpu.memref_slice %arg4[%add3A_32] : memref<16384xi32, #tpu.memory_space<hbm>> -> memref<128xi32, #tpu.memory_space<hbm>>
      tpu.wait_dma2 semaphore(%run_scoped3A : memref<!tpu.dma_semaphore, #tpu.memory_space<semaphore_mem>>) src(%dma_wait3A_48 : memref<128xi32, #tpu.memory_space<hbm>>) dst(%arg12 : memref<128xi32, #tpu.memory_space<vmem>>)
      tpu.yield
    }) : () -> ()
    %dma_start3A_33 = arith.constant 0 : i32
    %dma_start3A_34 = arith.constant 0 : i32
    %dma_start3A_35 = tpu.memref_slice %arg6[%dma_start3A_33, %dma_start3A_34] : memref<100000x64xf32, #tpu.memory_space<hbm>> -> memref<100000x64xf32, #tpu.memory_space<hbm>>
    tpu.enqueue_indirect_dma source(%dma_start3A_35 : memref<100000x64xf32, #tpu.memory_space<hbm>>) target(%arg13 : memref<128x64xf32, #tpu.memory_space<vmem>>) offsets(%arg12 : memref<128xi32, #tpu.memory_space<vmem>>) semaphore(%arg18 : memref<!tpu.dma_semaphore, #tpu.memory_space<semaphore_mem>>)
    %dma_wait3A_36 = arith.constant 0 : i32
    %dma_wait3A_37 = arith.constant 0 : i32
    %dma_wait3A_38 = tpu.memref_slice %arg6[%dma_wait3A_36, %dma_wait3A_37] : memref<100000x64xf32, #tpu.memory_space<hbm>> -> memref<100000x64xf32, #tpu.memory_space<hbm>>
    tpu.wait_indirect_dma semaphore(%arg18 : memref<!tpu.dma_semaphore, #tpu.memory_space<semaphore_mem>>) src(%dma_wait3A_38 : memref<100000x64xf32, #tpu.memory_space<hbm>>) dst(%arg13 : memref<128x64xf32, #tpu.memory_space<vmem>>)
    %add3A_39 = arith.constant 384 : i32
    %add3A_40 = arith.addi %mul3A_2, %add3A_39 : i32
    "tpu.region"() ({
      %run_scoped3A = tpu.sem_alloc : memref<!tpu.dma_semaphore, #tpu.memory_space<semaphore_mem>>
      %dma_start3A_45 = arith.constant 0 : i32
      %dma_start3A_46 = tpu.memref_slice %arg7[%add3A_40, %dma_start3A_45] : memref<16384x128xf32, #tpu.memory_space<hbm>> -> memref<128x64xf32, #tpu.memory_space<hbm>>
      %dma_start3A_47 = arith.constant 0 : i32
      %dma_start3A_48 = tpu.memref_slice %arg7[%add3A_40, %dma_start3A_47] : memref<16384x128xf32, #tpu.memory_space<hbm>> -> memref<128x64xf32, #tpu.memory_space<hbm>>
      tpu.enqueue_dma source(%arg13 : memref<128x64xf32, #tpu.memory_space<vmem>>) target(%dma_start3A_48 : memref<128x64xf32, #tpu.memory_space<hbm>>) target_semaphore(%run_scoped3A : memref<!tpu.dma_semaphore, #tpu.memory_space<semaphore_mem>>)
      %dma_wait3A_49 = arith.constant 0 : i32
      %dma_wait3A_50 = tpu.memref_slice %arg7[%add3A_40, %dma_wait3A_49] : memref<16384x128xf32, #tpu.memory_space<hbm>> -> memref<128x64xf32, #tpu.memory_space<hbm>>
      %dma_wait3A_51 = arith.constant 0 : i32
      %dma_wait3A_52 = tpu.memref_slice %arg7[%add3A_40, %dma_wait3A_51] : memref<16384x128xf32, #tpu.memory_space<hbm>> -> memref<128x64xf32, #tpu.memory_space<hbm>>
      tpu.wait_dma2 semaphore(%run_scoped3A : memref<!tpu.dma_semaphore, #tpu.memory_space<semaphore_mem>>) src(%arg13 : memref<128x64xf32, #tpu.memory_space<vmem>>) dst(%dma_wait3A_52 : memref<128x64xf32, #tpu.memory_space<hbm>>)
      tpu.yield
    }) : () -> ()
    %scan3A = arith.constant 0 : i32
    %scan3A_41 = arith.constant 8 : i32
    %scan3A_42 = arith.addi %scan3A, %scan3A_41 : i32
    %scan3A_43 = arith.constant 1 : i32
    scf.for %scan3A_45 = %scan3A to %scan3A_42 step %scan3A_43  : i32 {
      %mul3A_46 = arith.constant 1 : i32
      %mul3A_47 = arith.muli %scan3A_45, %mul3A_46 : i32
      %add3A_48 = arith.constant 0 : i32
      %add3A_49 = arith.addi %add3A_48, %mul3A_47 : i32
      %mul3A_50 = arith.constant 64 : i32
      %mul3A_51 = arith.muli %add3A_49, %mul3A_50 : i32
      %add3A_52 = arith.addi %mul3A_2, %mul3A_51 : i32
      "tpu.region"() ({
        %run_scoped3A = tpu.sem_alloc : memref<!tpu.dma_semaphore, #tpu.memory_space<semaphore_mem>>
        %dma_start3A_154 = arith.constant 0 : i32
        %dma_start3A_155 = tpu.memref_slice %arg2[%add3A_52, %dma_start3A_154] : memref<16384x128xi32, #tpu.memory_space<hbm>> -> memref<64x128xi32, #tpu.memory_space<hbm>>
        %dma_start3A_156 = arith.constant 0 : i32
        %dma_start3A_157 = tpu.memref_slice %arg2[%add3A_52, %dma_start3A_156] : memref<16384x128xi32, #tpu.memory_space<hbm>> -> memref<64x128xi32, #tpu.memory_space<hbm>>
        tpu.enqueue_dma source(%dma_start3A_157 : memref<64x128xi32, #tpu.memory_space<hbm>>) target(%arg8 : memref<64x128xi32, #tpu.memory_space<vmem>>) target_semaphore(%run_scoped3A : memref<!tpu.dma_semaphore, #tpu.memory_space<semaphore_mem>>)
        %dma_wait3A_158 = arith.constant 0 : i32
        %dma_wait3A_159 = tpu.memref_slice %arg2[%add3A_52, %dma_wait3A_158] : memref<16384x128xi32, #tpu.memory_space<hbm>> -> memref<64x128xi32, #tpu.memory_space<hbm>>
        %dma_wait3A_160 = arith.constant 0 : i32
        %dma_wait3A_161 = tpu.memref_slice %arg2[%add3A_52, %dma_wait3A_160] : memref<16384x128xi32, #tpu.memory_space<hbm>> -> memref<64x128xi32, #tpu.memory_space<hbm>>
        tpu.wait_dma2 semaphore(%run_scoped3A : memref<!tpu.dma_semaphore, #tpu.memory_space<semaphore_mem>>) src(%dma_wait3A_161 : memref<64x128xi32, #tpu.memory_space<hbm>>) dst(%arg8 : memref<64x128xi32, #tpu.memory_space<vmem>>)
        tpu.yield
      }) : () -> ()
      "tpu.region"() ({
        %run_scoped3A = tpu.sem_alloc : memref<!tpu.dma_semaphore, #tpu.memory_space<semaphore_mem>>
        %dma_start3A_154 = arith.constant 0 : i32
        %dma_start3A_155 = tpu.memref_slice %arg3[%add3A_52, %dma_start3A_154] : memref<16384x128xi32, #tpu.memory_space<hbm>> -> memref<64x128xi32, #tpu.memory_space<hbm>>
        %dma_start3A_156 = arith.constant 0 : i32
        %dma_start3A_157 = tpu.memref_slice %arg3[%add3A_52, %dma_start3A_156] : memref<16384x128xi32, #tpu.memory_space<hbm>> -> memref<64x128xi32, #tpu.memory_space<hbm>>
        tpu.enqueue_dma source(%dma_start3A_157 : memref<64x128xi32, #tpu.memory_space<hbm>>) target(%arg9 : memref<64x128xi32, #tpu.memory_space<vmem>>) target_semaphore(%run_scoped3A : memref<!tpu.dma_semaphore, #tpu.memory_space<semaphore_mem>>)
        %dma_wait3A_158 = arith.constant 0 : i32
        %dma_wait3A_159 = tpu.memref_slice %arg3[%add3A_52, %dma_wait3A_158] : memref<16384x128xi32, #tpu.memory_space<hbm>> -> memref<64x128xi32, #tpu.memory_space<hbm>>
        %dma_wait3A_160 = arith.constant 0 : i32
        %dma_wait3A_161 = tpu.memref_slice %arg3[%add3A_52, %dma_wait3A_160] : memref<16384x128xi32, #tpu.memory_space<hbm>> -> memref<64x128xi32, #tpu.memory_space<hbm>>
        tpu.wait_dma2 semaphore(%run_scoped3A : memref<!tpu.dma_semaphore, #tpu.memory_space<semaphore_mem>>) src(%dma_wait3A_161 : memref<64x128xi32, #tpu.memory_space<hbm>>) dst(%arg9 : memref<64x128xi32, #tpu.memory_space<vmem>>)
        tpu.yield
      }) : () -> ()
      %dma_start3A_53 = arith.constant 0 : i32
      %dma_start3A_54 = arith.constant 0 : i32
      %dma_start3A_55 = arith.constant 0 : i32
      %dma_start3A_56 = arith.constant 0 : i32
      %dma_start3A_57 = tpu.memref_slice %arg10[%dma_start3A_54, %dma_start3A_55, %dma_start3A_56] : memref<4x200x64xf32, #tpu.memory_space<vmem>> -> memref<1x128x64xf32, #tpu.memory_space<vmem>>
      %dma_start3A_58 = tpu.memref_squeeze %dma_start3A_57 : memref<1x128x64xf32, #tpu.memory_space<vmem>> -> memref<128x64xf32, #tpu.memory_space<vmem>>
      %dma_start3A_59 = arith.constant 0 : i32
      %dma_start3A_60 = tpu.memref_slice %arg8[%dma_start3A_53, %dma_start3A_59] : memref<64x128xi32, #tpu.memory_space<vmem>> -> memref<1x128xi32, #tpu.memory_space<vmem>>
      %dma_start3A_61 = tpu.memref_squeeze %dma_start3A_60 : memref<1x128xi32, #tpu.memory_space<vmem>> -> memref<128xi32, #tpu.memory_space<vmem>>
      %dma_start3A_62 = arith.constant 0 : i32
      %dma_start3A_63 = arith.constant 0 : i32
      %dma_start3A_64 = tpu.memref_slice %arg5[%dma_start3A_62, %dma_start3A_63] : memref<1000000x64xf32, #tpu.memory_space<hbm>> -> memref<1000000x64xf32, #tpu.memory_space<hbm>>
      tpu.enqueue_indirect_dma source(%dma_start3A_64 : memref<1000000x64xf32, #tpu.memory_space<hbm>>) target(%dma_start3A_58 : memref<128x64xf32, #tpu.memory_space<vmem>>) offsets(%dma_start3A_61 : memref<128xi32, #tpu.memory_space<vmem>>) semaphore(%arg14 : memref<!tpu.dma_semaphore, #tpu.memory_space<semaphore_mem>>)
      %dma_start3A_65 = arith.constant 0 : i32
      %dma_start3A_66 = arith.constant 0 : i32
      %dma_start3A_67 = arith.constant 128 : i32
      %dma_start3A_68 = arith.constant 0 : i32
      %dma_start3A_69 = tpu.memref_slice %arg10[%dma_start3A_66, %dma_start3A_67, %dma_start3A_68] : memref<4x200x64xf32, #tpu.memory_space<vmem>> -> memref<1x72x64xf32, #tpu.memory_space<vmem>>
      %dma_start3A_70 = tpu.memref_squeeze %dma_start3A_69 : memref<1x72x64xf32, #tpu.memory_space<vmem>> -> memref<72x64xf32, #tpu.memory_space<vmem>>
      %dma_start3A_71 = arith.constant 0 : i32
      %dma_start3A_72 = tpu.memref_slice %arg9[%dma_start3A_65, %dma_start3A_71] : memref<64x128xi32, #tpu.memory_space<vmem>> -> memref<1x72xi32, #tpu.memory_space<vmem>>
      %dma_start3A_73 = tpu.memref_squeeze %dma_start3A_72 : memref<1x72xi32, #tpu.memory_space<vmem>> -> memref<72xi32, #tpu.memory_space<vmem>>
      %dma_start3A_74 = arith.constant 0 : i32
      %dma_start3A_75 = arith.constant 0 : i32
      %dma_start3A_76 = tpu.memref_slice %arg5[%dma_start3A_74, %dma_start3A_75] : memref<1000000x64xf32, #tpu.memory_space<hbm>> -> memref<1000000x64xf32, #tpu.memory_space<hbm>>
      tpu.enqueue_indirect_dma source(%dma_start3A_76 : memref<1000000x64xf32, #tpu.memory_space<hbm>>) target(%dma_start3A_70 : memref<72x64xf32, #tpu.memory_space<vmem>>) offsets(%dma_start3A_73 : memref<72xi32, #tpu.memory_space<vmem>>) semaphore(%arg14 : memref<!tpu.dma_semaphore, #tpu.memory_space<semaphore_mem>>)
      %dma_start3A_77 = arith.constant 1 : i32
      %dma_start3A_78 = arith.constant 1 : i32
      %dma_start3A_79 = arith.constant 0 : i32
      %dma_start3A_80 = arith.constant 0 : i32
      %dma_start3A_81 = tpu.memref_slice %arg10[%dma_start3A_78, %dma_start3A_79, %dma_start3A_80] : memref<4x200x64xf32, #tpu.memory_space<vmem>> -> memref<1x128x64xf32, #tpu.memory_space<vmem>>
      %dma_start3A_82 = tpu.memref_squeeze %dma_start3A_81 : memref<1x128x64xf32, #tpu.memory_space<vmem>> -> memref<128x64xf32, #tpu.memory_space<vmem>>
      %dma_start3A_83 = arith.constant 0 : i32
      %dma_start3A_84 = tpu.memref_slice %arg8[%dma_start3A_77, %dma_start3A_83] : memref<64x128xi32, #tpu.memory_space<vmem>> -> memref<1x128xi32, #tpu.memory_space<vmem>>
      %dma_start3A_85 = tpu.memref_squeeze %dma_start3A_84 : memref<1x128xi32, #tpu.memory_space<vmem>> -> memref<128xi32, #tpu.memory_space<vmem>>
      %dma_start3A_86 = arith.constant 0 : i32
      %dma_start3A_87 = arith.constant 0 : i32
      %dma_start3A_88 = tpu.memref_slice %arg5[%dma_start3A_86, %dma_start3A_87] : memref<1000000x64xf32, #tpu.memory_space<hbm>> -> memref<1000000x64xf32, #tpu.memory_space<hbm>>
      tpu.enqueue_indirect_dma source(%dma_start3A_88 : memref<1000000x64xf32, #tpu.memory_space<hbm>>) target(%dma_start3A_82 : memref<128x64xf32, #tpu.memory_space<vmem>>) offsets(%dma_start3A_85 : memref<128xi32, #tpu.memory_space<vmem>>) semaphore(%arg15 : memref<!tpu.dma_semaphore, #tpu.memory_space<semaphore_mem>>)
      %dma_start3A_89 = arith.constant 1 : i32
      %dma_start3A_90 = arith.constant 1 : i32
      %dma_start3A_91 = arith.constant 128 : i32
      %dma_start3A_92 = arith.constant 0 : i32
      %dma_start3A_93 = tpu.memref_slice %arg10[%dma_start3A_90, %dma_start3A_91, %dma_start3A_92] : memref<4x200x64xf32, #tpu.memory_space<vmem>> -> memref<1x72x64xf32, #tpu.memory_space<vmem>>
      %dma_start3A_94 = tpu.memref_squeeze %dma_start3A_93 : memref<1x72x64xf32, #tpu.memory_space<vmem>> -> memref<72x64xf32, #tpu.memory_space<vmem>>
      %dma_start3A_95 = arith.constant 0 : i32
      %dma_start3A_96 = tpu.memref_slice %arg9[%dma_start3A_89, %dma_start3A_95] : memref<64x128xi32, #tpu.memory_space<vmem>> -> memref<1x72xi32, #tpu.memory_space<vmem>>
      %dma_start3A_97 = tpu.memref_squeeze %dma_start3A_96 : memref<1x72xi32, #tpu.memory_space<vmem>> -> memref<72xi32, #tpu.memory_space<vmem>>
      %dma_start3A_98 = arith.constant 0 : i32
      %dma_start3A_99 = arith.constant 0 : i32
      %dma_start3A_100 = tpu.memref_slice %arg5[%dma_start3A_98, %dma_start3A_99] : memref<1000000x64xf32, #tpu.memory_space<hbm>> -> memref<1000000x64xf32, #tpu.memory_space<hbm>>
      tpu.enqueue_indirect_dma source(%dma_start3A_100 : memref<1000000x64xf32, #tpu.memory_space<hbm>>) target(%dma_start3A_94 : memref<72x64xf32, #tpu.memory_space<vmem>>) offsets(%dma_start3A_97 : memref<72xi32, #tpu.memory_space<vmem>>) semaphore(%arg15 : memref<!tpu.dma_semaphore, #tpu.memory_space<semaphore_mem>>)
      %dma_start3A_101 = arith.constant 2 : i32
      %dma_start3A_102 = arith.constant 2 : i32
      %dma_start3A_103 = arith.constant 0 : i32
      %dma_start3A_104 = arith.constant 0 : i32
      %dma_start3A_105 = tpu.memref_slice %arg10[%dma_start3A_102, %dma_start3A_103, %dma_start3A_104] : memref<4x200x64xf32, #tpu.memory_space<vmem>> -> memref<1x128x64xf32, #tpu.memory_space<vmem>>
      %dma_start3A_106 = tpu.memref_squeeze %dma_start3A_105 : memref<1x128x64xf32, #tpu.memory_space<vmem>> -> memref<128x64xf32, #tpu.memory_space<vmem>>
      %dma_start3A_107 = arith.constant 0 : i32
      %dma_start3A_108 = tpu.memref_slice %arg8[%dma_start3A_101, %dma_start3A_107] : memref<64x128xi32, #tpu.memory_space<vmem>> -> memref<1x128xi32, #tpu.memory_space<vmem>>
      %dma_start3A_109 = tpu.memref_squeeze %dma_start3A_108 : memref<1x128xi32, #tpu.memory_space<vmem>> -> memref<128xi32, #tpu.memory_space<vmem>>
      %dma_start3A_110 = arith.constant 0 : i32
      %dma_start3A_111 = arith.constant 0 : i32
      %dma_start3A_112 = tpu.memref_slice %arg5[%dma_start3A_110, %dma_start3A_111] : memref<1000000x64xf32, #tpu.memory_space<hbm>> -> memref<1000000x64xf32, #tpu.memory_space<hbm>>
      tpu.enqueue_indirect_dma source(%dma_start3A_112 : memref<1000000x64xf32, #tpu.memory_space<hbm>>) target(%dma_start3A_106 : memref<128x64xf32, #tpu.memory_space<vmem>>) offsets(%dma_start3A_109 : memref<128xi32, #tpu.memory_space<vmem>>) semaphore(%arg16 : memref<!tpu.dma_semaphore, #tpu.memory_space<semaphore_mem>>)
      %dma_start3A_113 = arith.constant 2 : i32
      %dma_start3A_114 = arith.constant 2 : i32
      %dma_start3A_115 = arith.constant 128 : i32
      %dma_start3A_116 = arith.constant 0 : i32
      %dma_start3A_117 = tpu.memref_slice %arg10[%dma_start3A_114, %dma_start3A_115, %dma_start3A_116] : memref<4x200x64xf32, #tpu.memory_space<vmem>> -> memref<1x72x64xf32, #tpu.memory_space<vmem>>
      %dma_start3A_118 = tpu.memref_squeeze %dma_start3A_117 : memref<1x72x64xf32, #tpu.memory_space<vmem>> -> memref<72x64xf32, #tpu.memory_space<vmem>>
      %dma_start3A_119 = arith.constant 0 : i32
      %dma_start3A_120 = tpu.memref_slice %arg9[%dma_start3A_113, %dma_start3A_119] : memref<64x128xi32, #tpu.memory_space<vmem>> -> memref<1x72xi32, #tpu.memory_space<vmem>>
      %dma_start3A_121 = tpu.memref_squeeze %dma_start3A_120 : memref<1x72xi32, #tpu.memory_space<vmem>> -> memref<72xi32, #tpu.memory_space<vmem>>
      %dma_start3A_122 = arith.constant 0 : i32
      %dma_start3A_123 = arith.constant 0 : i32
      %dma_start3A_124 = tpu.memref_slice %arg5[%dma_start3A_122, %dma_start3A_123] : memref<1000000x64xf32, #tpu.memory_space<hbm>> -> memref<1000000x64xf32, #tpu.memory_space<hbm>>
      tpu.enqueue_indirect_dma source(%dma_start3A_124 : memref<1000000x64xf32, #tpu.memory_space<hbm>>) target(%dma_start3A_118 : memref<72x64xf32, #tpu.memory_space<vmem>>) offsets(%dma_start3A_121 : memref<72xi32, #tpu.memory_space<vmem>>) semaphore(%arg16 : memref<!tpu.dma_semaphore, #tpu.memory_space<semaphore_mem>>)
      %dma_start3A_125 = arith.constant 3 : i32
      %dma_start3A_126 = arith.constant 3 : i32
      %dma_start3A_127 = arith.constant 0 : i32
      %dma_start3A_128 = arith.constant 0 : i32
      %dma_start3A_129 = tpu.memref_slice %arg10[%dma_start3A_126, %dma_start3A_127, %dma_start3A_128] : memref<4x200x64xf32, #tpu.memory_space<vmem>> -> memref<1x128x64xf32, #tpu.memory_space<vmem>>
      %dma_start3A_130 = tpu.memref_squeeze %dma_start3A_129 : memref<1x128x64xf32, #tpu.memory_space<vmem>> -> memref<128x64xf32, #tpu.memory_space<vmem>>
      %dma_start3A_131 = arith.constant 0 : i32
      %dma_start3A_132 = tpu.memref_slice %arg8[%dma_start3A_125, %dma_start3A_131] : memref<64x128xi32, #tpu.memory_space<vmem>> -> memref<1x128xi32, #tpu.memory_space<vmem>>
      %dma_start3A_133 = tpu.memref_squeeze %dma_start3A_132 : memref<1x128xi32, #tpu.memory_space<vmem>> -> memref<128xi32, #tpu.memory_space<vmem>>
      %dma_start3A_134 = arith.constant 0 : i32
      %dma_start3A_135 = arith.constant 0 : i32
      %dma_start3A_136 = tpu.memref_slice %arg5[%dma_start3A_134, %dma_start3A_135] : memref<1000000x64xf32, #tpu.memory_space<hbm>> -> memref<1000000x64xf32, #tpu.memory_space<hbm>>
      tpu.enqueue_indirect_dma source(%dma_start3A_136 : memref<1000000x64xf32, #tpu.memory_space<hbm>>) target(%dma_start3A_130 : memref<128x64xf32, #tpu.memory_space<vmem>>) offsets(%dma_start3A_133 : memref<128xi32, #tpu.memory_space<vmem>>) semaphore(%arg17 : memref<!tpu.dma_semaphore, #tpu.memory_space<semaphore_mem>>)
      %dma_start3A_137 = arith.constant 3 : i32
      %dma_start3A_138 = arith.constant 3 : i32
      %dma_start3A_139 = arith.constant 128 : i32
      %dma_start3A_140 = arith.constant 0 : i32
      %dma_start3A_141 = tpu.memref_slice %arg10[%dma_start3A_138, %dma_start3A_139, %dma_start3A_140] : memref<4x200x64xf32, #tpu.memory_space<vmem>> -> memref<1x72x64xf32, #tpu.memory_space<vmem>>
      %dma_start3A_142 = tpu.memref_squeeze %dma_start3A_141 : memref<1x72x64xf32, #tpu.memory_space<vmem>> -> memref<72x64xf32, #tpu.memory_space<vmem>>
      %dma_start3A_143 = arith.constant 0 : i32
      %dma_start3A_144 = tpu.memref_slice %arg9[%dma_start3A_137, %dma_start3A_143] : memref<64x128xi32, #tpu.memory_space<vmem>> -> memref<1x72xi32, #tpu.memory_space<vmem>>
      %dma_start3A_145 = tpu.memref_squeeze %dma_start3A_144 : memref<1x72xi32, #tpu.memory_space<vmem>> -> memref<72xi32, #tpu.memory_space<vmem>>
      %dma_start3A_146 = arith.constant 0 : i32
      %dma_start3A_147 = arith.constant 0 : i32
      %dma_start3A_148 = tpu.memref_slice %arg5[%dma_start3A_146, %dma_start3A_147] : memref<1000000x64xf32, #tpu.memory_space<hbm>> -> memref<1000000x64xf32, #tpu.memory_space<hbm>>
      tpu.enqueue_indirect_dma source(%dma_start3A_148 : memref<1000000x64xf32, #tpu.memory_space<hbm>>) target(%dma_start3A_142 : memref<72x64xf32, #tpu.memory_space<vmem>>) offsets(%dma_start3A_145 : memref<72xi32, #tpu.memory_space<vmem>>) semaphore(%arg17 : memref<!tpu.dma_semaphore, #tpu.memory_space<semaphore_mem>>)
      %scan3A_149 = arith.constant 0 : i32
      %scan3A_150 = arith.constant 16 : i32
      %scan3A_151 = arith.addi %scan3A_149, %scan3A_150 : i32
      %scan3A_152 = arith.constant 1 : i32
      scf.for %scan3A_154 = %scan3A_149 to %scan3A_151 step %scan3A_152  : i32 {
        %mul3A_155 = arith.constant 4 : i32
        %mul3A_156 = arith.muli %scan3A_154, %mul3A_155 : i32
        %add3A_157 = arith.constant 0 : i32
        %add3A_158 = arith.addi %add3A_157, %mul3A_156 : i32
        %add3A_159 = arith.constant 0 : i32
        %add3A_160 = arith.addi %add3A_158, %add3A_159 : i32
        %dma_wait3A_161 = arith.constant 0 : i32
        %dma_wait3A_162 = arith.constant 0 : i32
        %dma_wait3A_163 = arith.constant 0 : i32
        %dma_wait3A_164 = tpu.memref_slice %arg10[%dma_wait3A_161, %dma_wait3A_162, %dma_wait3A_163] : memref<4x200x64xf32, #tpu.memory_space<vmem>> -> memref<1x200x64xf32, #tpu.memory_space<vmem>>
        %dma_wait3A_165 = tpu.memref_squeeze %dma_wait3A_164 : memref<1x200x64xf32, #tpu.memory_space<vmem>> -> memref<200x64xf32, #tpu.memory_space<vmem>>
        %dma_wait3A_166 = arith.constant 0 : i32
        %dma_wait3A_167 = arith.constant 0 : i32
        %dma_wait3A_168 = tpu.memref_slice %arg5[%dma_wait3A_166, %dma_wait3A_167] : memref<1000000x64xf32, #tpu.memory_space<hbm>> -> memref<200x64xf32, #tpu.memory_space<hbm>>
        %dma_wait3A_169 = arith.constant 0 : i32
        %dma_wait3A_170 = arith.constant 0 : i32
        %dma_wait3A_171 = tpu.memref_slice %arg10[%dma_wait3A_161, %dma_wait3A_169, %dma_wait3A_170] : memref<4x200x64xf32, #tpu.memory_space<vmem>> -> memref<1x200x64xf32, #tpu.memory_space<vmem>>
        %dma_wait3A_172 = tpu.memref_squeeze %dma_wait3A_171 : memref<1x200x64xf32, #tpu.memory_space<vmem>> -> memref<200x64xf32, #tpu.memory_space<vmem>>
        %dma_wait3A_173 = arith.constant 0 : i32
        %dma_wait3A_174 = arith.constant 0 : i32
        %dma_wait3A_175 = tpu.memref_slice %arg5[%dma_wait3A_173, %dma_wait3A_174] : memref<1000000x64xf32, #tpu.memory_space<hbm>> -> memref<200x64xf32, #tpu.memory_space<hbm>>
        tpu.wait_dma2 semaphore(%arg14 : memref<!tpu.dma_semaphore, #tpu.memory_space<semaphore_mem>>) src(%dma_wait3A_175 : memref<200x64xf32, #tpu.memory_space<hbm>>) dst(%dma_wait3A_172 : memref<200x64xf32, #tpu.memory_space<vmem>>)
        %broadcast_in_dim3A = arith.constant 0.000000e+00 : f32
        %broadcast_in_dim3A_176 = vector.broadcast %broadcast_in_dim3A : f32 to vector<16xf32>
        %scan3A_177 = arith.constant 0 : i32
        %scan3A_178 = arith.constant 100 : i32
        %scan3A_179 = arith.addi %scan3A_177, %scan3A_178 : i32
        %scan3A_180 = arith.constant 1 : i32
        %scan3A_181:4 = scf.for %scan3A_1299 = %scan3A_177 to %scan3A_179 step %scan3A_180 iter_args(%scan3A_1300 = %broadcast_in_dim3A_176, %scan3A_1301 = %broadcast_in_dim3A_176, %scan3A_1302 = %broadcast_in_dim3A_176, %scan3A_1303 = %broadcast_in_dim3A_176) -> (vector<16xf32>, vector<16xf32>, vector<16xf32>, vector<16xf32>)  : i32 {
          %mul3A_1304 = arith.constant 2 : i32
          %mul3A_1305 = arith.muli %scan3A_1299, %mul3A_1304 : i32
          %add3A_1306 = arith.constant 0 : i32
          %add3A_1307 = arith.addi %add3A_1306, %mul3A_1305 : i32
          %add3A_1308 = arith.constant 0 : i32
          %add3A_1309 = arith.addi %add3A_1307, %add3A_1308 : i32
          %get3A = arith.constant 0 : i32
          %get3A_1310 = arith.index_cast %get3A : i32 to index
          %get3A_1311 = arith.index_cast %add3A_1309 : i32 to index
          %get3A_1312 = arith.constant 0 : index
          %get3A_1313 = tpu.vector_load %arg10[%get3A_1310, %get3A_1311, %get3A_1312] {strides = array<i32>} : memref<4x200x64xf32, #tpu.memory_space<vmem>>, vector<16xf32>,
          %mul3A_1314 = arith.constant 6.000000e+00 : f32
          %mul3A_1315 = vector.broadcast %mul3A_1314 : f32 to vector<16xf32>
          %mul3A_1316 = arith.mulf %get3A_1313, %mul3A_1315 : vector<16xf32>
          %exp3A = math.exp %mul3A_1316 : vector<16xf32>
          %add3A_1317 = arith.addf %scan3A_1300, %exp3A : vector<16xf32>
          %add3A_1318 = arith.constant 0 : i32
          %add3A_1319 = arith.addi %add3A_1307, %add3A_1318 : i32
          %get3A_1320 = arith.constant 0 : i32
          %get3A_1321 = arith.index_cast %get3A_1320 : i32 to index
          %get3A_1322 = arith.index_cast %add3A_1319 : i32 to index
          %get3A_1323 = arith.constant 16 : index
          %get3A_1324 = tpu.vector_load %arg10[%get3A_1321, %get3A_1322, %get3A_1323] {strides = array<i32>} : memref<4x200x64xf32, #tpu.memory_space<vmem>>, vector<16xf32>,
          %mul3A_1325 = arith.constant 6.000000e+00 : f32
          %mul3A_1326 = vector.broadcast %mul3A_1325 : f32 to vector<16xf32>
          %mul3A_1327 = arith.mulf %get3A_1324, %mul3A_1326 : vector<16xf32>
          %exp3A_1328 = math.exp %mul3A_1327 : vector<16xf32>
          %add3A_1329 = arith.addf %scan3A_1301, %exp3A_1328 : vector<16xf32>
          %add3A_1330 = arith.constant 0 : i32
          %add3A_1331 = arith.addi %add3A_1307, %add3A_1330 : i32
          %get3A_1332 = arith.constant 0 : i32
          %get3A_1333 = arith.index_cast %get3A_1332 : i32 to index
          %get3A_1334 = arith.index_cast %add3A_1331 : i32 to index
          %get3A_1335 = arith.constant 32 : index
          %get3A_1336 = tpu.vector_load %arg10[%get3A_1333, %get3A_1334, %get3A_1335] {strides = array<i32>} : memref<4x200x64xf32, #tpu.memory_space<vmem>>, vector<16xf32>,
          %mul3A_1337 = arith.constant 6.000000e+00 : f32
          %mul3A_1338 = vector.broadcast %mul3A_1337 : f32 to vector<16xf32>
          %mul3A_1339 = arith.mulf %get3A_1336, %mul3A_1338 : vector<16xf32>
          %exp3A_1340 = math.exp %mul3A_1339 : vector<16xf32>
          %add3A_1341 = arith.addf %scan3A_1302, %exp3A_1340 : vector<16xf32>
          %add3A_1342 = arith.constant 0 : i32
          %add3A_1343 = arith.addi %add3A_1307, %add3A_1342 : i32
          %get3A_1344 = arith.constant 0 : i32
          %get3A_1345 = arith.index_cast %get3A_1344 : i32 to index
          %get3A_1346 = arith.index_cast %add3A_1343 : i32 to index
          %get3A_1347 = arith.constant 48 : index
          %get3A_1348 = tpu.vector_load %arg10[%get3A_1345, %get3A_1346, %get3A_1347] {strides = array<i32>} : memref<4x200x64xf32, #tpu.memory_space<vmem>>, vector<16xf32>,
          %mul3A_1349 = arith.constant 6.000000e+00 : f32
          %mul3A_1350 = vector.broadcast %mul3A_1349 : f32 to vector<16xf32>
          %mul3A_1351 = arith.mulf %get3A_1348, %mul3A_1350 : vector<16xf32>
          %exp3A_1352 = math.exp %mul3A_1351 : vector<16xf32>
          %add3A_1353 = arith.addf %scan3A_1303, %exp3A_1352 : vector<16xf32>
          %add3A_1354 = arith.constant 1 : i32
          %add3A_1355 = arith.addi %add3A_1307, %add3A_1354 : i32
          %get3A_1356 = arith.constant 0 : i32
          %get3A_1357 = arith.index_cast %get3A_1356 : i32 to index
          %get3A_1358 = arith.index_cast %add3A_1355 : i32 to index
          %get3A_1359 = arith.constant 0 : index
          %get3A_1360 = tpu.vector_load %arg10[%get3A_1357, %get3A_1358, %get3A_1359] {strides = array<i32>} : memref<4x200x64xf32, #tpu.memory_space<vmem>>, vector<16xf32>,
          %mul3A_1361 = arith.constant 6.000000e+00 : f32
          %mul3A_1362 = vector.broadcast %mul3A_1361 : f32 to vector<16xf32>
          %mul3A_1363 = arith.mulf %get3A_1360, %mul3A_1362 : vector<16xf32>
          %exp3A_1364 = math.exp %mul3A_1363 : vector<16xf32>
          %add3A_1365 = arith.addf %add3A_1317, %exp3A_1364 : vector<16xf32>
          %add3A_1366 = arith.constant 1 : i32
          %add3A_1367 = arith.addi %add3A_1307, %add3A_1366 : i32
          %get3A_1368 = arith.constant 0 : i32
          %get3A_1369 = arith.index_cast %get3A_1368 : i32 to index
          %get3A_1370 = arith.index_cast %add3A_1367 : i32 to index
          %get3A_1371 = arith.constant 16 : index
          %get3A_1372 = tpu.vector_load %arg10[%get3A_1369, %get3A_1370, %get3A_1371] {strides = array<i32>} : memref<4x200x64xf32, #tpu.memory_space<vmem>>, vector<16xf32>,
          %mul3A_1373 = arith.constant 6.000000e+00 : f32
          %mul3A_1374 = vector.broadcast %mul3A_1373 : f32 to vector<16xf32>
          %mul3A_1375 = arith.mulf %get3A_1372, %mul3A_1374 : vector<16xf32>
          %exp3A_1376 = math.exp %mul3A_1375 : vector<16xf32>
          %add3A_1377 = arith.addf %add3A_1329, %exp3A_1376 : vector<16xf32>
          %add3A_1378 = arith.constant 1 : i32
          %add3A_1379 = arith.addi %add3A_1307, %add3A_1378 : i32
          %get3A_1380 = arith.constant 0 : i32
          %get3A_1381 = arith.index_cast %get3A_1380 : i32 to index
          %get3A_1382 = arith.index_cast %add3A_1379 : i32 to index
          %get3A_1383 = arith.constant 32 : index
          %get3A_1384 = tpu.vector_load %arg10[%get3A_1381, %get3A_1382, %get3A_1383] {strides = array<i32>} : memref<4x200x64xf32, #tpu.memory_space<vmem>>, vector<16xf32>,
          %mul3A_1385 = arith.constant 6.000000e+00 : f32
          %mul3A_1386 = vector.broadcast %mul3A_1385 : f32 to vector<16xf32>
          %mul3A_1387 = arith.mulf %get3A_1384, %mul3A_1386 : vector<16xf32>
          %exp3A_1388 = math.exp %mul3A_1387 : vector<16xf32>
          %add3A_1389 = arith.addf %add3A_1341, %exp3A_1388 : vector<16xf32>
          %add3A_1390 = arith.constant 1 : i32
          %add3A_1391 = arith.addi %add3A_1307, %add3A_1390 : i32
          %get3A_1392 = arith.constant 0 : i32
          %get3A_1393 = arith.index_cast %get3A_1392 : i32 to index
          %get3A_1394 = arith.index_cast %add3A_1391 : i32 to index
          %get3A_1395 = arith.constant 48 : index
          %get3A_1396 = tpu.vector_load %arg10[%get3A_1393, %get3A_1394, %get3A_1395] {strides = array<i32>} : memref<4x200x64xf32, #tpu.memory_space<vmem>>, vector<16xf32>,
          %mul3A_1397 = arith.constant 6.000000e+00 : f32
          %mul3A_1398 = vector.broadcast %mul3A_1397 : f32 to vector<16xf32>
          %mul3A_1399 = arith.mulf %get3A_1396, %mul3A_1398 : vector<16xf32>
          %exp3A_1400 = math.exp %mul3A_1399 : vector<16xf32>
          %add3A_1401 = arith.addf %add3A_1353, %exp3A_1400 : vector<16xf32>
          scf.yield %add3A_1365, %add3A_1377, %add3A_1389, %add3A_1401 : vector<16xf32>, vector<16xf32>, vector<16xf32>, vector<16xf32>
        }
        %scan3A_182 = arith.constant 100 : i32
        %bitcast3A = vector.bitcast %scan3A_181#0 : vector<16xf32> to vector<16xi32>
        %shift_right_logical3A = arith.constant 23 : i32
        %shift_right_logical3A_183 = vector.broadcast %shift_right_logical3A : i32 to vector<16xi32>
        %shift_right_logical3A_184 = arith.shrui %bitcast3A, %shift_right_logical3A_183 : vector<16xi32>
        %sub3A = arith.constant 127 : i32
        %sub3A_185 = vector.broadcast %sub3A : i32 to vector<16xi32>
        %sub3A_186 = arith.subi %shift_right_logical3A_184, %sub3A_185 : vector<16xi32>
        %and3A = arith.constant 8388607 : i32
        %and3A_187 = vector.broadcast %and3A : i32 to vector<16xi32>
        %and3A_188 = arith.andi %bitcast3A, %and3A_187 : vector<16xi32>
        %or3A = arith.constant 1065353216 : i32
        %or3A_189 = vector.broadcast %or3A : i32 to vector<16xi32>
        %or3A_190 = arith.ori %and3A_188, %or3A_189 : vector<16xi32>
        %bitcast3A_191 = vector.bitcast %or3A_190 : vector<16xi32> to vector<16xf32>
        %ge3A = arith.constant 1.41421354 : f32
        %ge3A_192 = vector.broadcast %ge3A : f32 to vector<16xf32>
        %ge3A_193 = arith.cmpf oge, %bitcast3A_191, %ge3A_192 : vector<16xf32>
        %mul3A_194 = arith.constant 5.000000e-01 : f32
        %mul3A_195 = vector.broadcast %mul3A_194 : f32 to vector<16xf32>
        %mul3A_196 = arith.mulf %bitcast3A_191, %mul3A_195 : vector<16xf32>
        %select_n3A = arith.select %ge3A_193, %mul3A_196, %bitcast3A_191 : vector<16xi1>, vector<16xf32>
        %convert_element_type3A = arith.extui %ge3A_193 : vector<16xi1> to vector<16xi32>
        %add3A_197 = arith.addi %sub3A_186, %convert_element_type3A : vector<16xi32>
        %convert_element_type3A_198 = arith.sitofp %add3A_197 : vector<16xi32> to vector<16xf32>
        %sub3A_199 = arith.constant 1.000000e+00 : f32
        %sub3A_200 = vector.broadcast %sub3A_199 : f32 to vector<16xf32>
        %sub3A_201 = arith.subf %select_n3A, %sub3A_200 : vector<16xf32>
        %mul3A_202 = arith.constant 0.117844276 : f32
        %mul3A_203 = vector.broadcast %mul3A_202 : f32 to vector<16xf32>
        %mul3A_204 = arith.mulf %mul3A_203, %sub3A_201 : vector<16xf32>
        %add3A_205 = arith.constant -0.184558347 : f32
        %add3A_206 = vector.broadcast %add3A_205 : f32 to vector<16xf32>
        %add3A_207 = arith.addf %mul3A_204, %add3A_206 : vector<16xf32>
        %mul3A_208 = arith.mulf %add3A_207, %sub3A_201 : vector<16xf32>
        %add3A_209 = arith.constant 0.2045542 : f32
        %add3A_210 = vector.broadcast %add3A_209 : f32 to vector<16xf32>
        %add3A_211 = arith.addf %mul3A_208, %add3A_210 : vector<16xf32>
        %mul3A_212 = arith.mulf %add3A_211, %sub3A_201 : vector<16xf32>
        %add3A_213 = arith.constant -0.249295041 : f32
        %add3A_214 = vector.broadcast %add3A_213 : f32 to vector<16xf32>
        %add3A_215 = arith.addf %mul3A_212, %add3A_214 : vector<16xf32>
        %mul3A_216 = arith.mulf %add3A_215, %sub3A_201 : vector<16xf32>
        %add3A_217 = arith.constant 0.333179325 : f32
        %add3A_218 = vector.broadcast %add3A_217 : f32 to vector<16xf32>
        %add3A_219 = arith.addf %mul3A_216, %add3A_218 : vector<16xf32>
        %mul3A_220 = arith.mulf %add3A_219, %sub3A_201 : vector<16xf32>
        %add3A_221 = arith.constant -0.500007331 : f32
        %add3A_222 = vector.broadcast %add3A_221 : f32 to vector<16xf32>
        %add3A_223 = arith.addf %mul3A_220, %add3A_222 : vector<16xf32>
        %mul3A_224 = arith.mulf %add3A_223, %sub3A_201 : vector<16xf32>
        %add3A_225 = arith.constant 1.00000072 : f32
        %add3A_226 = vector.broadcast %add3A_225 : f32 to vector<16xf32>
        %add3A_227 = arith.addf %mul3A_224, %add3A_226 : vector<16xf32>
        %mul3A_228 = arith.constant 0.693147182 : f32
        %mul3A_229 = vector.broadcast %mul3A_228 : f32 to vector<16xf32>
        %mul3A_230 = arith.mulf %convert_element_type3A_198, %mul3A_229 : vector<16xf32>
        %mul3A_231 = arith.mulf %sub3A_201, %add3A_227 : vector<16xf32>
        %add3A_232 = arith.addf %mul3A_230, %mul3A_231 : vector<16xf32>
        %mul3A_233 = arith.constant 0.166666672 : f32
        %mul3A_234 = vector.broadcast %mul3A_233 : f32 to vector<16xf32>
        %mul3A_235 = arith.mulf %add3A_232, %mul3A_234 : vector<16xf32>
        %swap3A = arith.index_cast %add3A_160 : i32 to index
        %swap3A_236 = arith.constant 0 : index
        %swap3A_237 = tpu.vector_load %arg11[%swap3A, %swap3A_236] {strides = array<i32>} : memref<64x64xf32, #tpu.memory_space<vmem>>, vector<16xf32>,
        tpu.vector_store %arg11[%swap3A, %swap3A_236], %mul3A_235 {strides = array<i32>} : memref<64x64xf32, #tpu.memory_space<vmem>>, vector<16xf32>,
        %bitcast3A_238 = vector.bitcast %scan3A_181#1 : vector<16xf32> to vector<16xi32>
        %shift_right_logical3A_239 = arith.constant 23 : i32
        %shift_right_logical3A_240 = vector.broadcast %shift_right_logical3A_239 : i32 to vector<16xi32>
        %shift_right_logical3A_241 = arith.shrui %bitcast3A_238, %shift_right_logical3A_240 : vector<16xi32>
        %sub3A_242 = arith.constant 127 : i32
        %sub3A_243 = vector.broadcast %sub3A_242 : i32 to vector<16xi32>
        %sub3A_244 = arith.subi %shift_right_logical3A_241, %sub3A_243 : vector<16xi32>
        %and3A_245 = arith.constant 8388607 : i32
        %and3A_246 = vector.broadcast %and3A_245 : i32 to vector<16xi32>
        %and3A_247 = arith.andi %bitcast3A_238, %and3A_246 : vector<16xi32>
        %or3A_248 = arith.constant 1065353216 : i32
        %or3A_249 = vector.broadcast %or3A_248 : i32 to vector<16xi32>
        %or3A_250 = arith.ori %and3A_247, %or3A_249 : vector<16xi32>
        %bitcast3A_251 = vector.bitcast %or3A_250 : vector<16xi32> to vector<16xf32>
        %ge3A_252 = arith.constant 1.41421354 : f32
        %ge3A_253 = vector.broadcast %ge3A_252 : f32 to vector<16xf32>
        %ge3A_254 = arith.cmpf oge, %bitcast3A_251, %ge3A_253 : vector<16xf32>
        %mul3A_255 = arith.constant 5.000000e-01 : f32
        %mul3A_256 = vector.broadcast %mul3A_255 : f32 to vector<16xf32>
        %mul3A_257 = arith.mulf %bitcast3A_251, %mul3A_256 : vector<16xf32>
        %select_n3A_258 = arith.select %ge3A_254, %mul3A_257, %bitcast3A_251 : vector<16xi1>, vector<16xf32>
        %convert_element_type3A_259 = arith.extui %ge3A_254 : vector<16xi1> to vector<16xi32>
        %add3A_260 = arith.addi %sub3A_244, %convert_element_type3A_259 : vector<16xi32>
        %convert_element_type3A_261 = arith.sitofp %add3A_260 : vector<16xi32> to vector<16xf32>
        %sub3A_262 = arith.constant 1.000000e+00 : f32
        %sub3A_263 = vector.broadcast %sub3A_262 : f32 to vector<16xf32>
        %sub3A_264 = arith.subf %select_n3A_258, %sub3A_263 : vector<16xf32>
        %mul3A_265 = arith.constant 0.117844276 : f32
        %mul3A_266 = vector.broadcast %mul3A_265 : f32 to vector<16xf32>
        %mul3A_267 = arith.mulf %mul3A_266, %sub3A_264 : vector<16xf32>
        %add3A_268 = arith.constant -0.184558347 : f32
        %add3A_269 = vector.broadcast %add3A_268 : f32 to vector<16xf32>
        %add3A_270 = arith.addf %mul3A_267, %add3A_269 : vector<16xf32>
        %mul3A_271 = arith.mulf %add3A_270, %sub3A_264 : vector<16xf32>
        %add3A_272 = arith.constant 0.2045542 : f32
        %add3A_273 = vector.broadcast %add3A_272 : f32 to vector<16xf32>
        %add3A_274 = arith.addf %mul3A_271, %add3A_273 : vector<16xf32>
        %mul3A_275 = arith.mulf %add3A_274, %sub3A_264 : vector<16xf32>
        %add3A_276 = arith.constant -0.249295041 : f32
        %add3A_277 = vector.broadcast %add3A_276 : f32 to vector<16xf32>
        %add3A_278 = arith.addf %mul3A_275, %add3A_277 : vector<16xf32>
        %mul3A_279 = arith.mulf %add3A_278, %sub3A_264 : vector<16xf32>
        %add3A_280 = arith.constant 0.333179325 : f32
        %add3A_281 = vector.broadcast %add3A_280 : f32 to vector<16xf32>
        %add3A_282 = arith.addf %mul3A_279, %add3A_281 : vector<16xf32>
        %mul3A_283 = arith.mulf %add3A_282, %sub3A_264 : vector<16xf32>
        %add3A_284 = arith.constant -0.500007331 : f32
        %add3A_285 = vector.broadcast %add3A_284 : f32 to vector<16xf32>
        %add3A_286 = arith.addf %mul3A_283, %add3A_285 : vector<16xf32>
        %mul3A_287 = arith.mulf %add3A_286, %sub3A_264 : vector<16xf32>
        %add3A_288 = arith.constant 1.00000072 : f32
        %add3A_289 = vector.broadcast %add3A_288 : f32 to vector<16xf32>
        %add3A_290 = arith.addf %mul3A_287, %add3A_289 : vector<16xf32>
        %mul3A_291 = arith.constant 0.693147182 : f32
        %mul3A_292 = vector.broadcast %mul3A_291 : f32 to vector<16xf32>
        %mul3A_293 = arith.mulf %convert_element_type3A_261, %mul3A_292 : vector<16xf32>
        %mul3A_294 = arith.mulf %sub3A_264, %add3A_290 : vector<16xf32>
        %add3A_295 = arith.addf %mul3A_293, %mul3A_294 : vector<16xf32>
        %mul3A_296 = arith.constant 0.166666672 : f32
        %mul3A_297 = vector.broadcast %mul3A_296 : f32 to vector<16xf32>
        %mul3A_298 = arith.mulf %add3A_295, %mul3A_297 : vector<16xf32>
        %swap3A_299 = arith.index_cast %add3A_160 : i32 to index
        %swap3A_300 = arith.constant 16 : index
        %swap3A_301 = tpu.vector_load %arg11[%swap3A_299, %swap3A_300] {strides = array<i32>} : memref<64x64xf32, #tpu.memory_space<vmem>>, vector<16xf32>,
        tpu.vector_store %arg11[%swap3A_299, %swap3A_300], %mul3A_298 {strides = array<i32>} : memref<64x64xf32, #tpu.memory_space<vmem>>, vector<16xf32>,
        %bitcast3A_302 = vector.bitcast %scan3A_181#2 : vector<16xf32> to vector<16xi32>
        %shift_right_logical3A_303 = arith.constant 23 : i32
        %shift_right_logical3A_304 = vector.broadcast %shift_right_logical3A_303 : i32 to vector<16xi32>
        %shift_right_logical3A_305 = arith.shrui %bitcast3A_302, %shift_right_logical3A_304 : vector<16xi32>
        %sub3A_306 = arith.constant 127 : i32
        %sub3A_307 = vector.broadcast %sub3A_306 : i32 to vector<16xi32>
        %sub3A_308 = arith.subi %shift_right_logical3A_305, %sub3A_307 : vector<16xi32>
        %and3A_309 = arith.constant 8388607 : i32
        %and3A_310 = vector.broadcast %and3A_309 : i32 to vector<16xi32>
        %and3A_311 = arith.andi %bitcast3A_302, %and3A_310 : vector<16xi32>
        %or3A_312 = arith.constant 1065353216 : i32
        %or3A_313 = vector.broadcast %or3A_312 : i32 to vector<16xi32>
        %or3A_314 = arith.ori %and3A_311, %or3A_313 : vector<16xi32>
        %bitcast3A_315 = vector.bitcast %or3A_314 : vector<16xi32> to vector<16xf32>
        %ge3A_316 = arith.constant 1.41421354 : f32
        %ge3A_317 = vector.broadcast %ge3A_316 : f32 to vector<16xf32>
        %ge3A_318 = arith.cmpf oge, %bitcast3A_315, %ge3A_317 : vector<16xf32>
        %mul3A_319 = arith.constant 5.000000e-01 : f32
        %mul3A_320 = vector.broadcast %mul3A_319 : f32 to vector<16xf32>
        %mul3A_321 = arith.mulf %bitcast3A_315, %mul3A_320 : vector<16xf32>
        %select_n3A_322 = arith.select %ge3A_318, %mul3A_321, %bitcast3A_315 : vector<16xi1>, vector<16xf32>
        %convert_element_type3A_323 = arith.extui %ge3A_318 : vector<16xi1> to vector<16xi32>
        %add3A_324 = arith.addi %sub3A_308, %convert_element_type3A_323 : vector<16xi32>
        %convert_element_type3A_325 = arith.sitofp %add3A_324 : vector<16xi32> to vector<16xf32>
        %sub3A_326 = arith.constant 1.000000e+00 : f32
        %sub3A_327 = vector.broadcast %sub3A_326 : f32 to vector<16xf32>
        %sub3A_328 = arith.subf %select_n3A_322, %sub3A_327 : vector<16xf32>
        %mul3A_329 = arith.constant 0.117844276 : f32
        %mul3A_330 = vector.broadcast %mul3A_329 : f32 to vector<16xf32>
        %mul3A_331 = arith.mulf %mul3A_330, %sub3A_328 : vector<16xf32>
        %add3A_332 = arith.constant -0.184558347 : f32
        %add3A_333 = vector.broadcast %add3A_332 : f32 to vector<16xf32>
        %add3A_334 = arith.addf %mul3A_331, %add3A_333 : vector<16xf32>
        %mul3A_335 = arith.mulf %add3A_334, %sub3A_328 : vector<16xf32>
        %add3A_336 = arith.constant 0.2045542 : f32
        %add3A_337 = vector.broadcast %add3A_336 : f32 to vector<16xf32>
        %add3A_338 = arith.addf %mul3A_335, %add3A_337 : vector<16xf32>
        %mul3A_339 = arith.mulf %add3A_338, %sub3A_328 : vector<16xf32>
        %add3A_340 = arith.constant -0.249295041 : f32
        %add3A_341 = vector.broadcast %add3A_340 : f32 to vector<16xf32>
        %add3A_342 = arith.addf %mul3A_339, %add3A_341 : vector<16xf32>
        %mul3A_343 = arith.mulf %add3A_342, %sub3A_328 : vector<16xf32>
        %add3A_344 = arith.constant 0.333179325 : f32
        %add3A_345 = vector.broadcast %add3A_344 : f32 to vector<16xf32>
        %add3A_346 = arith.addf %mul3A_343, %add3A_345 : vector<16xf32>
        %mul3A_347 = arith.mulf %add3A_346, %sub3A_328 : vector<16xf32>
        %add3A_348 = arith.constant -0.500007331 : f32
        %add3A_349 = vector.broadcast %add3A_348 : f32 to vector<16xf32>
        %add3A_350 = arith.addf %mul3A_347, %add3A_349 : vector<16xf32>
        %mul3A_351 = arith.mulf %add3A_350, %sub3A_328 : vector<16xf32>
        %add3A_352 = arith.constant 1.00000072 : f32
        %add3A_353 = vector.broadcast %add3A_352 : f32 to vector<16xf32>
        %add3A_354 = arith.addf %mul3A_351, %add3A_353 : vector<16xf32>
        %mul3A_355 = arith.constant 0.693147182 : f32
        %mul3A_356 = vector.broadcast %mul3A_355 : f32 to vector<16xf32>
        %mul3A_357 = arith.mulf %convert_element_type3A_325, %mul3A_356 : vector<16xf32>
        %mul3A_358 = arith.mulf %sub3A_328, %add3A_354 : vector<16xf32>
        %add3A_359 = arith.addf %mul3A_357, %mul3A_358 : vector<16xf32>
        %mul3A_360 = arith.constant 0.166666672 : f32
        %mul3A_361 = vector.broadcast %mul3A_360 : f32 to vector<16xf32>
        %mul3A_362 = arith.mulf %add3A_359, %mul3A_361 : vector<16xf32>
        %swap3A_363 = arith.index_cast %add3A_160 : i32 to index
        %swap3A_364 = arith.constant 32 : index
        %swap3A_365 = tpu.vector_load %arg11[%swap3A_363, %swap3A_364] {strides = array<i32>} : memref<64x64xf32, #tpu.memory_space<vmem>>, vector<16xf32>,
        tpu.vector_store %arg11[%swap3A_363, %swap3A_364], %mul3A_362 {strides = array<i32>} : memref<64x64xf32, #tpu.memory_space<vmem>>, vector<16xf32>,
        %bitcast3A_366 = vector.bitcast %scan3A_181#3 : vector<16xf32> to vector<16xi32>
        %shift_right_logical3A_367 = arith.constant 23 : i32
        %shift_right_logical3A_368 = vector.broadcast %shift_right_logical3A_367 : i32 to vector<16xi32>
        %shift_right_logical3A_369 = arith.shrui %bitcast3A_366, %shift_right_logical3A_368 : vector<16xi32>
        %sub3A_370 = arith.constant 127 : i32
        %sub3A_371 = vector.broadcast %sub3A_370 : i32 to vector<16xi32>
        %sub3A_372 = arith.subi %shift_right_logical3A_369, %sub3A_371 : vector<16xi32>
        %and3A_373 = arith.constant 8388607 : i32
        %and3A_374 = vector.broadcast %and3A_373 : i32 to vector<16xi32>
        %and3A_375 = arith.andi %bitcast3A_366, %and3A_374 : vector<16xi32>
        %or3A_376 = arith.constant 1065353216 : i32
        %or3A_377 = vector.broadcast %or3A_376 : i32 to vector<16xi32>
        %or3A_378 = arith.ori %and3A_375, %or3A_377 : vector<16xi32>
        %bitcast3A_379 = vector.bitcast %or3A_378 : vector<16xi32> to vector<16xf32>
        %ge3A_380 = arith.constant 1.41421354 : f32
        %ge3A_381 = vector.broadcast %ge3A_380 : f32 to vector<16xf32>
        %ge3A_382 = arith.cmpf oge, %bitcast3A_379, %ge3A_381 : vector<16xf32>
        %mul3A_383 = arith.constant 5.000000e-01 : f32
        %mul3A_384 = vector.broadcast %mul3A_383 : f32 to vector<16xf32>
        %mul3A_385 = arith.mulf %bitcast3A_379, %mul3A_384 : vector<16xf32>
        %select_n3A_386 = arith.select %ge3A_382, %mul3A_385, %bitcast3A_379 : vector<16xi1>, vector<16xf32>
        %convert_element_type3A_387 = arith.extui %ge3A_382 : vector<16xi1> to vector<16xi32>
        %add3A_388 = arith.addi %sub3A_372, %convert_element_type3A_387 : vector<16xi32>
        %convert_element_type3A_389 = arith.sitofp %add3A_388 : vector<16xi32> to vector<16xf32>
        %sub3A_390 = arith.constant 1.000000e+00 : f32
        %sub3A_391 = vector.broadcast %sub3A_390 : f32 to vector<16xf32>
        %sub3A_392 = arith.subf %select_n3A_386, %sub3A_391 : vector<16xf32>
        %mul3A_393 = arith.constant 0.117844276 : f32
        %mul3A_394 = vector.broadcast %mul3A_393 : f32 to vector<16xf32>
        %mul3A_395 = arith.mulf %mul3A_394, %sub3A_392 : vector<16xf32>
        %add3A_396 = arith.constant -0.184558347 : f32
        %add3A_397 = vector.broadcast %add3A_396 : f32 to vector<16xf32>
        %add3A_398 = arith.addf %mul3A_395, %add3A_397 : vector<16xf32>
        %mul3A_399 = arith.mulf %add3A_398, %sub3A_392 : vector<16xf32>
        %add3A_400 = arith.constant 0.2045542 : f32
        %add3A_401 = vector.broadcast %add3A_400 : f32 to vector<16xf32>
        %add3A_402 = arith.addf %mul3A_399, %add3A_401 : vector<16xf32>
        %mul3A_403 = arith.mulf %add3A_402, %sub3A_392 : vector<16xf32>
        %add3A_404 = arith.constant -0.249295041 : f32
        %add3A_405 = vector.broadcast %add3A_404 : f32 to vector<16xf32>
        %add3A_406 = arith.addf %mul3A_403, %add3A_405 : vector<16xf32>
        %mul3A_407 = arith.mulf %add3A_406, %sub3A_392 : vector<16xf32>
        %add3A_408 = arith.constant 0.333179325 : f32
        %add3A_409 = vector.broadcast %add3A_408 : f32 to vector<16xf32>
        %add3A_410 = arith.addf %mul3A_407, %add3A_409 : vector<16xf32>
        %mul3A_411 = arith.mulf %add3A_410, %sub3A_392 : vector<16xf32>
        %add3A_412 = arith.constant -0.500007331 : f32
        %add3A_413 = vector.broadcast %add3A_412 : f32 to vector<16xf32>
        %add3A_414 = arith.addf %mul3A_411, %add3A_413 : vector<16xf32>
        %mul3A_415 = arith.mulf %add3A_414, %sub3A_392 : vector<16xf32>
        %add3A_416 = arith.constant 1.00000072 : f32
        %add3A_417 = vector.broadcast %add3A_416 : f32 to vector<16xf32>
        %add3A_418 = arith.addf %mul3A_415, %add3A_417 : vector<16xf32>
        %mul3A_419 = arith.constant 0.693147182 : f32
        %mul3A_420 = vector.broadcast %mul3A_419 : f32 to vector<16xf32>
        %mul3A_421 = arith.mulf %convert_element_type3A_389, %mul3A_420 : vector<16xf32>
        %mul3A_422 = arith.mulf %sub3A_392, %add3A_418 : vector<16xf32>
        %add3A_423 = arith.addf %mul3A_421, %mul3A_422 : vector<16xf32>
        %mul3A_424 = arith.constant 0.166666672 : f32
        %mul3A_425 = vector.broadcast %mul3A_424 : f32 to vector<16xf32>
        %mul3A_426 = arith.mulf %add3A_423, %mul3A_425 : vector<16xf32>
        %swap3A_427 = arith.index_cast %add3A_160 : i32 to index
        %swap3A_428 = arith.constant 48 : index
        %swap3A_429 = tpu.vector_load %arg11[%swap3A_427, %swap3A_428] {strides = array<i32>} : memref<64x64xf32, #tpu.memory_space<vmem>>, vector<16xf32>,
        tpu.vector_store %arg11[%swap3A_427, %swap3A_428], %mul3A_426 {strides = array<i32>} : memref<64x64xf32, #tpu.memory_space<vmem>>, vector<16xf32>,
        %add3A_430 = arith.constant 4 : i32
        %add3A_431 = arith.addi %add3A_160, %add3A_430 : i32
        %lt3A = arith.constant 64 : i32
        %lt3A_432 = arith.cmpi slt, %add3A_431, %lt3A : i32
        %convert_element_type3A_433 = arith.extui %lt3A_432 : i1 to i32
        %cond3A = arith.constant 0 : i32
        %cond3A_434 = arith.cmpi ne, %convert_element_type3A_433, %cond3A : i32
        scf.if %cond3A_434 {
          %add3A_1299 = arith.constant 4 : i32
          %add3A_1300 = arith.addi %add3A_160, %add3A_1299 : i32
          %dma_start3A_1301 = arith.constant 0 : i32
          %dma_start3A_1302 = arith.constant 0 : i32
          %dma_start3A_1303 = arith.constant 0 : i32
          %dma_start3A_1304 = tpu.memref_slice %arg10[%dma_start3A_1301, %dma_start3A_1302, %dma_start3A_1303] : memref<4x200x64xf32, #tpu.memory_space<vmem>> -> memref<1x128x64xf32, #tpu.memory_space<vmem>>
          %dma_start3A_1305 = tpu.memref_squeeze %dma_start3A_1304 : memref<1x128x64xf32, #tpu.memory_space<vmem>> -> memref<128x64xf32, #tpu.memory_space<vmem>>
          %dma_start3A_1306 = arith.constant 0 : i32
          %dma_start3A_1307 = tpu.memref_slice %arg8[%add3A_1300, %dma_start3A_1306] : memref<64x128xi32, #tpu.memory_space<vmem>> -> memref<1x128xi32, #tpu.memory_space<vmem>>
          %dma_start3A_1308 = tpu.memref_squeeze %dma_start3A_1307 : memref<1x128xi32, #tpu.memory_space<vmem>> -> memref<128xi32, #tpu.memory_space<vmem>>
          %dma_start3A_1309 = arith.constant 0 : i32
          %dma_start3A_1310 = arith.constant 0 : i32
          %dma_start3A_1311 = tpu.memref_slice %arg5[%dma_start3A_1309, %dma_start3A_1310] : memref<1000000x64xf32, #tpu.memory_space<hbm>> -> memref<1000000x64xf32, #tpu.memory_space<hbm>>
          tpu.enqueue_indirect_dma source(%dma_start3A_1311 : memref<1000000x64xf32, #tpu.memory_space<hbm>>) target(%dma_start3A_1305 : memref<128x64xf32, #tpu.memory_space<vmem>>) offsets(%dma_start3A_1308 : memref<128xi32, #tpu.memory_space<vmem>>) semaphore(%arg14 : memref<!tpu.dma_semaphore, #tpu.memory_space<semaphore_mem>>)
          %dma_start3A_1312 = arith.constant 0 : i32
          %dma_start3A_1313 = arith.constant 128 : i32
          %dma_start3A_1314 = arith.constant 0 : i32
          %dma_start3A_1315 = tpu.memref_slice %arg10[%dma_start3A_1312, %dma_start3A_1313, %dma_start3A_1314] : memref<4x200x64xf32, #tpu.memory_space<vmem>> -> memref<1x72x64xf32, #tpu.memory_space<vmem>>
          %dma_start3A_1316 = tpu.memref_squeeze %dma_start3A_1315 : memref<1x72x64xf32, #tpu.memory_space<vmem>> -> memref<72x64xf32, #tpu.memory_space<vmem>>
          %dma_start3A_1317 = arith.constant 0 : i32
          %dma_start3A_1318 = tpu.memref_slice %arg9[%add3A_1300, %dma_start3A_1317] : memref<64x128xi32, #tpu.memory_space<vmem>> -> memref<1x72xi32, #tpu.memory_space<vmem>>
          %dma_start3A_1319 = tpu.memref_squeeze %dma_start3A_1318 : memref<1x72xi32, #tpu.memory_space<vmem>> -> memref<72xi32, #tpu.memory_space<vmem>>
          %dma_start3A_1320 = arith.constant 0 : i32
          %dma_start3A_1321 = arith.constant 0 : i32
          %dma_start3A_1322 = tpu.memref_slice %arg5[%dma_start3A_1320, %dma_start3A_1321] : memref<1000000x64xf32, #tpu.memory_space<hbm>> -> memref<1000000x64xf32, #tpu.memory_space<hbm>>
          tpu.enqueue_indirect_dma source(%dma_start3A_1322 : memref<1000000x64xf32, #tpu.memory_space<hbm>>) target(%dma_start3A_1316 : memref<72x64xf32, #tpu.memory_space<vmem>>) offsets(%dma_start3A_1319 : memref<72xi32, #tpu.memory_space<vmem>>) semaphore(%arg14 : memref<!tpu.dma_semaphore, #tpu.memory_space<semaphore_mem>>)
        } else {
        }
        %add3A_435 = arith.constant 1 : i32
        %add3A_436 = arith.addi %add3A_158, %add3A_435 : i32
        %dma_wait3A_437 = arith.constant 1 : i32
        %dma_wait3A_438 = arith.constant 0 : i32
        %dma_wait3A_439 = arith.constant 0 : i32
        %dma_wait3A_440 = tpu.memref_slice %arg10[%dma_wait3A_437, %dma_wait3A_438, %dma_wait3A_439] : memref<4x200x64xf32, #tpu.memory_space<vmem>> -> memref<1x200x64xf32, #tpu.memory_space<vmem>>
        %dma_wait3A_441 = tpu.memref_squeeze %dma_wait3A_440 : memref<1x200x64xf32, #tpu.memory_space<vmem>> -> memref<200x64xf32, #tpu.memory_space<vmem>>
        %dma_wait3A_442 = arith.constant 0 : i32
        %dma_wait3A_443 = arith.constant 0 : i32
        %dma_wait3A_444 = tpu.memref_slice %arg5[%dma_wait3A_442, %dma_wait3A_443] : memref<1000000x64xf32, #tpu.memory_space<hbm>> -> memref<200x64xf32, #tpu.memory_space<hbm>>
        %dma_wait3A_445 = arith.constant 0 : i32
        %dma_wait3A_446 = arith.constant 0 : i32
        %dma_wait3A_447 = tpu.memref_slice %arg10[%dma_wait3A_437, %dma_wait3A_445, %dma_wait3A_446] : memref<4x200x64xf32, #tpu.memory_space<vmem>> -> memref<1x200x64xf32, #tpu.memory_space<vmem>>
        %dma_wait3A_448 = tpu.memref_squeeze %dma_wait3A_447 : memref<1x200x64xf32, #tpu.memory_space<vmem>> -> memref<200x64xf32, #tpu.memory_space<vmem>>
        %dma_wait3A_449 = arith.constant 0 : i32
        %dma_wait3A_450 = arith.constant 0 : i32
        %dma_wait3A_451 = tpu.memref_slice %arg5[%dma_wait3A_449, %dma_wait3A_450] : memref<1000000x64xf32, #tpu.memory_space<hbm>> -> memref<200x64xf32, #tpu.memory_space<hbm>>
        tpu.wait_dma2 semaphore(%arg15 : memref<!tpu.dma_semaphore, #tpu.memory_space<semaphore_mem>>) src(%dma_wait3A_451 : memref<200x64xf32, #tpu.memory_space<hbm>>) dst(%dma_wait3A_448 : memref<200x64xf32, #tpu.memory_space<vmem>>)
        %broadcast_in_dim3A_452 = arith.constant 0.000000e+00 : f32
        %broadcast_in_dim3A_453 = vector.broadcast %broadcast_in_dim3A_452 : f32 to vector<16xf32>
        %scan3A_454 = arith.constant 0 : i32
        %scan3A_455 = arith.constant 100 : i32
        %scan3A_456 = arith.addi %scan3A_454, %scan3A_455 : i32
        %scan3A_457 = arith.constant 1 : i32
        %scan3A_458:4 = scf.for %scan3A_1299 = %scan3A_454 to %scan3A_456 step %scan3A_457 iter_args(%scan3A_1300 = %broadcast_in_dim3A_453, %scan3A_1301 = %broadcast_in_dim3A_453, %scan3A_1302 = %broadcast_in_dim3A_453, %scan3A_1303 = %broadcast_in_dim3A_453) -> (vector<16xf32>, vector<16xf32>, vector<16xf32>, vector<16xf32>)  : i32 {
          %mul3A_1304 = arith.constant 2 : i32
          %mul3A_1305 = arith.muli %scan3A_1299, %mul3A_1304 : i32
          %add3A_1306 = arith.constant 0 : i32
          %add3A_1307 = arith.addi %add3A_1306, %mul3A_1305 : i32
          %add3A_1308 = arith.constant 0 : i32
          %add3A_1309 = arith.addi %add3A_1307, %add3A_1308 : i32
          %get3A = arith.constant 1 : i32
          %get3A_1310 = arith.index_cast %get3A : i32 to index
          %get3A_1311 = arith.index_cast %add3A_1309 : i32 to index
          %get3A_1312 = arith.constant 0 : index
          %get3A_1313 = tpu.vector_load %arg10[%get3A_1310, %get3A_1311, %get3A_1312] {strides = array<i32>} : memref<4x200x64xf32, #tpu.memory_space<vmem>>, vector<16xf32>,
          %mul3A_1314 = arith.constant 6.000000e+00 : f32
          %mul3A_1315 = vector.broadcast %mul3A_1314 : f32 to vector<16xf32>
          %mul3A_1316 = arith.mulf %get3A_1313, %mul3A_1315 : vector<16xf32>
          %exp3A = math.exp %mul3A_1316 : vector<16xf32>
          %add3A_1317 = arith.addf %scan3A_1300, %exp3A : vector<16xf32>
          %add3A_1318 = arith.constant 0 : i32
          %add3A_1319 = arith.addi %add3A_1307, %add3A_1318 : i32
          %get3A_1320 = arith.constant 1 : i32
          %get3A_1321 = arith.index_cast %get3A_1320 : i32 to index
          %get3A_1322 = arith.index_cast %add3A_1319 : i32 to index
          %get3A_1323 = arith.constant 16 : index
          %get3A_1324 = tpu.vector_load %arg10[%get3A_1321, %get3A_1322, %get3A_1323] {strides = array<i32>} : memref<4x200x64xf32, #tpu.memory_space<vmem>>, vector<16xf32>,
          %mul3A_1325 = arith.constant 6.000000e+00 : f32
          %mul3A_1326 = vector.broadcast %mul3A_1325 : f32 to vector<16xf32>
          %mul3A_1327 = arith.mulf %get3A_1324, %mul3A_1326 : vector<16xf32>
          %exp3A_1328 = math.exp %mul3A_1327 : vector<16xf32>
          %add3A_1329 = arith.addf %scan3A_1301, %exp3A_1328 : vector<16xf32>
          %add3A_1330 = arith.constant 0 : i32
          %add3A_1331 = arith.addi %add3A_1307, %add3A_1330 : i32
          %get3A_1332 = arith.constant 1 : i32
          %get3A_1333 = arith.index_cast %get3A_1332 : i32 to index
          %get3A_1334 = arith.index_cast %add3A_1331 : i32 to index
          %get3A_1335 = arith.constant 32 : index
          %get3A_1336 = tpu.vector_load %arg10[%get3A_1333, %get3A_1334, %get3A_1335] {strides = array<i32>} : memref<4x200x64xf32, #tpu.memory_space<vmem>>, vector<16xf32>,
          %mul3A_1337 = arith.constant 6.000000e+00 : f32
          %mul3A_1338 = vector.broadcast %mul3A_1337 : f32 to vector<16xf32>
          %mul3A_1339 = arith.mulf %get3A_1336, %mul3A_1338 : vector<16xf32>
          %exp3A_1340 = math.exp %mul3A_1339 : vector<16xf32>
          %add3A_1341 = arith.addf %scan3A_1302, %exp3A_1340 : vector<16xf32>
          %add3A_1342 = arith.constant 0 : i32
          %add3A_1343 = arith.addi %add3A_1307, %add3A_1342 : i32
          %get3A_1344 = arith.constant 1 : i32
          %get3A_1345 = arith.index_cast %get3A_1344 : i32 to index
          %get3A_1346 = arith.index_cast %add3A_1343 : i32 to index
          %get3A_1347 = arith.constant 48 : index
          %get3A_1348 = tpu.vector_load %arg10[%get3A_1345, %get3A_1346, %get3A_1347] {strides = array<i32>} : memref<4x200x64xf32, #tpu.memory_space<vmem>>, vector<16xf32>,
          %mul3A_1349 = arith.constant 6.000000e+00 : f32
          %mul3A_1350 = vector.broadcast %mul3A_1349 : f32 to vector<16xf32>
          %mul3A_1351 = arith.mulf %get3A_1348, %mul3A_1350 : vector<16xf32>
          %exp3A_1352 = math.exp %mul3A_1351 : vector<16xf32>
          %add3A_1353 = arith.addf %scan3A_1303, %exp3A_1352 : vector<16xf32>
          %add3A_1354 = arith.constant 1 : i32
          %add3A_1355 = arith.addi %add3A_1307, %add3A_1354 : i32
          %get3A_1356 = arith.constant 1 : i32
          %get3A_1357 = arith.index_cast %get3A_1356 : i32 to index
          %get3A_1358 = arith.index_cast %add3A_1355 : i32 to index
          %get3A_1359 = arith.constant 0 : index
          %get3A_1360 = tpu.vector_load %arg10[%get3A_1357, %get3A_1358, %get3A_1359] {strides = array<i32>} : memref<4x200x64xf32, #tpu.memory_space<vmem>>, vector<16xf32>,
          %mul3A_1361 = arith.constant 6.000000e+00 : f32
          %mul3A_1362 = vector.broadcast %mul3A_1361 : f32 to vector<16xf32>
          %mul3A_1363 = arith.mulf %get3A_1360, %mul3A_1362 : vector<16xf32>
          %exp3A_1364 = math.exp %mul3A_1363 : vector<16xf32>
          %add3A_1365 = arith.addf %add3A_1317, %exp3A_1364 : vector<16xf32>
          %add3A_1366 = arith.constant 1 : i32
          %add3A_1367 = arith.addi %add3A_1307, %add3A_1366 : i32
          %get3A_1368 = arith.constant 1 : i32
          %get3A_1369 = arith.index_cast %get3A_1368 : i32 to index
          %get3A_1370 = arith.index_cast %add3A_1367 : i32 to index
          %get3A_1371 = arith.constant 16 : index
          %get3A_1372 = tpu.vector_load %arg10[%get3A_1369, %get3A_1370, %get3A_1371] {strides = array<i32>} : memref<4x200x64xf32, #tpu.memory_space<vmem>>, vector<16xf32>,
          %mul3A_1373 = arith.constant 6.000000e+00 : f32
          %mul3A_1374 = vector.broadcast %mul3A_1373 : f32 to vector<16xf32>
          %mul3A_1375 = arith.mulf %get3A_1372, %mul3A_1374 : vector<16xf32>
          %exp3A_1376 = math.exp %mul3A_1375 : vector<16xf32>
          %add3A_1377 = arith.addf %add3A_1329, %exp3A_1376 : vector<16xf32>
          %add3A_1378 = arith.constant 1 : i32
          %add3A_1379 = arith.addi %add3A_1307, %add3A_1378 : i32
          %get3A_1380 = arith.constant 1 : i32
          %get3A_1381 = arith.index_cast %get3A_1380 : i32 to index
          %get3A_1382 = arith.index_cast %add3A_1379 : i32 to index
          %get3A_1383 = arith.constant 32 : index
          %get3A_1384 = tpu.vector_load %arg10[%get3A_1381, %get3A_1382, %get3A_1383] {strides = array<i32>} : memref<4x200x64xf32, #tpu.memory_space<vmem>>, vector<16xf32>,
          %mul3A_1385 = arith.constant 6.000000e+00 : f32
          %mul3A_1386 = vector.broadcast %mul3A_1385 : f32 to vector<16xf32>
          %mul3A_1387 = arith.mulf %get3A_1384, %mul3A_1386 : vector<16xf32>
          %exp3A_1388 = math.exp %mul3A_1387 : vector<16xf32>
          %add3A_1389 = arith.addf %add3A_1341, %exp3A_1388 : vector<16xf32>
          %add3A_1390 = arith.constant 1 : i32
          %add3A_1391 = arith.addi %add3A_1307, %add3A_1390 : i32
          %get3A_1392 = arith.constant 1 : i32
          %get3A_1393 = arith.index_cast %get3A_1392 : i32 to index
          %get3A_1394 = arith.index_cast %add3A_1391 : i32 to index
          %get3A_1395 = arith.constant 48 : index
          %get3A_1396 = tpu.vector_load %arg10[%get3A_1393, %get3A_1394, %get3A_1395] {strides = array<i32>} : memref<4x200x64xf32, #tpu.memory_space<vmem>>, vector<16xf32>,
          %mul3A_1397 = arith.constant 6.000000e+00 : f32
          %mul3A_1398 = vector.broadcast %mul3A_1397 : f32 to vector<16xf32>
          %mul3A_1399 = arith.mulf %get3A_1396, %mul3A_1398 : vector<16xf32>
          %exp3A_1400 = math.exp %mul3A_1399 : vector<16xf32>
          %add3A_1401 = arith.addf %add3A_1353, %exp3A_1400 : vector<16xf32>
          scf.yield %add3A_1365, %add3A_1377, %add3A_1389, %add3A_1401 : vector<16xf32>, vector<16xf32>, vector<16xf32>, vector<16xf32>
        }
        %scan3A_459 = arith.constant 100 : i32
        %bitcast3A_460 = vector.bitcast %scan3A_458#0 : vector<16xf32> to vector<16xi32>
        %shift_right_logical3A_461 = arith.constant 23 : i32
        %shift_right_logical3A_462 = vector.broadcast %shift_right_logical3A_461 : i32 to vector<16xi32>
        %shift_right_logical3A_463 = arith.shrui %bitcast3A_460, %shift_right_logical3A_462 : vector<16xi32>
        %sub3A_464 = arith.constant 127 : i32
        %sub3A_465 = vector.broadcast %sub3A_464 : i32 to vector<16xi32>
        %sub3A_466 = arith.subi %shift_right_logical3A_463, %sub3A_465 : vector<16xi32>
        %and3A_467 = arith.constant 8388607 : i32
        %and3A_468 = vector.broadcast %and3A_467 : i32 to vector<16xi32>
        %and3A_469 = arith.andi %bitcast3A_460, %and3A_468 : vector<16xi32>
        %or3A_470 = arith.constant 1065353216 : i32
        %or3A_471 = vector.broadcast %or3A_470 : i32 to vector<16xi32>
        %or3A_472 = arith.ori %and3A_469, %or3A_471 : vector<16xi32>
        %bitcast3A_473 = vector.bitcast %or3A_472 : vector<16xi32> to vector<16xf32>
        %ge3A_474 = arith.constant 1.41421354 : f32
        %ge3A_475 = vector.broadcast %ge3A_474 : f32 to vector<16xf32>
        %ge3A_476 = arith.cmpf oge, %bitcast3A_473, %ge3A_475 : vector<16xf32>
        %mul3A_477 = arith.constant 5.000000e-01 : f32
        %mul3A_478 = vector.broadcast %mul3A_477 : f32 to vector<16xf32>
        %mul3A_479 = arith.mulf %bitcast3A_473, %mul3A_478 : vector<16xf32>
        %select_n3A_480 = arith.select %ge3A_476, %mul3A_479, %bitcast3A_473 : vector<16xi1>, vector<16xf32>
        %convert_element_type3A_481 = arith.extui %ge3A_476 : vector<16xi1> to vector<16xi32>
        %add3A_482 = arith.addi %sub3A_466, %convert_element_type3A_481 : vector<16xi32>
        %convert_element_type3A_483 = arith.sitofp %add3A_482 : vector<16xi32> to vector<16xf32>
        %sub3A_484 = arith.constant 1.000000e+00 : f32
        %sub3A_485 = vector.broadcast %sub3A_484 : f32 to vector<16xf32>
        %sub3A_486 = arith.subf %select_n3A_480, %sub3A_485 : vector<16xf32>
        %mul3A_487 = arith.constant 0.117844276 : f32
        %mul3A_488 = vector.broadcast %mul3A_487 : f32 to vector<16xf32>
        %mul3A_489 = arith.mulf %mul3A_488, %sub3A_486 : vector<16xf32>
        %add3A_490 = arith.constant -0.184558347 : f32
        %add3A_491 = vector.broadcast %add3A_490 : f32 to vector<16xf32>
        %add3A_492 = arith.addf %mul3A_489, %add3A_491 : vector<16xf32>
        %mul3A_493 = arith.mulf %add3A_492, %sub3A_486 : vector<16xf32>
        %add3A_494 = arith.constant 0.2045542 : f32
        %add3A_495 = vector.broadcast %add3A_494 : f32 to vector<16xf32>
        %add3A_496 = arith.addf %mul3A_493, %add3A_495 : vector<16xf32>
        %mul3A_497 = arith.mulf %add3A_496, %sub3A_486 : vector<16xf32>
        %add3A_498 = arith.constant -0.249295041 : f32
        %add3A_499 = vector.broadcast %add3A_498 : f32 to vector<16xf32>
        %add3A_500 = arith.addf %mul3A_497, %add3A_499 : vector<16xf32>
        %mul3A_501 = arith.mulf %add3A_500, %sub3A_486 : vector<16xf32>
        %add3A_502 = arith.constant 0.333179325 : f32
        %add3A_503 = vector.broadcast %add3A_502 : f32 to vector<16xf32>
        %add3A_504 = arith.addf %mul3A_501, %add3A_503 : vector<16xf32>
        %mul3A_505 = arith.mulf %add3A_504, %sub3A_486 : vector<16xf32>
        %add3A_506 = arith.constant -0.500007331 : f32
        %add3A_507 = vector.broadcast %add3A_506 : f32 to vector<16xf32>
        %add3A_508 = arith.addf %mul3A_505, %add3A_507 : vector<16xf32>
        %mul3A_509 = arith.mulf %add3A_508, %sub3A_486 : vector<16xf32>
        %add3A_510 = arith.constant 1.00000072 : f32
        %add3A_511 = vector.broadcast %add3A_510 : f32 to vector<16xf32>
        %add3A_512 = arith.addf %mul3A_509, %add3A_511 : vector<16xf32>
        %mul3A_513 = arith.constant 0.693147182 : f32
        %mul3A_514 = vector.broadcast %mul3A_513 : f32 to vector<16xf32>
        %mul3A_515 = arith.mulf %convert_element_type3A_483, %mul3A_514 : vector<16xf32>
        %mul3A_516 = arith.mulf %sub3A_486, %add3A_512 : vector<16xf32>
        %add3A_517 = arith.addf %mul3A_515, %mul3A_516 : vector<16xf32>
        %mul3A_518 = arith.constant 0.166666672 : f32
        %mul3A_519 = vector.broadcast %mul3A_518 : f32 to vector<16xf32>
        %mul3A_520 = arith.mulf %add3A_517, %mul3A_519 : vector<16xf32>
        %swap3A_521 = arith.index_cast %add3A_436 : i32 to index
        %swap3A_522 = arith.constant 0 : index
        %swap3A_523 = tpu.vector_load %arg11[%swap3A_521, %swap3A_522] {strides = array<i32>} : memref<64x64xf32, #tpu.memory_space<vmem>>, vector<16xf32>,
        tpu.vector_store %arg11[%swap3A_521, %swap3A_522], %mul3A_520 {strides = array<i32>} : memref<64x64xf32, #tpu.memory_space<vmem>>, vector<16xf32>,
        %bitcast3A_524 = vector.bitcast %scan3A_458#1 : vector<16xf32> to vector<16xi32>
        %shift_right_logical3A_525 = arith.constant 23 : i32
        %shift_right_logical3A_526 = vector.broadcast %shift_right_logical3A_525 : i32 to vector<16xi32>
        %shift_right_logical3A_527 = arith.shrui %bitcast3A_524, %shift_right_logical3A_526 : vector<16xi32>
        %sub3A_528 = arith.constant 127 : i32
        %sub3A_529 = vector.broadcast %sub3A_528 : i32 to vector<16xi32>
        %sub3A_530 = arith.subi %shift_right_logical3A_527, %sub3A_529 : vector<16xi32>
        %and3A_531 = arith.constant 8388607 : i32
        %and3A_532 = vector.broadcast %and3A_531 : i32 to vector<16xi32>
        %and3A_533 = arith.andi %bitcast3A_524, %and3A_532 : vector<16xi32>
        %or3A_534 = arith.constant 1065353216 : i32
        %or3A_535 = vector.broadcast %or3A_534 : i32 to vector<16xi32>
        %or3A_536 = arith.ori %and3A_533, %or3A_535 : vector<16xi32>
        %bitcast3A_537 = vector.bitcast %or3A_536 : vector<16xi32> to vector<16xf32>
        %ge3A_538 = arith.constant 1.41421354 : f32
        %ge3A_539 = vector.broadcast %ge3A_538 : f32 to vector<16xf32>
        %ge3A_540 = arith.cmpf oge, %bitcast3A_537, %ge3A_539 : vector<16xf32>
        %mul3A_541 = arith.constant 5.000000e-01 : f32
        %mul3A_542 = vector.broadcast %mul3A_541 : f32 to vector<16xf32>
        %mul3A_543 = arith.mulf %bitcast3A_537, %mul3A_542 : vector<16xf32>
        %select_n3A_544 = arith.select %ge3A_540, %mul3A_543, %bitcast3A_537 : vector<16xi1>, vector<16xf32>
        %convert_element_type3A_545 = arith.extui %ge3A_540 : vector<16xi1> to vector<16xi32>
        %add3A_546 = arith.addi %sub3A_530, %convert_element_type3A_545 : vector<16xi32>
        %convert_element_type3A_547 = arith.sitofp %add3A_546 : vector<16xi32> to vector<16xf32>
        %sub3A_548 = arith.constant 1.000000e+00 : f32
        %sub3A_549 = vector.broadcast %sub3A_548 : f32 to vector<16xf32>
        %sub3A_550 = arith.subf %select_n3A_544, %sub3A_549 : vector<16xf32>
        %mul3A_551 = arith.constant 0.117844276 : f32
        %mul3A_552 = vector.broadcast %mul3A_551 : f32 to vector<16xf32>
        %mul3A_553 = arith.mulf %mul3A_552, %sub3A_550 : vector<16xf32>
        %add3A_554 = arith.constant -0.184558347 : f32
        %add3A_555 = vector.broadcast %add3A_554 : f32 to vector<16xf32>
        %add3A_556 = arith.addf %mul3A_553, %add3A_555 : vector<16xf32>
        %mul3A_557 = arith.mulf %add3A_556, %sub3A_550 : vector<16xf32>
        %add3A_558 = arith.constant 0.2045542 : f32
        %add3A_559 = vector.broadcast %add3A_558 : f32 to vector<16xf32>
        %add3A_560 = arith.addf %mul3A_557, %add3A_559 : vector<16xf32>
        %mul3A_561 = arith.mulf %add3A_560, %sub3A_550 : vector<16xf32>
        %add3A_562 = arith.constant -0.249295041 : f32
        %add3A_563 = vector.broadcast %add3A_562 : f32 to vector<16xf32>
        %add3A_564 = arith.addf %mul3A_561, %add3A_563 : vector<16xf32>
        %mul3A_565 = arith.mulf %add3A_564, %sub3A_550 : vector<16xf32>
        %add3A_566 = arith.constant 0.333179325 : f32
        %add3A_567 = vector.broadcast %add3A_566 : f32 to vector<16xf32>
        %add3A_568 = arith.addf %mul3A_565, %add3A_567 : vector<16xf32>
        %mul3A_569 = arith.mulf %add3A_568, %sub3A_550 : vector<16xf32>
        %add3A_570 = arith.constant -0.500007331 : f32
        %add3A_571 = vector.broadcast %add3A_570 : f32 to vector<16xf32>
        %add3A_572 = arith.addf %mul3A_569, %add3A_571 : vector<16xf32>
        %mul3A_573 = arith.mulf %add3A_572, %sub3A_550 : vector<16xf32>
        %add3A_574 = arith.constant 1.00000072 : f32
        %add3A_575 = vector.broadcast %add3A_574 : f32 to vector<16xf32>
        %add3A_576 = arith.addf %mul3A_573, %add3A_575 : vector<16xf32>
        %mul3A_577 = arith.constant 0.693147182 : f32
        %mul3A_578 = vector.broadcast %mul3A_577 : f32 to vector<16xf32>
        %mul3A_579 = arith.mulf %convert_element_type3A_547, %mul3A_578 : vector<16xf32>
        %mul3A_580 = arith.mulf %sub3A_550, %add3A_576 : vector<16xf32>
        %add3A_581 = arith.addf %mul3A_579, %mul3A_580 : vector<16xf32>
        %mul3A_582 = arith.constant 0.166666672 : f32
        %mul3A_583 = vector.broadcast %mul3A_582 : f32 to vector<16xf32>
        %mul3A_584 = arith.mulf %add3A_581, %mul3A_583 : vector<16xf32>
        %swap3A_585 = arith.index_cast %add3A_436 : i32 to index
        %swap3A_586 = arith.constant 16 : index
        %swap3A_587 = tpu.vector_load %arg11[%swap3A_585, %swap3A_586] {strides = array<i32>} : memref<64x64xf32, #tpu.memory_space<vmem>>, vector<16xf32>,
        tpu.vector_store %arg11[%swap3A_585, %swap3A_586], %mul3A_584 {strides = array<i32>} : memref<64x64xf32, #tpu.memory_space<vmem>>, vector<16xf32>,
        %bitcast3A_588 = vector.bitcast %scan3A_458#2 : vector<16xf32> to vector<16xi32>
        %shift_right_logical3A_589 = arith.constant 23 : i32
        %shift_right_logical3A_590 = vector.broadcast %shift_right_logical3A_589 : i32 to vector<16xi32>
        %shift_right_logical3A_591 = arith.shrui %bitcast3A_588, %shift_right_logical3A_590 : vector<16xi32>
        %sub3A_592 = arith.constant 127 : i32
        %sub3A_593 = vector.broadcast %sub3A_592 : i32 to vector<16xi32>
        %sub3A_594 = arith.subi %shift_right_logical3A_591, %sub3A_593 : vector<16xi32>
        %and3A_595 = arith.constant 8388607 : i32
        %and3A_596 = vector.broadcast %and3A_595 : i32 to vector<16xi32>
        %and3A_597 = arith.andi %bitcast3A_588, %and3A_596 : vector<16xi32>
        %or3A_598 = arith.constant 1065353216 : i32
        %or3A_599 = vector.broadcast %or3A_598 : i32 to vector<16xi32>
        %or3A_600 = arith.ori %and3A_597, %or3A_599 : vector<16xi32>
        %bitcast3A_601 = vector.bitcast %or3A_600 : vector<16xi32> to vector<16xf32>
        %ge3A_602 = arith.constant 1.41421354 : f32
        %ge3A_603 = vector.broadcast %ge3A_602 : f32 to vector<16xf32>
        %ge3A_604 = arith.cmpf oge, %bitcast3A_601, %ge3A_603 : vector<16xf32>
        %mul3A_605 = arith.constant 5.000000e-01 : f32
        %mul3A_606 = vector.broadcast %mul3A_605 : f32 to vector<16xf32>
        %mul3A_607 = arith.mulf %bitcast3A_601, %mul3A_606 : vector<16xf32>
        %select_n3A_608 = arith.select %ge3A_604, %mul3A_607, %bitcast3A_601 : vector<16xi1>, vector<16xf32>
        %convert_element_type3A_609 = arith.extui %ge3A_604 : vector<16xi1> to vector<16xi32>
        %add3A_610 = arith.addi %sub3A_594, %convert_element_type3A_609 : vector<16xi32>
        %convert_element_type3A_611 = arith.sitofp %add3A_610 : vector<16xi32> to vector<16xf32>
        %sub3A_612 = arith.constant 1.000000e+00 : f32
        %sub3A_613 = vector.broadcast %sub3A_612 : f32 to vector<16xf32>
        %sub3A_614 = arith.subf %select_n3A_608, %sub3A_613 : vector<16xf32>
        %mul3A_615 = arith.constant 0.117844276 : f32
        %mul3A_616 = vector.broadcast %mul3A_615 : f32 to vector<16xf32>
        %mul3A_617 = arith.mulf %mul3A_616, %sub3A_614 : vector<16xf32>
        %add3A_618 = arith.constant -0.184558347 : f32
        %add3A_619 = vector.broadcast %add3A_618 : f32 to vector<16xf32>
        %add3A_620 = arith.addf %mul3A_617, %add3A_619 : vector<16xf32>
        %mul3A_621 = arith.mulf %add3A_620, %sub3A_614 : vector<16xf32>
        %add3A_622 = arith.constant 0.2045542 : f32
        %add3A_623 = vector.broadcast %add3A_622 : f32 to vector<16xf32>
        %add3A_624 = arith.addf %mul3A_621, %add3A_623 : vector<16xf32>
        %mul3A_625 = arith.mulf %add3A_624, %sub3A_614 : vector<16xf32>
        %add3A_626 = arith.constant -0.249295041 : f32
        %add3A_627 = vector.broadcast %add3A_626 : f32 to vector<16xf32>
        %add3A_628 = arith.addf %mul3A_625, %add3A_627 : vector<16xf32>
        %mul3A_629 = arith.mulf %add3A_628, %sub3A_614 : vector<16xf32>
        %add3A_630 = arith.constant 0.333179325 : f32
        %add3A_631 = vector.broadcast %add3A_630 : f32 to vector<16xf32>
        %add3A_632 = arith.addf %mul3A_629, %add3A_631 : vector<16xf32>
        %mul3A_633 = arith.mulf %add3A_632, %sub3A_614 : vector<16xf32>
        %add3A_634 = arith.constant -0.500007331 : f32
        %add3A_635 = vector.broadcast %add3A_634 : f32 to vector<16xf32>
        %add3A_636 = arith.addf %mul3A_633, %add3A_635 : vector<16xf32>
        %mul3A_637 = arith.mulf %add3A_636, %sub3A_614 : vector<16xf32>
        %add3A_638 = arith.constant 1.00000072 : f32
        %add3A_639 = vector.broadcast %add3A_638 : f32 to vector<16xf32>
        %add3A_640 = arith.addf %mul3A_637, %add3A_639 : vector<16xf32>
        %mul3A_641 = arith.constant 0.693147182 : f32
        %mul3A_642 = vector.broadcast %mul3A_641 : f32 to vector<16xf32>
        %mul3A_643 = arith.mulf %convert_element_type3A_611, %mul3A_642 : vector<16xf32>
        %mul3A_644 = arith.mulf %sub3A_614, %add3A_640 : vector<16xf32>
        %add3A_645 = arith.addf %mul3A_643, %mul3A_644 : vector<16xf32>
        %mul3A_646 = arith.constant 0.166666672 : f32
        %mul3A_647 = vector.broadcast %mul3A_646 : f32 to vector<16xf32>
        %mul3A_648 = arith.mulf %add3A_645, %mul3A_647 : vector<16xf32>
        %swap3A_649 = arith.index_cast %add3A_436 : i32 to index
        %swap3A_650 = arith.constant 32 : index
        %swap3A_651 = tpu.vector_load %arg11[%swap3A_649, %swap3A_650] {strides = array<i32>} : memref<64x64xf32, #tpu.memory_space<vmem>>, vector<16xf32>,
        tpu.vector_store %arg11[%swap3A_649, %swap3A_650], %mul3A_648 {strides = array<i32>} : memref<64x64xf32, #tpu.memory_space<vmem>>, vector<16xf32>,
        %bitcast3A_652 = vector.bitcast %scan3A_458#3 : vector<16xf32> to vector<16xi32>
        %shift_right_logical3A_653 = arith.constant 23 : i32
        %shift_right_logical3A_654 = vector.broadcast %shift_right_logical3A_653 : i32 to vector<16xi32>
        %shift_right_logical3A_655 = arith.shrui %bitcast3A_652, %shift_right_logical3A_654 : vector<16xi32>
        %sub3A_656 = arith.constant 127 : i32
        %sub3A_657 = vector.broadcast %sub3A_656 : i32 to vector<16xi32>
        %sub3A_658 = arith.subi %shift_right_logical3A_655, %sub3A_657 : vector<16xi32>
        %and3A_659 = arith.constant 8388607 : i32
        %and3A_660 = vector.broadcast %and3A_659 : i32 to vector<16xi32>
        %and3A_661 = arith.andi %bitcast3A_652, %and3A_660 : vector<16xi32>
        %or3A_662 = arith.constant 1065353216 : i32
        %or3A_663 = vector.broadcast %or3A_662 : i32 to vector<16xi32>
        %or3A_664 = arith.ori %and3A_661, %or3A_663 : vector<16xi32>
        %bitcast3A_665 = vector.bitcast %or3A_664 : vector<16xi32> to vector<16xf32>
        %ge3A_666 = arith.constant 1.41421354 : f32
        %ge3A_667 = vector.broadcast %ge3A_666 : f32 to vector<16xf32>
        %ge3A_668 = arith.cmpf oge, %bitcast3A_665, %ge3A_667 : vector<16xf32>
        %mul3A_669 = arith.constant 5.000000e-01 : f32
        %mul3A_670 = vector.broadcast %mul3A_669 : f32 to vector<16xf32>
        %mul3A_671 = arith.mulf %bitcast3A_665, %mul3A_670 : vector<16xf32>
        %select_n3A_672 = arith.select %ge3A_668, %mul3A_671, %bitcast3A_665 : vector<16xi1>, vector<16xf32>
        %convert_element_type3A_673 = arith.extui %ge3A_668 : vector<16xi1> to vector<16xi32>
        %add3A_674 = arith.addi %sub3A_658, %convert_element_type3A_673 : vector<16xi32>
        %convert_element_type3A_675 = arith.sitofp %add3A_674 : vector<16xi32> to vector<16xf32>
        %sub3A_676 = arith.constant 1.000000e+00 : f32
        %sub3A_677 = vector.broadcast %sub3A_676 : f32 to vector<16xf32>
        %sub3A_678 = arith.subf %select_n3A_672, %sub3A_677 : vector<16xf32>
        %mul3A_679 = arith.constant 0.117844276 : f32
        %mul3A_680 = vector.broadcast %mul3A_679 : f32 to vector<16xf32>
        %mul3A_681 = arith.mulf %mul3A_680, %sub3A_678 : vector<16xf32>
        %add3A_682 = arith.constant -0.184558347 : f32
        %add3A_683 = vector.broadcast %add3A_682 : f32 to vector<16xf32>
        %add3A_684 = arith.addf %mul3A_681, %add3A_683 : vector<16xf32>
        %mul3A_685 = arith.mulf %add3A_684, %sub3A_678 : vector<16xf32>
        %add3A_686 = arith.constant 0.2045542 : f32
        %add3A_687 = vector.broadcast %add3A_686 : f32 to vector<16xf32>
        %add3A_688 = arith.addf %mul3A_685, %add3A_687 : vector<16xf32>
        %mul3A_689 = arith.mulf %add3A_688, %sub3A_678 : vector<16xf32>
        %add3A_690 = arith.constant -0.249295041 : f32
        %add3A_691 = vector.broadcast %add3A_690 : f32 to vector<16xf32>
        %add3A_692 = arith.addf %mul3A_689, %add3A_691 : vector<16xf32>
        %mul3A_693 = arith.mulf %add3A_692, %sub3A_678 : vector<16xf32>
        %add3A_694 = arith.constant 0.333179325 : f32
        %add3A_695 = vector.broadcast %add3A_694 : f32 to vector<16xf32>
        %add3A_696 = arith.addf %mul3A_693, %add3A_695 : vector<16xf32>
        %mul3A_697 = arith.mulf %add3A_696, %sub3A_678 : vector<16xf32>
        %add3A_698 = arith.constant -0.500007331 : f32
        %add3A_699 = vector.broadcast %add3A_698 : f32 to vector<16xf32>
        %add3A_700 = arith.addf %mul3A_697, %add3A_699 : vector<16xf32>
        %mul3A_701 = arith.mulf %add3A_700, %sub3A_678 : vector<16xf32>
        %add3A_702 = arith.constant 1.00000072 : f32
        %add3A_703 = vector.broadcast %add3A_702 : f32 to vector<16xf32>
        %add3A_704 = arith.addf %mul3A_701, %add3A_703 : vector<16xf32>
        %mul3A_705 = arith.constant 0.693147182 : f32
        %mul3A_706 = vector.broadcast %mul3A_705 : f32 to vector<16xf32>
        %mul3A_707 = arith.mulf %convert_element_type3A_675, %mul3A_706 : vector<16xf32>
        %mul3A_708 = arith.mulf %sub3A_678, %add3A_704 : vector<16xf32>
        %add3A_709 = arith.addf %mul3A_707, %mul3A_708 : vector<16xf32>
        %mul3A_710 = arith.constant 0.166666672 : f32
        %mul3A_711 = vector.broadcast %mul3A_710 : f32 to vector<16xf32>
        %mul3A_712 = arith.mulf %add3A_709, %mul3A_711 : vector<16xf32>
        %swap3A_713 = arith.index_cast %add3A_436 : i32 to index
        %swap3A_714 = arith.constant 48 : index
        %swap3A_715 = tpu.vector_load %arg11[%swap3A_713, %swap3A_714] {strides = array<i32>} : memref<64x64xf32, #tpu.memory_space<vmem>>, vector<16xf32>,
        tpu.vector_store %arg11[%swap3A_713, %swap3A_714], %mul3A_712 {strides = array<i32>} : memref<64x64xf32, #tpu.memory_space<vmem>>, vector<16xf32>,
        %add3A_716 = arith.constant 4 : i32
        %add3A_717 = arith.addi %add3A_436, %add3A_716 : i32
        %lt3A_718 = arith.constant 64 : i32
        %lt3A_719 = arith.cmpi slt, %add3A_717, %lt3A_718 : i32
        %convert_element_type3A_720 = arith.extui %lt3A_719 : i1 to i32
        %cond3A_721 = arith.constant 0 : i32
        %cond3A_722 = arith.cmpi ne, %convert_element_type3A_720, %cond3A_721 : i32
        scf.if %cond3A_722 {
          %add3A_1299 = arith.constant 4 : i32
          %add3A_1300 = arith.addi %add3A_436, %add3A_1299 : i32
          %dma_start3A_1301 = arith.constant 1 : i32
          %dma_start3A_1302 = arith.constant 0 : i32
          %dma_start3A_1303 = arith.constant 0 : i32
          %dma_start3A_1304 = tpu.memref_slice %arg10[%dma_start3A_1301, %dma_start3A_1302, %dma_start3A_1303] : memref<4x200x64xf32, #tpu.memory_space<vmem>> -> memref<1x128x64xf32, #tpu.memory_space<vmem>>
          %dma_start3A_1305 = tpu.memref_squeeze %dma_start3A_1304 : memref<1x128x64xf32, #tpu.memory_space<vmem>> -> memref<128x64xf32, #tpu.memory_space<vmem>>
          %dma_start3A_1306 = arith.constant 0 : i32
          %dma_start3A_1307 = tpu.memref_slice %arg8[%add3A_1300, %dma_start3A_1306] : memref<64x128xi32, #tpu.memory_space<vmem>> -> memref<1x128xi32, #tpu.memory_space<vmem>>
          %dma_start3A_1308 = tpu.memref_squeeze %dma_start3A_1307 : memref<1x128xi32, #tpu.memory_space<vmem>> -> memref<128xi32, #tpu.memory_space<vmem>>
          %dma_start3A_1309 = arith.constant 0 : i32
          %dma_start3A_1310 = arith.constant 0 : i32
          %dma_start3A_1311 = tpu.memref_slice %arg5[%dma_start3A_1309, %dma_start3A_1310] : memref<1000000x64xf32, #tpu.memory_space<hbm>> -> memref<1000000x64xf32, #tpu.memory_space<hbm>>
          tpu.enqueue_indirect_dma source(%dma_start3A_1311 : memref<1000000x64xf32, #tpu.memory_space<hbm>>) target(%dma_start3A_1305 : memref<128x64xf32, #tpu.memory_space<vmem>>) offsets(%dma_start3A_1308 : memref<128xi32, #tpu.memory_space<vmem>>) semaphore(%arg15 : memref<!tpu.dma_semaphore, #tpu.memory_space<semaphore_mem>>)
          %dma_start3A_1312 = arith.constant 1 : i32
          %dma_start3A_1313 = arith.constant 128 : i32
          %dma_start3A_1314 = arith.constant 0 : i32
          %dma_start3A_1315 = tpu.memref_slice %arg10[%dma_start3A_1312, %dma_start3A_1313, %dma_start3A_1314] : memref<4x200x64xf32, #tpu.memory_space<vmem>> -> memref<1x72x64xf32, #tpu.memory_space<vmem>>
          %dma_start3A_1316 = tpu.memref_squeeze %dma_start3A_1315 : memref<1x72x64xf32, #tpu.memory_space<vmem>> -> memref<72x64xf32, #tpu.memory_space<vmem>>
          %dma_start3A_1317 = arith.constant 0 : i32
          %dma_start3A_1318 = tpu.memref_slice %arg9[%add3A_1300, %dma_start3A_1317] : memref<64x128xi32, #tpu.memory_space<vmem>> -> memref<1x72xi32, #tpu.memory_space<vmem>>
          %dma_start3A_1319 = tpu.memref_squeeze %dma_start3A_1318 : memref<1x72xi32, #tpu.memory_space<vmem>> -> memref<72xi32, #tpu.memory_space<vmem>>
          %dma_start3A_1320 = arith.constant 0 : i32
          %dma_start3A_1321 = arith.constant 0 : i32
          %dma_start3A_1322 = tpu.memref_slice %arg5[%dma_start3A_1320, %dma_start3A_1321] : memref<1000000x64xf32, #tpu.memory_space<hbm>> -> memref<1000000x64xf32, #tpu.memory_space<hbm>>
          tpu.enqueue_indirect_dma source(%dma_start3A_1322 : memref<1000000x64xf32, #tpu.memory_space<hbm>>) target(%dma_start3A_1316 : memref<72x64xf32, #tpu.memory_space<vmem>>) offsets(%dma_start3A_1319 : memref<72xi32, #tpu.memory_space<vmem>>) semaphore(%arg15 : memref<!tpu.dma_semaphore, #tpu.memory_space<semaphore_mem>>)
        } else {
        }
        %add3A_723 = arith.constant 2 : i32
        %add3A_724 = arith.addi %add3A_158, %add3A_723 : i32
        %dma_wait3A_725 = arith.constant 2 : i32
        %dma_wait3A_726 = arith.constant 0 : i32
        %dma_wait3A_727 = arith.constant 0 : i32
        %dma_wait3A_728 = tpu.memref_slice %arg10[%dma_wait3A_725, %dma_wait3A_726, %dma_wait3A_727] : memref<4x200x64xf32, #tpu.memory_space<vmem>> -> memref<1x200x64xf32, #tpu.memory_space<vmem>>
        %dma_wait3A_729 = tpu.memref_squeeze %dma_wait3A_728 : memref<1x200x64xf32, #tpu.memory_space<vmem>> -> memref<200x64xf32, #tpu.memory_space<vmem>>
        %dma_wait3A_730 = arith.constant 0 : i32
        %dma_wait3A_731 = arith.constant 0 : i32
        %dma_wait3A_732 = tpu.memref_slice %arg5[%dma_wait3A_730, %dma_wait3A_731] : memref<1000000x64xf32, #tpu.memory_space<hbm>> -> memref<200x64xf32, #tpu.memory_space<hbm>>
        %dma_wait3A_733 = arith.constant 0 : i32
        %dma_wait3A_734 = arith.constant 0 : i32
        %dma_wait3A_735 = tpu.memref_slice %arg10[%dma_wait3A_725, %dma_wait3A_733, %dma_wait3A_734] : memref<4x200x64xf32, #tpu.memory_space<vmem>> -> memref<1x200x64xf32, #tpu.memory_space<vmem>>
        %dma_wait3A_736 = tpu.memref_squeeze %dma_wait3A_735 : memref<1x200x64xf32, #tpu.memory_space<vmem>> -> memref<200x64xf32, #tpu.memory_space<vmem>>
        %dma_wait3A_737 = arith.constant 0 : i32
        %dma_wait3A_738 = arith.constant 0 : i32
        %dma_wait3A_739 = tpu.memref_slice %arg5[%dma_wait3A_737, %dma_wait3A_738] : memref<1000000x64xf32, #tpu.memory_space<hbm>> -> memref<200x64xf32, #tpu.memory_space<hbm>>
        tpu.wait_dma2 semaphore(%arg16 : memref<!tpu.dma_semaphore, #tpu.memory_space<semaphore_mem>>) src(%dma_wait3A_739 : memref<200x64xf32, #tpu.memory_space<hbm>>) dst(%dma_wait3A_736 : memref<200x64xf32, #tpu.memory_space<vmem>>)
        %broadcast_in_dim3A_740 = arith.constant 0.000000e+00 : f32
        %broadcast_in_dim3A_741 = vector.broadcast %broadcast_in_dim3A_740 : f32 to vector<16xf32>
        %scan3A_742 = arith.constant 0 : i32
        %scan3A_743 = arith.constant 100 : i32
        %scan3A_744 = arith.addi %scan3A_742, %scan3A_743 : i32
        %scan3A_745 = arith.constant 1 : i32
        %scan3A_746:4 = scf.for %scan3A_1299 = %scan3A_742 to %scan3A_744 step %scan3A_745 iter_args(%scan3A_1300 = %broadcast_in_dim3A_741, %scan3A_1301 = %broadcast_in_dim3A_741, %scan3A_1302 = %broadcast_in_dim3A_741, %scan3A_1303 = %broadcast_in_dim3A_741) -> (vector<16xf32>, vector<16xf32>, vector<16xf32>, vector<16xf32>)  : i32 {
          %mul3A_1304 = arith.constant 2 : i32
          %mul3A_1305 = arith.muli %scan3A_1299, %mul3A_1304 : i32
          %add3A_1306 = arith.constant 0 : i32
          %add3A_1307 = arith.addi %add3A_1306, %mul3A_1305 : i32
          %add3A_1308 = arith.constant 0 : i32
          %add3A_1309 = arith.addi %add3A_1307, %add3A_1308 : i32
          %get3A = arith.constant 2 : i32
          %get3A_1310 = arith.index_cast %get3A : i32 to index
          %get3A_1311 = arith.index_cast %add3A_1309 : i32 to index
          %get3A_1312 = arith.constant 0 : index
          %get3A_1313 = tpu.vector_load %arg10[%get3A_1310, %get3A_1311, %get3A_1312] {strides = array<i32>} : memref<4x200x64xf32, #tpu.memory_space<vmem>>, vector<16xf32>,
          %mul3A_1314 = arith.constant 6.000000e+00 : f32
          %mul3A_1315 = vector.broadcast %mul3A_1314 : f32 to vector<16xf32>
          %mul3A_1316 = arith.mulf %get3A_1313, %mul3A_1315 : vector<16xf32>
          %exp3A = math.exp %mul3A_1316 : vector<16xf32>
          %add3A_1317 = arith.addf %scan3A_1300, %exp3A : vector<16xf32>
          %add3A_1318 = arith.constant 0 : i32
          %add3A_1319 = arith.addi %add3A_1307, %add3A_1318 : i32
          %get3A_1320 = arith.constant 2 : i32
          %get3A_1321 = arith.index_cast %get3A_1320 : i32 to index
          %get3A_1322 = arith.index_cast %add3A_1319 : i32 to index
          %get3A_1323 = arith.constant 16 : index
          %get3A_1324 = tpu.vector_load %arg10[%get3A_1321, %get3A_1322, %get3A_1323] {strides = array<i32>} : memref<4x200x64xf32, #tpu.memory_space<vmem>>, vector<16xf32>,
          %mul3A_1325 = arith.constant 6.000000e+00 : f32
          %mul3A_1326 = vector.broadcast %mul3A_1325 : f32 to vector<16xf32>
          %mul3A_1327 = arith.mulf %get3A_1324, %mul3A_1326 : vector<16xf32>
          %exp3A_1328 = math.exp %mul3A_1327 : vector<16xf32>
          %add3A_1329 = arith.addf %scan3A_1301, %exp3A_1328 : vector<16xf32>
          %add3A_1330 = arith.constant 0 : i32
          %add3A_1331 = arith.addi %add3A_1307, %add3A_1330 : i32
          %get3A_1332 = arith.constant 2 : i32
          %get3A_1333 = arith.index_cast %get3A_1332 : i32 to index
          %get3A_1334 = arith.index_cast %add3A_1331 : i32 to index
          %get3A_1335 = arith.constant 32 : index
          %get3A_1336 = tpu.vector_load %arg10[%get3A_1333, %get3A_1334, %get3A_1335] {strides = array<i32>} : memref<4x200x64xf32, #tpu.memory_space<vmem>>, vector<16xf32>,
          %mul3A_1337 = arith.constant 6.000000e+00 : f32
          %mul3A_1338 = vector.broadcast %mul3A_1337 : f32 to vector<16xf32>
          %mul3A_1339 = arith.mulf %get3A_1336, %mul3A_1338 : vector<16xf32>
          %exp3A_1340 = math.exp %mul3A_1339 : vector<16xf32>
          %add3A_1341 = arith.addf %scan3A_1302, %exp3A_1340 : vector<16xf32>
          %add3A_1342 = arith.constant 0 : i32
          %add3A_1343 = arith.addi %add3A_1307, %add3A_1342 : i32
          %get3A_1344 = arith.constant 2 : i32
          %get3A_1345 = arith.index_cast %get3A_1344 : i32 to index
          %get3A_1346 = arith.index_cast %add3A_1343 : i32 to index
          %get3A_1347 = arith.constant 48 : index
          %get3A_1348 = tpu.vector_load %arg10[%get3A_1345, %get3A_1346, %get3A_1347] {strides = array<i32>} : memref<4x200x64xf32, #tpu.memory_space<vmem>>, vector<16xf32>,
          %mul3A_1349 = arith.constant 6.000000e+00 : f32
          %mul3A_1350 = vector.broadcast %mul3A_1349 : f32 to vector<16xf32>
          %mul3A_1351 = arith.mulf %get3A_1348, %mul3A_1350 : vector<16xf32>
          %exp3A_1352 = math.exp %mul3A_1351 : vector<16xf32>
          %add3A_1353 = arith.addf %scan3A_1303, %exp3A_1352 : vector<16xf32>
          %add3A_1354 = arith.constant 1 : i32
          %add3A_1355 = arith.addi %add3A_1307, %add3A_1354 : i32
          %get3A_1356 = arith.constant 2 : i32
          %get3A_1357 = arith.index_cast %get3A_1356 : i32 to index
          %get3A_1358 = arith.index_cast %add3A_1355 : i32 to index
          %get3A_1359 = arith.constant 0 : index
          %get3A_1360 = tpu.vector_load %arg10[%get3A_1357, %get3A_1358, %get3A_1359] {strides = array<i32>} : memref<4x200x64xf32, #tpu.memory_space<vmem>>, vector<16xf32>,
          %mul3A_1361 = arith.constant 6.000000e+00 : f32
          %mul3A_1362 = vector.broadcast %mul3A_1361 : f32 to vector<16xf32>
          %mul3A_1363 = arith.mulf %get3A_1360, %mul3A_1362 : vector<16xf32>
          %exp3A_1364 = math.exp %mul3A_1363 : vector<16xf32>
          %add3A_1365 = arith.addf %add3A_1317, %exp3A_1364 : vector<16xf32>
          %add3A_1366 = arith.constant 1 : i32
          %add3A_1367 = arith.addi %add3A_1307, %add3A_1366 : i32
          %get3A_1368 = arith.constant 2 : i32
          %get3A_1369 = arith.index_cast %get3A_1368 : i32 to index
          %get3A_1370 = arith.index_cast %add3A_1367 : i32 to index
          %get3A_1371 = arith.constant 16 : index
          %get3A_1372 = tpu.vector_load %arg10[%get3A_1369, %get3A_1370, %get3A_1371] {strides = array<i32>} : memref<4x200x64xf32, #tpu.memory_space<vmem>>, vector<16xf32>,
          %mul3A_1373 = arith.constant 6.000000e+00 : f32
          %mul3A_1374 = vector.broadcast %mul3A_1373 : f32 to vector<16xf32>
          %mul3A_1375 = arith.mulf %get3A_1372, %mul3A_1374 : vector<16xf32>
          %exp3A_1376 = math.exp %mul3A_1375 : vector<16xf32>
          %add3A_1377 = arith.addf %add3A_1329, %exp3A_1376 : vector<16xf32>
          %add3A_1378 = arith.constant 1 : i32
          %add3A_1379 = arith.addi %add3A_1307, %add3A_1378 : i32
          %get3A_1380 = arith.constant 2 : i32
          %get3A_1381 = arith.index_cast %get3A_1380 : i32 to index
          %get3A_1382 = arith.index_cast %add3A_1379 : i32 to index
          %get3A_1383 = arith.constant 32 : index
          %get3A_1384 = tpu.vector_load %arg10[%get3A_1381, %get3A_1382, %get3A_1383] {strides = array<i32>} : memref<4x200x64xf32, #tpu.memory_space<vmem>>, vector<16xf32>,
          %mul3A_1385 = arith.constant 6.000000e+00 : f32
          %mul3A_1386 = vector.broadcast %mul3A_1385 : f32 to vector<16xf32>
          %mul3A_1387 = arith.mulf %get3A_1384, %mul3A_1386 : vector<16xf32>
          %exp3A_1388 = math.exp %mul3A_1387 : vector<16xf32>
          %add3A_1389 = arith.addf %add3A_1341, %exp3A_1388 : vector<16xf32>
          %add3A_1390 = arith.constant 1 : i32
          %add3A_1391 = arith.addi %add3A_1307, %add3A_1390 : i32
          %get3A_1392 = arith.constant 2 : i32
          %get3A_1393 = arith.index_cast %get3A_1392 : i32 to index
          %get3A_1394 = arith.index_cast %add3A_1391 : i32 to index
          %get3A_1395 = arith.constant 48 : index
          %get3A_1396 = tpu.vector_load %arg10[%get3A_1393, %get3A_1394, %get3A_1395] {strides = array<i32>} : memref<4x200x64xf32, #tpu.memory_space<vmem>>, vector<16xf32>,
          %mul3A_1397 = arith.constant 6.000000e+00 : f32
          %mul3A_1398 = vector.broadcast %mul3A_1397 : f32 to vector<16xf32>
          %mul3A_1399 = arith.mulf %get3A_1396, %mul3A_1398 : vector<16xf32>
          %exp3A_1400 = math.exp %mul3A_1399 : vector<16xf32>
          %add3A_1401 = arith.addf %add3A_1353, %exp3A_1400 : vector<16xf32>
          scf.yield %add3A_1365, %add3A_1377, %add3A_1389, %add3A_1401 : vector<16xf32>, vector<16xf32>, vector<16xf32>, vector<16xf32>
        }
        %scan3A_747 = arith.constant 100 : i32
        %bitcast3A_748 = vector.bitcast %scan3A_746#0 : vector<16xf32> to vector<16xi32>
        %shift_right_logical3A_749 = arith.constant 23 : i32
        %shift_right_logical3A_750 = vector.broadcast %shift_right_logical3A_749 : i32 to vector<16xi32>
        %shift_right_logical3A_751 = arith.shrui %bitcast3A_748, %shift_right_logical3A_750 : vector<16xi32>
        %sub3A_752 = arith.constant 127 : i32
        %sub3A_753 = vector.broadcast %sub3A_752 : i32 to vector<16xi32>
        %sub3A_754 = arith.subi %shift_right_logical3A_751, %sub3A_753 : vector<16xi32>
        %and3A_755 = arith.constant 8388607 : i32
        %and3A_756 = vector.broadcast %and3A_755 : i32 to vector<16xi32>
        %and3A_757 = arith.andi %bitcast3A_748, %and3A_756 : vector<16xi32>
        %or3A_758 = arith.constant 1065353216 : i32
        %or3A_759 = vector.broadcast %or3A_758 : i32 to vector<16xi32>
        %or3A_760 = arith.ori %and3A_757, %or3A_759 : vector<16xi32>
        %bitcast3A_761 = vector.bitcast %or3A_760 : vector<16xi32> to vector<16xf32>
        %ge3A_762 = arith.constant 1.41421354 : f32
        %ge3A_763 = vector.broadcast %ge3A_762 : f32 to vector<16xf32>
        %ge3A_764 = arith.cmpf oge, %bitcast3A_761, %ge3A_763 : vector<16xf32>
        %mul3A_765 = arith.constant 5.000000e-01 : f32
        %mul3A_766 = vector.broadcast %mul3A_765 : f32 to vector<16xf32>
        %mul3A_767 = arith.mulf %bitcast3A_761, %mul3A_766 : vector<16xf32>
        %select_n3A_768 = arith.select %ge3A_764, %mul3A_767, %bitcast3A_761 : vector<16xi1>, vector<16xf32>
        %convert_element_type3A_769 = arith.extui %ge3A_764 : vector<16xi1> to vector<16xi32>
        %add3A_770 = arith.addi %sub3A_754, %convert_element_type3A_769 : vector<16xi32>
        %convert_element_type3A_771 = arith.sitofp %add3A_770 : vector<16xi32> to vector<16xf32>
        %sub3A_772 = arith.constant 1.000000e+00 : f32
        %sub3A_773 = vector.broadcast %sub3A_772 : f32 to vector<16xf32>
        %sub3A_774 = arith.subf %select_n3A_768, %sub3A_773 : vector<16xf32>
        %mul3A_775 = arith.constant 0.117844276 : f32
        %mul3A_776 = vector.broadcast %mul3A_775 : f32 to vector<16xf32>
        %mul3A_777 = arith.mulf %mul3A_776, %sub3A_774 : vector<16xf32>
        %add3A_778 = arith.constant -0.184558347 : f32
        %add3A_779 = vector.broadcast %add3A_778 : f32 to vector<16xf32>
        %add3A_780 = arith.addf %mul3A_777, %add3A_779 : vector<16xf32>
        %mul3A_781 = arith.mulf %add3A_780, %sub3A_774 : vector<16xf32>
        %add3A_782 = arith.constant 0.2045542 : f32
        %add3A_783 = vector.broadcast %add3A_782 : f32 to vector<16xf32>
        %add3A_784 = arith.addf %mul3A_781, %add3A_783 : vector<16xf32>
        %mul3A_785 = arith.mulf %add3A_784, %sub3A_774 : vector<16xf32>
        %add3A_786 = arith.constant -0.249295041 : f32
        %add3A_787 = vector.broadcast %add3A_786 : f32 to vector<16xf32>
        %add3A_788 = arith.addf %mul3A_785, %add3A_787 : vector<16xf32>
        %mul3A_789 = arith.mulf %add3A_788, %sub3A_774 : vector<16xf32>
        %add3A_790 = arith.constant 0.333179325 : f32
        %add3A_791 = vector.broadcast %add3A_790 : f32 to vector<16xf32>
        %add3A_792 = arith.addf %mul3A_789, %add3A_791 : vector<16xf32>
        %mul3A_793 = arith.mulf %add3A_792, %sub3A_774 : vector<16xf32>
        %add3A_794 = arith.constant -0.500007331 : f32
        %add3A_795 = vector.broadcast %add3A_794 : f32 to vector<16xf32>
        %add3A_796 = arith.addf %mul3A_793, %add3A_795 : vector<16xf32>
        %mul3A_797 = arith.mulf %add3A_796, %sub3A_774 : vector<16xf32>
        %add3A_798 = arith.constant 1.00000072 : f32
        %add3A_799 = vector.broadcast %add3A_798 : f32 to vector<16xf32>
        %add3A_800 = arith.addf %mul3A_797, %add3A_799 : vector<16xf32>
        %mul3A_801 = arith.constant 0.693147182 : f32
        %mul3A_802 = vector.broadcast %mul3A_801 : f32 to vector<16xf32>
        %mul3A_803 = arith.mulf %convert_element_type3A_771, %mul3A_802 : vector<16xf32>
        %mul3A_804 = arith.mulf %sub3A_774, %add3A_800 : vector<16xf32>
        %add3A_805 = arith.addf %mul3A_803, %mul3A_804 : vector<16xf32>
        %mul3A_806 = arith.constant 0.166666672 : f32
        %mul3A_807 = vector.broadcast %mul3A_806 : f32 to vector<16xf32>
        %mul3A_808 = arith.mulf %add3A_805, %mul3A_807 : vector<16xf32>
        %swap3A_809 = arith.index_cast %add3A_724 : i32 to index
        %swap3A_810 = arith.constant 0 : index
        %swap3A_811 = tpu.vector_load %arg11[%swap3A_809, %swap3A_810] {strides = array<i32>} : memref<64x64xf32, #tpu.memory_space<vmem>>, vector<16xf32>,
        tpu.vector_store %arg11[%swap3A_809, %swap3A_810], %mul3A_808 {strides = array<i32>} : memref<64x64xf32, #tpu.memory_space<vmem>>, vector<16xf32>,
        %bitcast3A_812 = vector.bitcast %scan3A_746#1 : vector<16xf32> to vector<16xi32>
        %shift_right_logical3A_813 = arith.constant 23 : i32
        %shift_right_logical3A_814 = vector.broadcast %shift_right_logical3A_813 : i32 to vector<16xi32>
        %shift_right_logical3A_815 = arith.shrui %bitcast3A_812, %shift_right_logical3A_814 : vector<16xi32>
        %sub3A_816 = arith.constant 127 : i32
        %sub3A_817 = vector.broadcast %sub3A_816 : i32 to vector<16xi32>
        %sub3A_818 = arith.subi %shift_right_logical3A_815, %sub3A_817 : vector<16xi32>
        %and3A_819 = arith.constant 8388607 : i32
        %and3A_820 = vector.broadcast %and3A_819 : i32 to vector<16xi32>
        %and3A_821 = arith.andi %bitcast3A_812, %and3A_820 : vector<16xi32>
        %or3A_822 = arith.constant 1065353216 : i32
        %or3A_823 = vector.broadcast %or3A_822 : i32 to vector<16xi32>
        %or3A_824 = arith.ori %and3A_821, %or3A_823 : vector<16xi32>
        %bitcast3A_825 = vector.bitcast %or3A_824 : vector<16xi32> to vector<16xf32>
        %ge3A_826 = arith.constant 1.41421354 : f32
        %ge3A_827 = vector.broadcast %ge3A_826 : f32 to vector<16xf32>
        %ge3A_828 = arith.cmpf oge, %bitcast3A_825, %ge3A_827 : vector<16xf32>
        %mul3A_829 = arith.constant 5.000000e-01 : f32
        %mul3A_830 = vector.broadcast %mul3A_829 : f32 to vector<16xf32>
        %mul3A_831 = arith.mulf %bitcast3A_825, %mul3A_830 : vector<16xf32>
        %select_n3A_832 = arith.select %ge3A_828, %mul3A_831, %bitcast3A_825 : vector<16xi1>, vector<16xf32>
        %convert_element_type3A_833 = arith.extui %ge3A_828 : vector<16xi1> to vector<16xi32>
        %add3A_834 = arith.addi %sub3A_818, %convert_element_type3A_833 : vector<16xi32>
        %convert_element_type3A_835 = arith.sitofp %add3A_834 : vector<16xi32> to vector<16xf32>
        %sub3A_836 = arith.constant 1.000000e+00 : f32
        %sub3A_837 = vector.broadcast %sub3A_836 : f32 to vector<16xf32>
        %sub3A_838 = arith.subf %select_n3A_832, %sub3A_837 : vector<16xf32>
        %mul3A_839 = arith.constant 0.117844276 : f32
        %mul3A_840 = vector.broadcast %mul3A_839 : f32 to vector<16xf32>
        %mul3A_841 = arith.mulf %mul3A_840, %sub3A_838 : vector<16xf32>
        %add3A_842 = arith.constant -0.184558347 : f32
        %add3A_843 = vector.broadcast %add3A_842 : f32 to vector<16xf32>
        %add3A_844 = arith.addf %mul3A_841, %add3A_843 : vector<16xf32>
        %mul3A_845 = arith.mulf %add3A_844, %sub3A_838 : vector<16xf32>
        %add3A_846 = arith.constant 0.2045542 : f32
        %add3A_847 = vector.broadcast %add3A_846 : f32 to vector<16xf32>
        %add3A_848 = arith.addf %mul3A_845, %add3A_847 : vector<16xf32>
        %mul3A_849 = arith.mulf %add3A_848, %sub3A_838 : vector<16xf32>
        %add3A_850 = arith.constant -0.249295041 : f32
        %add3A_851 = vector.broadcast %add3A_850 : f32 to vector<16xf32>
        %add3A_852 = arith.addf %mul3A_849, %add3A_851 : vector<16xf32>
        %mul3A_853 = arith.mulf %add3A_852, %sub3A_838 : vector<16xf32>
        %add3A_854 = arith.constant 0.333179325 : f32
        %add3A_855 = vector.broadcast %add3A_854 : f32 to vector<16xf32>
        %add3A_856 = arith.addf %mul3A_853, %add3A_855 : vector<16xf32>
        %mul3A_857 = arith.mulf %add3A_856, %sub3A_838 : vector<16xf32>
        %add3A_858 = arith.constant -0.500007331 : f32
        %add3A_859 = vector.broadcast %add3A_858 : f32 to vector<16xf32>
        %add3A_860 = arith.addf %mul3A_857, %add3A_859 : vector<16xf32>
        %mul3A_861 = arith.mulf %add3A_860, %sub3A_838 : vector<16xf32>
        %add3A_862 = arith.constant 1.00000072 : f32
        %add3A_863 = vector.broadcast %add3A_862 : f32 to vector<16xf32>
        %add3A_864 = arith.addf %mul3A_861, %add3A_863 : vector<16xf32>
        %mul3A_865 = arith.constant 0.693147182 : f32
        %mul3A_866 = vector.broadcast %mul3A_865 : f32 to vector<16xf32>
        %mul3A_867 = arith.mulf %convert_element_type3A_835, %mul3A_866 : vector<16xf32>
        %mul3A_868 = arith.mulf %sub3A_838, %add3A_864 : vector<16xf32>
        %add3A_869 = arith.addf %mul3A_867, %mul3A_868 : vector<16xf32>
        %mul3A_870 = arith.constant 0.166666672 : f32
        %mul3A_871 = vector.broadcast %mul3A_870 : f32 to vector<16xf32>
        %mul3A_872 = arith.mulf %add3A_869, %mul3A_871 : vector<16xf32>
        %swap3A_873 = arith.index_cast %add3A_724 : i32 to index
        %swap3A_874 = arith.constant 16 : index
        %swap3A_875 = tpu.vector_load %arg11[%swap3A_873, %swap3A_874] {strides = array<i32>} : memref<64x64xf32, #tpu.memory_space<vmem>>, vector<16xf32>,
        tpu.vector_store %arg11[%swap3A_873, %swap3A_874], %mul3A_872 {strides = array<i32>} : memref<64x64xf32, #tpu.memory_space<vmem>>, vector<16xf32>,
        %bitcast3A_876 = vector.bitcast %scan3A_746#2 : vector<16xf32> to vector<16xi32>
        %shift_right_logical3A_877 = arith.constant 23 : i32
        %shift_right_logical3A_878 = vector.broadcast %shift_right_logical3A_877 : i32 to vector<16xi32>
        %shift_right_logical3A_879 = arith.shrui %bitcast3A_876, %shift_right_logical3A_878 : vector<16xi32>
        %sub3A_880 = arith.constant 127 : i32
        %sub3A_881 = vector.broadcast %sub3A_880 : i32 to vector<16xi32>
        %sub3A_882 = arith.subi %shift_right_logical3A_879, %sub3A_881 : vector<16xi32>
        %and3A_883 = arith.constant 8388607 : i32
        %and3A_884 = vector.broadcast %and3A_883 : i32 to vector<16xi32>
        %and3A_885 = arith.andi %bitcast3A_876, %and3A_884 : vector<16xi32>
        %or3A_886 = arith.constant 1065353216 : i32
        %or3A_887 = vector.broadcast %or3A_886 : i32 to vector<16xi32>
        %or3A_888 = arith.ori %and3A_885, %or3A_887 : vector<16xi32>
        %bitcast3A_889 = vector.bitcast %or3A_888 : vector<16xi32> to vector<16xf32>
        %ge3A_890 = arith.constant 1.41421354 : f32
        %ge3A_891 = vector.broadcast %ge3A_890 : f32 to vector<16xf32>
        %ge3A_892 = arith.cmpf oge, %bitcast3A_889, %ge3A_891 : vector<16xf32>
        %mul3A_893 = arith.constant 5.000000e-01 : f32
        %mul3A_894 = vector.broadcast %mul3A_893 : f32 to vector<16xf32>
        %mul3A_895 = arith.mulf %bitcast3A_889, %mul3A_894 : vector<16xf32>
        %select_n3A_896 = arith.select %ge3A_892, %mul3A_895, %bitcast3A_889 : vector<16xi1>, vector<16xf32>
        %convert_element_type3A_897 = arith.extui %ge3A_892 : vector<16xi1> to vector<16xi32>
        %add3A_898 = arith.addi %sub3A_882, %convert_element_type3A_897 : vector<16xi32>
        %convert_element_type3A_899 = arith.sitofp %add3A_898 : vector<16xi32> to vector<16xf32>
        %sub3A_900 = arith.constant 1.000000e+00 : f32
        %sub3A_901 = vector.broadcast %sub3A_900 : f32 to vector<16xf32>
        %sub3A_902 = arith.subf %select_n3A_896, %sub3A_901 : vector<16xf32>
        %mul3A_903 = arith.constant 0.117844276 : f32
        %mul3A_904 = vector.broadcast %mul3A_903 : f32 to vector<16xf32>
        %mul3A_905 = arith.mulf %mul3A_904, %sub3A_902 : vector<16xf32>
        %add3A_906 = arith.constant -0.184558347 : f32
        %add3A_907 = vector.broadcast %add3A_906 : f32 to vector<16xf32>
        %add3A_908 = arith.addf %mul3A_905, %add3A_907 : vector<16xf32>
        %mul3A_909 = arith.mulf %add3A_908, %sub3A_902 : vector<16xf32>
        %add3A_910 = arith.constant 0.2045542 : f32
        %add3A_911 = vector.broadcast %add3A_910 : f32 to vector<16xf32>
        %add3A_912 = arith.addf %mul3A_909, %add3A_911 : vector<16xf32>
        %mul3A_913 = arith.mulf %add3A_912, %sub3A_902 : vector<16xf32>
        %add3A_914 = arith.constant -0.249295041 : f32
        %add3A_915 = vector.broadcast %add3A_914 : f32 to vector<16xf32>
        %add3A_916 = arith.addf %mul3A_913, %add3A_915 : vector<16xf32>
        %mul3A_917 = arith.mulf %add3A_916, %sub3A_902 : vector<16xf32>
        %add3A_918 = arith.constant 0.333179325 : f32
        %add3A_919 = vector.broadcast %add3A_918 : f32 to vector<16xf32>
        %add3A_920 = arith.addf %mul3A_917, %add3A_919 : vector<16xf32>
        %mul3A_921 = arith.mulf %add3A_920, %sub3A_902 : vector<16xf32>
        %add3A_922 = arith.constant -0.500007331 : f32
        %add3A_923 = vector.broadcast %add3A_922 : f32 to vector<16xf32>
        %add3A_924 = arith.addf %mul3A_921, %add3A_923 : vector<16xf32>
        %mul3A_925 = arith.mulf %add3A_924, %sub3A_902 : vector<16xf32>
        %add3A_926 = arith.constant 1.00000072 : f32
        %add3A_927 = vector.broadcast %add3A_926 : f32 to vector<16xf32>
        %add3A_928 = arith.addf %mul3A_925, %add3A_927 : vector<16xf32>
        %mul3A_929 = arith.constant 0.693147182 : f32
        %mul3A_930 = vector.broadcast %mul3A_929 : f32 to vector<16xf32>
        %mul3A_931 = arith.mulf %convert_element_type3A_899, %mul3A_930 : vector<16xf32>
        %mul3A_932 = arith.mulf %sub3A_902, %add3A_928 : vector<16xf32>
        %add3A_933 = arith.addf %mul3A_931, %mul3A_932 : vector<16xf32>
        %mul3A_934 = arith.constant 0.166666672 : f32
        %mul3A_935 = vector.broadcast %mul3A_934 : f32 to vector<16xf32>
        %mul3A_936 = arith.mulf %add3A_933, %mul3A_935 : vector<16xf32>
        %swap3A_937 = arith.index_cast %add3A_724 : i32 to index
        %swap3A_938 = arith.constant 32 : index
        %swap3A_939 = tpu.vector_load %arg11[%swap3A_937, %swap3A_938] {strides = array<i32>} : memref<64x64xf32, #tpu.memory_space<vmem>>, vector<16xf32>,
        tpu.vector_store %arg11[%swap3A_937, %swap3A_938], %mul3A_936 {strides = array<i32>} : memref<64x64xf32, #tpu.memory_space<vmem>>, vector<16xf32>,
        %bitcast3A_940 = vector.bitcast %scan3A_746#3 : vector<16xf32> to vector<16xi32>
        %shift_right_logical3A_941 = arith.constant 23 : i32
        %shift_right_logical3A_942 = vector.broadcast %shift_right_logical3A_941 : i32 to vector<16xi32>
        %shift_right_logical3A_943 = arith.shrui %bitcast3A_940, %shift_right_logical3A_942 : vector<16xi32>
        %sub3A_944 = arith.constant 127 : i32
        %sub3A_945 = vector.broadcast %sub3A_944 : i32 to vector<16xi32>
        %sub3A_946 = arith.subi %shift_right_logical3A_943, %sub3A_945 : vector<16xi32>
        %and3A_947 = arith.constant 8388607 : i32
        %and3A_948 = vector.broadcast %and3A_947 : i32 to vector<16xi32>
        %and3A_949 = arith.andi %bitcast3A_940, %and3A_948 : vector<16xi32>
        %or3A_950 = arith.constant 1065353216 : i32
        %or3A_951 = vector.broadcast %or3A_950 : i32 to vector<16xi32>
        %or3A_952 = arith.ori %and3A_949, %or3A_951 : vector<16xi32>
        %bitcast3A_953 = vector.bitcast %or3A_952 : vector<16xi32> to vector<16xf32>
        %ge3A_954 = arith.constant 1.41421354 : f32
        %ge3A_955 = vector.broadcast %ge3A_954 : f32 to vector<16xf32>
        %ge3A_956 = arith.cmpf oge, %bitcast3A_953, %ge3A_955 : vector<16xf32>
        %mul3A_957 = arith.constant 5.000000e-01 : f32
        %mul3A_958 = vector.broadcast %mul3A_957 : f32 to vector<16xf32>
        %mul3A_959 = arith.mulf %bitcast3A_953, %mul3A_958 : vector<16xf32>
        %select_n3A_960 = arith.select %ge3A_956, %mul3A_959, %bitcast3A_953 : vector<16xi1>, vector<16xf32>
        %convert_element_type3A_961 = arith.extui %ge3A_956 : vector<16xi1> to vector<16xi32>
        %add3A_962 = arith.addi %sub3A_946, %convert_element_type3A_961 : vector<16xi32>
        %convert_element_type3A_963 = arith.sitofp %add3A_962 : vector<16xi32> to vector<16xf32>
        %sub3A_964 = arith.constant 1.000000e+00 : f32
        %sub3A_965 = vector.broadcast %sub3A_964 : f32 to vector<16xf32>
        %sub3A_966 = arith.subf %select_n3A_960, %sub3A_965 : vector<16xf32>
        %mul3A_967 = arith.constant 0.117844276 : f32
        %mul3A_968 = vector.broadcast %mul3A_967 : f32 to vector<16xf32>
        %mul3A_969 = arith.mulf %mul3A_968, %sub3A_966 : vector<16xf32>
        %add3A_970 = arith.constant -0.184558347 : f32
        %add3A_971 = vector.broadcast %add3A_970 : f32 to vector<16xf32>
        %add3A_972 = arith.addf %mul3A_969, %add3A_971 : vector<16xf32>
        %mul3A_973 = arith.mulf %add3A_972, %sub3A_966 : vector<16xf32>
        %add3A_974 = arith.constant 0.2045542 : f32
        %add3A_975 = vector.broadcast %add3A_974 : f32 to vector<16xf32>
        %add3A_976 = arith.addf %mul3A_973, %add3A_975 : vector<16xf32>
        %mul3A_977 = arith.mulf %add3A_976, %sub3A_966 : vector<16xf32>
        %add3A_978 = arith.constant -0.249295041 : f32
        %add3A_979 = vector.broadcast %add3A_978 : f32 to vector<16xf32>
        %add3A_980 = arith.addf %mul3A_977, %add3A_979 : vector<16xf32>
        %mul3A_981 = arith.mulf %add3A_980, %sub3A_966 : vector<16xf32>
        %add3A_982 = arith.constant 0.333179325 : f32
        %add3A_983 = vector.broadcast %add3A_982 : f32 to vector<16xf32>
        %add3A_984 = arith.addf %mul3A_981, %add3A_983 : vector<16xf32>
        %mul3A_985 = arith.mulf %add3A_984, %sub3A_966 : vector<16xf32>
        %add3A_986 = arith.constant -0.500007331 : f32
        %add3A_987 = vector.broadcast %add3A_986 : f32 to vector<16xf32>
        %add3A_988 = arith.addf %mul3A_985, %add3A_987 : vector<16xf32>
        %mul3A_989 = arith.mulf %add3A_988, %sub3A_966 : vector<16xf32>
        %add3A_990 = arith.constant 1.00000072 : f32
        %add3A_991 = vector.broadcast %add3A_990 : f32 to vector<16xf32>
        %add3A_992 = arith.addf %mul3A_989, %add3A_991 : vector<16xf32>
        %mul3A_993 = arith.constant 0.693147182 : f32
        %mul3A_994 = vector.broadcast %mul3A_993 : f32 to vector<16xf32>
        %mul3A_995 = arith.mulf %convert_element_type3A_963, %mul3A_994 : vector<16xf32>
        %mul3A_996 = arith.mulf %sub3A_966, %add3A_992 : vector<16xf32>
        %add3A_997 = arith.addf %mul3A_995, %mul3A_996 : vector<16xf32>
        %mul3A_998 = arith.constant 0.166666672 : f32
        %mul3A_999 = vector.broadcast %mul3A_998 : f32 to vector<16xf32>
        %mul3A_1000 = arith.mulf %add3A_997, %mul3A_999 : vector<16xf32>
        %swap3A_1001 = arith.index_cast %add3A_724 : i32 to index
        %swap3A_1002 = arith.constant 48 : index
        %swap3A_1003 = tpu.vector_load %arg11[%swap3A_1001, %swap3A_1002] {strides = array<i32>} : memref<64x64xf32, #tpu.memory_space<vmem>>, vector<16xf32>,
        tpu.vector_store %arg11[%swap3A_1001, %swap3A_1002], %mul3A_1000 {strides = array<i32>} : memref<64x64xf32, #tpu.memory_space<vmem>>, vector<16xf32>,
        %add3A_1004 = arith.constant 4 : i32
        %add3A_1005 = arith.addi %add3A_724, %add3A_1004 : i32
        %lt3A_1006 = arith.constant 64 : i32
        %lt3A_1007 = arith.cmpi slt, %add3A_1005, %lt3A_1006 : i32
        %convert_element_type3A_1008 = arith.extui %lt3A_1007 : i1 to i32
        %cond3A_1009 = arith.constant 0 : i32
        %cond3A_1010 = arith.cmpi ne, %convert_element_type3A_1008, %cond3A_1009 : i32
        scf.if %cond3A_1010 {
          %add3A_1299 = arith.constant 4 : i32
          %add3A_1300 = arith.addi %add3A_724, %add3A_1299 : i32
          %dma_start3A_1301 = arith.constant 2 : i32
          %dma_start3A_1302 = arith.constant 0 : i32
          %dma_start3A_1303 = arith.constant 0 : i32
          %dma_start3A_1304 = tpu.memref_slice %arg10[%dma_start3A_1301, %dma_start3A_1302, %dma_start3A_1303] : memref<4x200x64xf32, #tpu.memory_space<vmem>> -> memref<1x128x64xf32, #tpu.memory_space<vmem>>
          %dma_start3A_1305 = tpu.memref_squeeze %dma_start3A_1304 : memref<1x128x64xf32, #tpu.memory_space<vmem>> -> memref<128x64xf32, #tpu.memory_space<vmem>>
          %dma_start3A_1306 = arith.constant 0 : i32
          %dma_start3A_1307 = tpu.memref_slice %arg8[%add3A_1300, %dma_start3A_1306] : memref<64x128xi32, #tpu.memory_space<vmem>> -> memref<1x128xi32, #tpu.memory_space<vmem>>
          %dma_start3A_1308 = tpu.memref_squeeze %dma_start3A_1307 : memref<1x128xi32, #tpu.memory_space<vmem>> -> memref<128xi32, #tpu.memory_space<vmem>>
          %dma_start3A_1309 = arith.constant 0 : i32
          %dma_start3A_1310 = arith.constant 0 : i32
          %dma_start3A_1311 = tpu.memref_slice %arg5[%dma_start3A_1309, %dma_start3A_1310] : memref<1000000x64xf32, #tpu.memory_space<hbm>> -> memref<1000000x64xf32, #tpu.memory_space<hbm>>
          tpu.enqueue_indirect_dma source(%dma_start3A_1311 : memref<1000000x64xf32, #tpu.memory_space<hbm>>) target(%dma_start3A_1305 : memref<128x64xf32, #tpu.memory_space<vmem>>) offsets(%dma_start3A_1308 : memref<128xi32, #tpu.memory_space<vmem>>) semaphore(%arg16 : memref<!tpu.dma_semaphore, #tpu.memory_space<semaphore_mem>>)
          %dma_start3A_1312 = arith.constant 2 : i32
          %dma_start3A_1313 = arith.constant 128 : i32
          %dma_start3A_1314 = arith.constant 0 : i32
          %dma_start3A_1315 = tpu.memref_slice %arg10[%dma_start3A_1312, %dma_start3A_1313, %dma_start3A_1314] : memref<4x200x64xf32, #tpu.memory_space<vmem>> -> memref<1x72x64xf32, #tpu.memory_space<vmem>>
          %dma_start3A_1316 = tpu.memref_squeeze %dma_start3A_1315 : memref<1x72x64xf32, #tpu.memory_space<vmem>> -> memref<72x64xf32, #tpu.memory_space<vmem>>
          %dma_start3A_1317 = arith.constant 0 : i32
          %dma_start3A_1318 = tpu.memref_slice %arg9[%add3A_1300, %dma_start3A_1317] : memref<64x128xi32, #tpu.memory_space<vmem>> -> memref<1x72xi32, #tpu.memory_space<vmem>>
          %dma_start3A_1319 = tpu.memref_squeeze %dma_start3A_1318 : memref<1x72xi32, #tpu.memory_space<vmem>> -> memref<72xi32, #tpu.memory_space<vmem>>
          %dma_start3A_1320 = arith.constant 0 : i32
          %dma_start3A_1321 = arith.constant 0 : i32
          %dma_start3A_1322 = tpu.memref_slice %arg5[%dma_start3A_1320, %dma_start3A_1321] : memref<1000000x64xf32, #tpu.memory_space<hbm>> -> memref<1000000x64xf32, #tpu.memory_space<hbm>>
          tpu.enqueue_indirect_dma source(%dma_start3A_1322 : memref<1000000x64xf32, #tpu.memory_space<hbm>>) target(%dma_start3A_1316 : memref<72x64xf32, #tpu.memory_space<vmem>>) offsets(%dma_start3A_1319 : memref<72xi32, #tpu.memory_space<vmem>>) semaphore(%arg16 : memref<!tpu.dma_semaphore, #tpu.memory_space<semaphore_mem>>)
        } else {
        }
        %add3A_1011 = arith.constant 3 : i32
        %add3A_1012 = arith.addi %add3A_158, %add3A_1011 : i32
        %dma_wait3A_1013 = arith.constant 3 : i32
        %dma_wait3A_1014 = arith.constant 0 : i32
        %dma_wait3A_1015 = arith.constant 0 : i32
        %dma_wait3A_1016 = tpu.memref_slice %arg10[%dma_wait3A_1013, %dma_wait3A_1014, %dma_wait3A_1015] : memref<4x200x64xf32, #tpu.memory_space<vmem>> -> memref<1x200x64xf32, #tpu.memory_space<vmem>>
        %dma_wait3A_1017 = tpu.memref_squeeze %dma_wait3A_1016 : memref<1x200x64xf32, #tpu.memory_space<vmem>> -> memref<200x64xf32, #tpu.memory_space<vmem>>
        %dma_wait3A_1018 = arith.constant 0 : i32
        %dma_wait3A_1019 = arith.constant 0 : i32
        %dma_wait3A_1020 = tpu.memref_slice %arg5[%dma_wait3A_1018, %dma_wait3A_1019] : memref<1000000x64xf32, #tpu.memory_space<hbm>> -> memref<200x64xf32, #tpu.memory_space<hbm>>
        %dma_wait3A_1021 = arith.constant 0 : i32
        %dma_wait3A_1022 = arith.constant 0 : i32
        %dma_wait3A_1023 = tpu.memref_slice %arg10[%dma_wait3A_1013, %dma_wait3A_1021, %dma_wait3A_1022] : memref<4x200x64xf32, #tpu.memory_space<vmem>> -> memref<1x200x64xf32, #tpu.memory_space<vmem>>
        %dma_wait3A_1024 = tpu.memref_squeeze %dma_wait3A_1023 : memref<1x200x64xf32, #tpu.memory_space<vmem>> -> memref<200x64xf32, #tpu.memory_space<vmem>>
        %dma_wait3A_1025 = arith.constant 0 : i32
        %dma_wait3A_1026 = arith.constant 0 : i32
        %dma_wait3A_1027 = tpu.memref_slice %arg5[%dma_wait3A_1025, %dma_wait3A_1026] : memref<1000000x64xf32, #tpu.memory_space<hbm>> -> memref<200x64xf32, #tpu.memory_space<hbm>>
        tpu.wait_dma2 semaphore(%arg17 : memref<!tpu.dma_semaphore, #tpu.memory_space<semaphore_mem>>) src(%dma_wait3A_1027 : memref<200x64xf32, #tpu.memory_space<hbm>>) dst(%dma_wait3A_1024 : memref<200x64xf32, #tpu.memory_space<vmem>>)
        %broadcast_in_dim3A_1028 = arith.constant 0.000000e+00 : f32
        %broadcast_in_dim3A_1029 = vector.broadcast %broadcast_in_dim3A_1028 : f32 to vector<16xf32>
        %scan3A_1030 = arith.constant 0 : i32
        %scan3A_1031 = arith.constant 100 : i32
        %scan3A_1032 = arith.addi %scan3A_1030, %scan3A_1031 : i32
        %scan3A_1033 = arith.constant 1 : i32
        %scan3A_1034:4 = scf.for %scan3A_1299 = %scan3A_1030 to %scan3A_1032 step %scan3A_1033 iter_args(%scan3A_1300 = %broadcast_in_dim3A_1029, %scan3A_1301 = %broadcast_in_dim3A_1029, %scan3A_1302 = %broadcast_in_dim3A_1029, %scan3A_1303 = %broadcast_in_dim3A_1029) -> (vector<16xf32>, vector<16xf32>, vector<16xf32>, vector<16xf32>)  : i32 {
          %mul3A_1304 = arith.constant 2 : i32
          %mul3A_1305 = arith.muli %scan3A_1299, %mul3A_1304 : i32
          %add3A_1306 = arith.constant 0 : i32
          %add3A_1307 = arith.addi %add3A_1306, %mul3A_1305 : i32
          %add3A_1308 = arith.constant 0 : i32
          %add3A_1309 = arith.addi %add3A_1307, %add3A_1308 : i32
          %get3A = arith.constant 3 : i32
          %get3A_1310 = arith.index_cast %get3A : i32 to index
          %get3A_1311 = arith.index_cast %add3A_1309 : i32 to index
          %get3A_1312 = arith.constant 0 : index
          %get3A_1313 = tpu.vector_load %arg10[%get3A_1310, %get3A_1311, %get3A_1312] {strides = array<i32>} : memref<4x200x64xf32, #tpu.memory_space<vmem>>, vector<16xf32>,
          %mul3A_1314 = arith.constant 6.000000e+00 : f32
          %mul3A_1315 = vector.broadcast %mul3A_1314 : f32 to vector<16xf32>
          %mul3A_1316 = arith.mulf %get3A_1313, %mul3A_1315 : vector<16xf32>
          %exp3A = math.exp %mul3A_1316 : vector<16xf32>
          %add3A_1317 = arith.addf %scan3A_1300, %exp3A : vector<16xf32>
          %add3A_1318 = arith.constant 0 : i32
          %add3A_1319 = arith.addi %add3A_1307, %add3A_1318 : i32
          %get3A_1320 = arith.constant 3 : i32
          %get3A_1321 = arith.index_cast %get3A_1320 : i32 to index
          %get3A_1322 = arith.index_cast %add3A_1319 : i32 to index
          %get3A_1323 = arith.constant 16 : index
          %get3A_1324 = tpu.vector_load %arg10[%get3A_1321, %get3A_1322, %get3A_1323] {strides = array<i32>} : memref<4x200x64xf32, #tpu.memory_space<vmem>>, vector<16xf32>,
          %mul3A_1325 = arith.constant 6.000000e+00 : f32
          %mul3A_1326 = vector.broadcast %mul3A_1325 : f32 to vector<16xf32>
          %mul3A_1327 = arith.mulf %get3A_1324, %mul3A_1326 : vector<16xf32>
          %exp3A_1328 = math.exp %mul3A_1327 : vector<16xf32>
          %add3A_1329 = arith.addf %scan3A_1301, %exp3A_1328 : vector<16xf32>
          %add3A_1330 = arith.constant 0 : i32
          %add3A_1331 = arith.addi %add3A_1307, %add3A_1330 : i32
          %get3A_1332 = arith.constant 3 : i32
          %get3A_1333 = arith.index_cast %get3A_1332 : i32 to index
          %get3A_1334 = arith.index_cast %add3A_1331 : i32 to index
          %get3A_1335 = arith.constant 32 : index
          %get3A_1336 = tpu.vector_load %arg10[%get3A_1333, %get3A_1334, %get3A_1335] {strides = array<i32>} : memref<4x200x64xf32, #tpu.memory_space<vmem>>, vector<16xf32>,
          %mul3A_1337 = arith.constant 6.000000e+00 : f32
          %mul3A_1338 = vector.broadcast %mul3A_1337 : f32 to vector<16xf32>
          %mul3A_1339 = arith.mulf %get3A_1336, %mul3A_1338 : vector<16xf32>
          %exp3A_1340 = math.exp %mul3A_1339 : vector<16xf32>
          %add3A_1341 = arith.addf %scan3A_1302, %exp3A_1340 : vector<16xf32>
          %add3A_1342 = arith.constant 0 : i32
          %add3A_1343 = arith.addi %add3A_1307, %add3A_1342 : i32
          %get3A_1344 = arith.constant 3 : i32
          %get3A_1345 = arith.index_cast %get3A_1344 : i32 to index
          %get3A_1346 = arith.index_cast %add3A_1343 : i32 to index
          %get3A_1347 = arith.constant 48 : index
          %get3A_1348 = tpu.vector_load %arg10[%get3A_1345, %get3A_1346, %get3A_1347] {strides = array<i32>} : memref<4x200x64xf32, #tpu.memory_space<vmem>>, vector<16xf32>,
          %mul3A_1349 = arith.constant 6.000000e+00 : f32
          %mul3A_1350 = vector.broadcast %mul3A_1349 : f32 to vector<16xf32>
          %mul3A_1351 = arith.mulf %get3A_1348, %mul3A_1350 : vector<16xf32>
          %exp3A_1352 = math.exp %mul3A_1351 : vector<16xf32>
          %add3A_1353 = arith.addf %scan3A_1303, %exp3A_1352 : vector<16xf32>
          %add3A_1354 = arith.constant 1 : i32
          %add3A_1355 = arith.addi %add3A_1307, %add3A_1354 : i32
          %get3A_1356 = arith.constant 3 : i32
          %get3A_1357 = arith.index_cast %get3A_1356 : i32 to index
          %get3A_1358 = arith.index_cast %add3A_1355 : i32 to index
          %get3A_1359 = arith.constant 0 : index
          %get3A_1360 = tpu.vector_load %arg10[%get3A_1357, %get3A_1358, %get3A_1359] {strides = array<i32>} : memref<4x200x64xf32, #tpu.memory_space<vmem>>, vector<16xf32>,
          %mul3A_1361 = arith.constant 6.000000e+00 : f32
          %mul3A_1362 = vector.broadcast %mul3A_1361 : f32 to vector<16xf32>
          %mul3A_1363 = arith.mulf %get3A_1360, %mul3A_1362 : vector<16xf32>
          %exp3A_1364 = math.exp %mul3A_1363 : vector<16xf32>
          %add3A_1365 = arith.addf %add3A_1317, %exp3A_1364 : vector<16xf32>
          %add3A_1366 = arith.constant 1 : i32
          %add3A_1367 = arith.addi %add3A_1307, %add3A_1366 : i32
          %get3A_1368 = arith.constant 3 : i32
          %get3A_1369 = arith.index_cast %get3A_1368 : i32 to index
          %get3A_1370 = arith.index_cast %add3A_1367 : i32 to index
          %get3A_1371 = arith.constant 16 : index
          %get3A_1372 = tpu.vector_load %arg10[%get3A_1369, %get3A_1370, %get3A_1371] {strides = array<i32>} : memref<4x200x64xf32, #tpu.memory_space<vmem>>, vector<16xf32>,
          %mul3A_1373 = arith.constant 6.000000e+00 : f32
          %mul3A_1374 = vector.broadcast %mul3A_1373 : f32 to vector<16xf32>
          %mul3A_1375 = arith.mulf %get3A_1372, %mul3A_1374 : vector<16xf32>
          %exp3A_1376 = math.exp %mul3A_1375 : vector<16xf32>
          %add3A_1377 = arith.addf %add3A_1329, %exp3A_1376 : vector<16xf32>
          %add3A_1378 = arith.constant 1 : i32
          %add3A_1379 = arith.addi %add3A_1307, %add3A_1378 : i32
          %get3A_1380 = arith.constant 3 : i32
          %get3A_1381 = arith.index_cast %get3A_1380 : i32 to index
          %get3A_1382 = arith.index_cast %add3A_1379 : i32 to index
          %get3A_1383 = arith.constant 32 : index
          %get3A_1384 = tpu.vector_load %arg10[%get3A_1381, %get3A_1382, %get3A_1383] {strides = array<i32>} : memref<4x200x64xf32, #tpu.memory_space<vmem>>, vector<16xf32>,
          %mul3A_1385 = arith.constant 6.000000e+00 : f32
          %mul3A_1386 = vector.broadcast %mul3A_1385 : f32 to vector<16xf32>
          %mul3A_1387 = arith.mulf %get3A_1384, %mul3A_1386 : vector<16xf32>
          %exp3A_1388 = math.exp %mul3A_1387 : vector<16xf32>
          %add3A_1389 = arith.addf %add3A_1341, %exp3A_1388 : vector<16xf32>
          %add3A_1390 = arith.constant 1 : i32
          %add3A_1391 = arith.addi %add3A_1307, %add3A_1390 : i32
          %get3A_1392 = arith.constant 3 : i32
          %get3A_1393 = arith.index_cast %get3A_1392 : i32 to index
          %get3A_1394 = arith.index_cast %add3A_1391 : i32 to index
          %get3A_1395 = arith.constant 48 : index
          %get3A_1396 = tpu.vector_load %arg10[%get3A_1393, %get3A_1394, %get3A_1395] {strides = array<i32>} : memref<4x200x64xf32, #tpu.memory_space<vmem>>, vector<16xf32>,
          %mul3A_1397 = arith.constant 6.000000e+00 : f32
          %mul3A_1398 = vector.broadcast %mul3A_1397 : f32 to vector<16xf32>
          %mul3A_1399 = arith.mulf %get3A_1396, %mul3A_1398 : vector<16xf32>
          %exp3A_1400 = math.exp %mul3A_1399 : vector<16xf32>
          %add3A_1401 = arith.addf %add3A_1353, %exp3A_1400 : vector<16xf32>
          scf.yield %add3A_1365, %add3A_1377, %add3A_1389, %add3A_1401 : vector<16xf32>, vector<16xf32>, vector<16xf32>, vector<16xf32>
        }
        %scan3A_1035 = arith.constant 100 : i32
        %bitcast3A_1036 = vector.bitcast %scan3A_1034#0 : vector<16xf32> to vector<16xi32>
        %shift_right_logical3A_1037 = arith.constant 23 : i32
        %shift_right_logical3A_1038 = vector.broadcast %shift_right_logical3A_1037 : i32 to vector<16xi32>
        %shift_right_logical3A_1039 = arith.shrui %bitcast3A_1036, %shift_right_logical3A_1038 : vector<16xi32>
        %sub3A_1040 = arith.constant 127 : i32
        %sub3A_1041 = vector.broadcast %sub3A_1040 : i32 to vector<16xi32>
        %sub3A_1042 = arith.subi %shift_right_logical3A_1039, %sub3A_1041 : vector<16xi32>
        %and3A_1043 = arith.constant 8388607 : i32
        %and3A_1044 = vector.broadcast %and3A_1043 : i32 to vector<16xi32>
        %and3A_1045 = arith.andi %bitcast3A_1036, %and3A_1044 : vector<16xi32>
        %or3A_1046 = arith.constant 1065353216 : i32
        %or3A_1047 = vector.broadcast %or3A_1046 : i32 to vector<16xi32>
        %or3A_1048 = arith.ori %and3A_1045, %or3A_1047 : vector<16xi32>
        %bitcast3A_1049 = vector.bitcast %or3A_1048 : vector<16xi32> to vector<16xf32>
        %ge3A_1050 = arith.constant 1.41421354 : f32
        %ge3A_1051 = vector.broadcast %ge3A_1050 : f32 to vector<16xf32>
        %ge3A_1052 = arith.cmpf oge, %bitcast3A_1049, %ge3A_1051 : vector<16xf32>
        %mul3A_1053 = arith.constant 5.000000e-01 : f32
        %mul3A_1054 = vector.broadcast %mul3A_1053 : f32 to vector<16xf32>
        %mul3A_1055 = arith.mulf %bitcast3A_1049, %mul3A_1054 : vector<16xf32>
        %select_n3A_1056 = arith.select %ge3A_1052, %mul3A_1055, %bitcast3A_1049 : vector<16xi1>, vector<16xf32>
        %convert_element_type3A_1057 = arith.extui %ge3A_1052 : vector<16xi1> to vector<16xi32>
        %add3A_1058 = arith.addi %sub3A_1042, %convert_element_type3A_1057 : vector<16xi32>
        %convert_element_type3A_1059 = arith.sitofp %add3A_1058 : vector<16xi32> to vector<16xf32>
        %sub3A_1060 = arith.constant 1.000000e+00 : f32
        %sub3A_1061 = vector.broadcast %sub3A_1060 : f32 to vector<16xf32>
        %sub3A_1062 = arith.subf %select_n3A_1056, %sub3A_1061 : vector<16xf32>
        %mul3A_1063 = arith.constant 0.117844276 : f32
        %mul3A_1064 = vector.broadcast %mul3A_1063 : f32 to vector<16xf32>
        %mul3A_1065 = arith.mulf %mul3A_1064, %sub3A_1062 : vector<16xf32>
        %add3A_1066 = arith.constant -0.184558347 : f32
        %add3A_1067 = vector.broadcast %add3A_1066 : f32 to vector<16xf32>
        %add3A_1068 = arith.addf %mul3A_1065, %add3A_1067 : vector<16xf32>
        %mul3A_1069 = arith.mulf %add3A_1068, %sub3A_1062 : vector<16xf32>
        %add3A_1070 = arith.constant 0.2045542 : f32
        %add3A_1071 = vector.broadcast %add3A_1070 : f32 to vector<16xf32>
        %add3A_1072 = arith.addf %mul3A_1069, %add3A_1071 : vector<16xf32>
        %mul3A_1073 = arith.mulf %add3A_1072, %sub3A_1062 : vector<16xf32>
        %add3A_1074 = arith.constant -0.249295041 : f32
        %add3A_1075 = vector.broadcast %add3A_1074 : f32 to vector<16xf32>
        %add3A_1076 = arith.addf %mul3A_1073, %add3A_1075 : vector<16xf32>
        %mul3A_1077 = arith.mulf %add3A_1076, %sub3A_1062 : vector<16xf32>
        %add3A_1078 = arith.constant 0.333179325 : f32
        %add3A_1079 = vector.broadcast %add3A_1078 : f32 to vector<16xf32>
        %add3A_1080 = arith.addf %mul3A_1077, %add3A_1079 : vector<16xf32>
        %mul3A_1081 = arith.mulf %add3A_1080, %sub3A_1062 : vector<16xf32>
        %add3A_1082 = arith.constant -0.500007331 : f32
        %add3A_1083 = vector.broadcast %add3A_1082 : f32 to vector<16xf32>
        %add3A_1084 = arith.addf %mul3A_1081, %add3A_1083 : vector<16xf32>
        %mul3A_1085 = arith.mulf %add3A_1084, %sub3A_1062 : vector<16xf32>
        %add3A_1086 = arith.constant 1.00000072 : f32
        %add3A_1087 = vector.broadcast %add3A_1086 : f32 to vector<16xf32>
        %add3A_1088 = arith.addf %mul3A_1085, %add3A_1087 : vector<16xf32>
        %mul3A_1089 = arith.constant 0.693147182 : f32
        %mul3A_1090 = vector.broadcast %mul3A_1089 : f32 to vector<16xf32>
        %mul3A_1091 = arith.mulf %convert_element_type3A_1059, %mul3A_1090 : vector<16xf32>
        %mul3A_1092 = arith.mulf %sub3A_1062, %add3A_1088 : vector<16xf32>
        %add3A_1093 = arith.addf %mul3A_1091, %mul3A_1092 : vector<16xf32>
        %mul3A_1094 = arith.constant 0.166666672 : f32
        %mul3A_1095 = vector.broadcast %mul3A_1094 : f32 to vector<16xf32>
        %mul3A_1096 = arith.mulf %add3A_1093, %mul3A_1095 : vector<16xf32>
        %swap3A_1097 = arith.index_cast %add3A_1012 : i32 to index
        %swap3A_1098 = arith.constant 0 : index
        %swap3A_1099 = tpu.vector_load %arg11[%swap3A_1097, %swap3A_1098] {strides = array<i32>} : memref<64x64xf32, #tpu.memory_space<vmem>>, vector<16xf32>,
        tpu.vector_store %arg11[%swap3A_1097, %swap3A_1098], %mul3A_1096 {strides = array<i32>} : memref<64x64xf32, #tpu.memory_space<vmem>>, vector<16xf32>,
        %bitcast3A_1100 = vector.bitcast %scan3A_1034#1 : vector<16xf32> to vector<16xi32>
        %shift_right_logical3A_1101 = arith.constant 23 : i32
        %shift_right_logical3A_1102 = vector.broadcast %shift_right_logical3A_1101 : i32 to vector<16xi32>
        %shift_right_logical3A_1103 = arith.shrui %bitcast3A_1100, %shift_right_logical3A_1102 : vector<16xi32>
        %sub3A_1104 = arith.constant 127 : i32
        %sub3A_1105 = vector.broadcast %sub3A_1104 : i32 to vector<16xi32>
        %sub3A_1106 = arith.subi %shift_right_logical3A_1103, %sub3A_1105 : vector<16xi32>
        %and3A_1107 = arith.constant 8388607 : i32
        %and3A_1108 = vector.broadcast %and3A_1107 : i32 to vector<16xi32>
        %and3A_1109 = arith.andi %bitcast3A_1100, %and3A_1108 : vector<16xi32>
        %or3A_1110 = arith.constant 1065353216 : i32
        %or3A_1111 = vector.broadcast %or3A_1110 : i32 to vector<16xi32>
        %or3A_1112 = arith.ori %and3A_1109, %or3A_1111 : vector<16xi32>
        %bitcast3A_1113 = vector.bitcast %or3A_1112 : vector<16xi32> to vector<16xf32>
        %ge3A_1114 = arith.constant 1.41421354 : f32
        %ge3A_1115 = vector.broadcast %ge3A_1114 : f32 to vector<16xf32>
        %ge3A_1116 = arith.cmpf oge, %bitcast3A_1113, %ge3A_1115 : vector<16xf32>
        %mul3A_1117 = arith.constant 5.000000e-01 : f32
        %mul3A_1118 = vector.broadcast %mul3A_1117 : f32 to vector<16xf32>
        %mul3A_1119 = arith.mulf %bitcast3A_1113, %mul3A_1118 : vector<16xf32>
        %select_n3A_1120 = arith.select %ge3A_1116, %mul3A_1119, %bitcast3A_1113 : vector<16xi1>, vector<16xf32>
        %convert_element_type3A_1121 = arith.extui %ge3A_1116 : vector<16xi1> to vector<16xi32>
        %add3A_1122 = arith.addi %sub3A_1106, %convert_element_type3A_1121 : vector<16xi32>
        %convert_element_type3A_1123 = arith.sitofp %add3A_1122 : vector<16xi32> to vector<16xf32>
        %sub3A_1124 = arith.constant 1.000000e+00 : f32
        %sub3A_1125 = vector.broadcast %sub3A_1124 : f32 to vector<16xf32>
        %sub3A_1126 = arith.subf %select_n3A_1120, %sub3A_1125 : vector<16xf32>
        %mul3A_1127 = arith.constant 0.117844276 : f32
        %mul3A_1128 = vector.broadcast %mul3A_1127 : f32 to vector<16xf32>
        %mul3A_1129 = arith.mulf %mul3A_1128, %sub3A_1126 : vector<16xf32>
        %add3A_1130 = arith.constant -0.184558347 : f32
        %add3A_1131 = vector.broadcast %add3A_1130 : f32 to vector<16xf32>
        %add3A_1132 = arith.addf %mul3A_1129, %add3A_1131 : vector<16xf32>
        %mul3A_1133 = arith.mulf %add3A_1132, %sub3A_1126 : vector<16xf32>
        %add3A_1134 = arith.constant 0.2045542 : f32
        %add3A_1135 = vector.broadcast %add3A_1134 : f32 to vector<16xf32>
        %add3A_1136 = arith.addf %mul3A_1133, %add3A_1135 : vector<16xf32>
        %mul3A_1137 = arith.mulf %add3A_1136, %sub3A_1126 : vector<16xf32>
        %add3A_1138 = arith.constant -0.249295041 : f32
        %add3A_1139 = vector.broadcast %add3A_1138 : f32 to vector<16xf32>
        %add3A_1140 = arith.addf %mul3A_1137, %add3A_1139 : vector<16xf32>
        %mul3A_1141 = arith.mulf %add3A_1140, %sub3A_1126 : vector<16xf32>
        %add3A_1142 = arith.constant 0.333179325 : f32
        %add3A_1143 = vector.broadcast %add3A_1142 : f32 to vector<16xf32>
        %add3A_1144 = arith.addf %mul3A_1141, %add3A_1143 : vector<16xf32>
        %mul3A_1145 = arith.mulf %add3A_1144, %sub3A_1126 : vector<16xf32>
        %add3A_1146 = arith.constant -0.500007331 : f32
        %add3A_1147 = vector.broadcast %add3A_1146 : f32 to vector<16xf32>
        %add3A_1148 = arith.addf %mul3A_1145, %add3A_1147 : vector<16xf32>
        %mul3A_1149 = arith.mulf %add3A_1148, %sub3A_1126 : vector<16xf32>
        %add3A_1150 = arith.constant 1.00000072 : f32
        %add3A_1151 = vector.broadcast %add3A_1150 : f32 to vector<16xf32>
        %add3A_1152 = arith.addf %mul3A_1149, %add3A_1151 : vector<16xf32>
        %mul3A_1153 = arith.constant 0.693147182 : f32
        %mul3A_1154 = vector.broadcast %mul3A_1153 : f32 to vector<16xf32>
        %mul3A_1155 = arith.mulf %convert_element_type3A_1123, %mul3A_1154 : vector<16xf32>
        %mul3A_1156 = arith.mulf %sub3A_1126, %add3A_1152 : vector<16xf32>
        %add3A_1157 = arith.addf %mul3A_1155, %mul3A_1156 : vector<16xf32>
        %mul3A_1158 = arith.constant 0.166666672 : f32
        %mul3A_1159 = vector.broadcast %mul3A_1158 : f32 to vector<16xf32>
        %mul3A_1160 = arith.mulf %add3A_1157, %mul3A_1159 : vector<16xf32>
        %swap3A_1161 = arith.index_cast %add3A_1012 : i32 to index
        %swap3A_1162 = arith.constant 16 : index
        %swap3A_1163 = tpu.vector_load %arg11[%swap3A_1161, %swap3A_1162] {strides = array<i32>} : memref<64x64xf32, #tpu.memory_space<vmem>>, vector<16xf32>,
        tpu.vector_store %arg11[%swap3A_1161, %swap3A_1162], %mul3A_1160 {strides = array<i32>} : memref<64x64xf32, #tpu.memory_space<vmem>>, vector<16xf32>,
        %bitcast3A_1164 = vector.bitcast %scan3A_1034#2 : vector<16xf32> to vector<16xi32>
        %shift_right_logical3A_1165 = arith.constant 23 : i32
        %shift_right_logical3A_1166 = vector.broadcast %shift_right_logical3A_1165 : i32 to vector<16xi32>
        %shift_right_logical3A_1167 = arith.shrui %bitcast3A_1164, %shift_right_logical3A_1166 : vector<16xi32>
        %sub3A_1168 = arith.constant 127 : i32
        %sub3A_1169 = vector.broadcast %sub3A_1168 : i32 to vector<16xi32>
        %sub3A_1170 = arith.subi %shift_right_logical3A_1167, %sub3A_1169 : vector<16xi32>
        %and3A_1171 = arith.constant 8388607 : i32
        %and3A_1172 = vector.broadcast %and3A_1171 : i32 to vector<16xi32>
        %and3A_1173 = arith.andi %bitcast3A_1164, %and3A_1172 : vector<16xi32>
        %or3A_1174 = arith.constant 1065353216 : i32
        %or3A_1175 = vector.broadcast %or3A_1174 : i32 to vector<16xi32>
        %or3A_1176 = arith.ori %and3A_1173, %or3A_1175 : vector<16xi32>
        %bitcast3A_1177 = vector.bitcast %or3A_1176 : vector<16xi32> to vector<16xf32>
        %ge3A_1178 = arith.constant 1.41421354 : f32
        %ge3A_1179 = vector.broadcast %ge3A_1178 : f32 to vector<16xf32>
        %ge3A_1180 = arith.cmpf oge, %bitcast3A_1177, %ge3A_1179 : vector<16xf32>
        %mul3A_1181 = arith.constant 5.000000e-01 : f32
        %mul3A_1182 = vector.broadcast %mul3A_1181 : f32 to vector<16xf32>
        %mul3A_1183 = arith.mulf %bitcast3A_1177, %mul3A_1182 : vector<16xf32>
        %select_n3A_1184 = arith.select %ge3A_1180, %mul3A_1183, %bitcast3A_1177 : vector<16xi1>, vector<16xf32>
        %convert_element_type3A_1185 = arith.extui %ge3A_1180 : vector<16xi1> to vector<16xi32>
        %add3A_1186 = arith.addi %sub3A_1170, %convert_element_type3A_1185 : vector<16xi32>
        %convert_element_type3A_1187 = arith.sitofp %add3A_1186 : vector<16xi32> to vector<16xf32>
        %sub3A_1188 = arith.constant 1.000000e+00 : f32
        %sub3A_1189 = vector.broadcast %sub3A_1188 : f32 to vector<16xf32>
        %sub3A_1190 = arith.subf %select_n3A_1184, %sub3A_1189 : vector<16xf32>
        %mul3A_1191 = arith.constant 0.117844276 : f32
        %mul3A_1192 = vector.broadcast %mul3A_1191 : f32 to vector<16xf32>
        %mul3A_1193 = arith.mulf %mul3A_1192, %sub3A_1190 : vector<16xf32>
        %add3A_1194 = arith.constant -0.184558347 : f32
        %add3A_1195 = vector.broadcast %add3A_1194 : f32 to vector<16xf32>
        %add3A_1196 = arith.addf %mul3A_1193, %add3A_1195 : vector<16xf32>
        %mul3A_1197 = arith.mulf %add3A_1196, %sub3A_1190 : vector<16xf32>
        %add3A_1198 = arith.constant 0.2045542 : f32
        %add3A_1199 = vector.broadcast %add3A_1198 : f32 to vector<16xf32>
        %add3A_1200 = arith.addf %mul3A_1197, %add3A_1199 : vector<16xf32>
        %mul3A_1201 = arith.mulf %add3A_1200, %sub3A_1190 : vector<16xf32>
        %add3A_1202 = arith.constant -0.249295041 : f32
        %add3A_1203 = vector.broadcast %add3A_1202 : f32 to vector<16xf32>
        %add3A_1204 = arith.addf %mul3A_1201, %add3A_1203 : vector<16xf32>
        %mul3A_1205 = arith.mulf %add3A_1204, %sub3A_1190 : vector<16xf32>
        %add3A_1206 = arith.constant 0.333179325 : f32
        %add3A_1207 = vector.broadcast %add3A_1206 : f32 to vector<16xf32>
        %add3A_1208 = arith.addf %mul3A_1205, %add3A_1207 : vector<16xf32>
        %mul3A_1209 = arith.mulf %add3A_1208, %sub3A_1190 : vector<16xf32>
        %add3A_1210 = arith.constant -0.500007331 : f32
        %add3A_1211 = vector.broadcast %add3A_1210 : f32 to vector<16xf32>
        %add3A_1212 = arith.addf %mul3A_1209, %add3A_1211 : vector<16xf32>
        %mul3A_1213 = arith.mulf %add3A_1212, %sub3A_1190 : vector<16xf32>
        %add3A_1214 = arith.constant 1.00000072 : f32
        %add3A_1215 = vector.broadcast %add3A_1214 : f32 to vector<16xf32>
        %add3A_1216 = arith.addf %mul3A_1213, %add3A_1215 : vector<16xf32>
        %mul3A_1217 = arith.constant 0.693147182 : f32
        %mul3A_1218 = vector.broadcast %mul3A_1217 : f32 to vector<16xf32>
        %mul3A_1219 = arith.mulf %convert_element_type3A_1187, %mul3A_1218 : vector<16xf32>
        %mul3A_1220 = arith.mulf %sub3A_1190, %add3A_1216 : vector<16xf32>
        %add3A_1221 = arith.addf %mul3A_1219, %mul3A_1220 : vector<16xf32>
        %mul3A_1222 = arith.constant 0.166666672 : f32
        %mul3A_1223 = vector.broadcast %mul3A_1222 : f32 to vector<16xf32>
        %mul3A_1224 = arith.mulf %add3A_1221, %mul3A_1223 : vector<16xf32>
        %swap3A_1225 = arith.index_cast %add3A_1012 : i32 to index
        %swap3A_1226 = arith.constant 32 : index
        %swap3A_1227 = tpu.vector_load %arg11[%swap3A_1225, %swap3A_1226] {strides = array<i32>} : memref<64x64xf32, #tpu.memory_space<vmem>>, vector<16xf32>,
        tpu.vector_store %arg11[%swap3A_1225, %swap3A_1226], %mul3A_1224 {strides = array<i32>} : memref<64x64xf32, #tpu.memory_space<vmem>>, vector<16xf32>,
        %bitcast3A_1228 = vector.bitcast %scan3A_1034#3 : vector<16xf32> to vector<16xi32>
        %shift_right_logical3A_1229 = arith.constant 23 : i32
        %shift_right_logical3A_1230 = vector.broadcast %shift_right_logical3A_1229 : i32 to vector<16xi32>
        %shift_right_logical3A_1231 = arith.shrui %bitcast3A_1228, %shift_right_logical3A_1230 : vector<16xi32>
        %sub3A_1232 = arith.constant 127 : i32
        %sub3A_1233 = vector.broadcast %sub3A_1232 : i32 to vector<16xi32>
        %sub3A_1234 = arith.subi %shift_right_logical3A_1231, %sub3A_1233 : vector<16xi32>
        %and3A_1235 = arith.constant 8388607 : i32
        %and3A_1236 = vector.broadcast %and3A_1235 : i32 to vector<16xi32>
        %and3A_1237 = arith.andi %bitcast3A_1228, %and3A_1236 : vector<16xi32>
        %or3A_1238 = arith.constant 1065353216 : i32
        %or3A_1239 = vector.broadcast %or3A_1238 : i32 to vector<16xi32>
        %or3A_1240 = arith.ori %and3A_1237, %or3A_1239 : vector<16xi32>
        %bitcast3A_1241 = vector.bitcast %or3A_1240 : vector<16xi32> to vector<16xf32>
        %ge3A_1242 = arith.constant 1.41421354 : f32
        %ge3A_1243 = vector.broadcast %ge3A_1242 : f32 to vector<16xf32>
        %ge3A_1244 = arith.cmpf oge, %bitcast3A_1241, %ge3A_1243 : vector<16xf32>
        %mul3A_1245 = arith.constant 5.000000e-01 : f32
        %mul3A_1246 = vector.broadcast %mul3A_1245 : f32 to vector<16xf32>
        %mul3A_1247 = arith.mulf %bitcast3A_1241, %mul3A_1246 : vector<16xf32>
        %select_n3A_1248 = arith.select %ge3A_1244, %mul3A_1247, %bitcast3A_1241 : vector<16xi1>, vector<16xf32>
        %convert_element_type3A_1249 = arith.extui %ge3A_1244 : vector<16xi1> to vector<16xi32>
        %add3A_1250 = arith.addi %sub3A_1234, %convert_element_type3A_1249 : vector<16xi32>
        %convert_element_type3A_1251 = arith.sitofp %add3A_1250 : vector<16xi32> to vector<16xf32>
        %sub3A_1252 = arith.constant 1.000000e+00 : f32
        %sub3A_1253 = vector.broadcast %sub3A_1252 : f32 to vector<16xf32>
        %sub3A_1254 = arith.subf %select_n3A_1248, %sub3A_1253 : vector<16xf32>
        %mul3A_1255 = arith.constant 0.117844276 : f32
        %mul3A_1256 = vector.broadcast %mul3A_1255 : f32 to vector<16xf32>
        %mul3A_1257 = arith.mulf %mul3A_1256, %sub3A_1254 : vector<16xf32>
        %add3A_1258 = arith.constant -0.184558347 : f32
        %add3A_1259 = vector.broadcast %add3A_1258 : f32 to vector<16xf32>
        %add3A_1260 = arith.addf %mul3A_1257, %add3A_1259 : vector<16xf32>
        %mul3A_1261 = arith.mulf %add3A_1260, %sub3A_1254 : vector<16xf32>
        %add3A_1262 = arith.constant 0.2045542 : f32
        %add3A_1263 = vector.broadcast %add3A_1262 : f32 to vector<16xf32>
        %add3A_1264 = arith.addf %mul3A_1261, %add3A_1263 : vector<16xf32>
        %mul3A_1265 = arith.mulf %add3A_1264, %sub3A_1254 : vector<16xf32>
        %add3A_1266 = arith.constant -0.249295041 : f32
        %add3A_1267 = vector.broadcast %add3A_1266 : f32 to vector<16xf32>
        %add3A_1268 = arith.addf %mul3A_1265, %add3A_1267 : vector<16xf32>
        %mul3A_1269 = arith.mulf %add3A_1268, %sub3A_1254 : vector<16xf32>
        %add3A_1270 = arith.constant 0.333179325 : f32
        %add3A_1271 = vector.broadcast %add3A_1270 : f32 to vector<16xf32>
        %add3A_1272 = arith.addf %mul3A_1269, %add3A_1271 : vector<16xf32>
        %mul3A_1273 = arith.mulf %add3A_1272, %sub3A_1254 : vector<16xf32>
        %add3A_1274 = arith.constant -0.500007331 : f32
        %add3A_1275 = vector.broadcast %add3A_1274 : f32 to vector<16xf32>
        %add3A_1276 = arith.addf %mul3A_1273, %add3A_1275 : vector<16xf32>
        %mul3A_1277 = arith.mulf %add3A_1276, %sub3A_1254 : vector<16xf32>
        %add3A_1278 = arith.constant 1.00000072 : f32
        %add3A_1279 = vector.broadcast %add3A_1278 : f32 to vector<16xf32>
        %add3A_1280 = arith.addf %mul3A_1277, %add3A_1279 : vector<16xf32>
        %mul3A_1281 = arith.constant 0.693147182 : f32
        %mul3A_1282 = vector.broadcast %mul3A_1281 : f32 to vector<16xf32>
        %mul3A_1283 = arith.mulf %convert_element_type3A_1251, %mul3A_1282 : vector<16xf32>
        %mul3A_1284 = arith.mulf %sub3A_1254, %add3A_1280 : vector<16xf32>
        %add3A_1285 = arith.addf %mul3A_1283, %mul3A_1284 : vector<16xf32>
        %mul3A_1286 = arith.constant 0.166666672 : f32
        %mul3A_1287 = vector.broadcast %mul3A_1286 : f32 to vector<16xf32>
        %mul3A_1288 = arith.mulf %add3A_1285, %mul3A_1287 : vector<16xf32>
        %swap3A_1289 = arith.index_cast %add3A_1012 : i32 to index
        %swap3A_1290 = arith.constant 48 : index
        %swap3A_1291 = tpu.vector_load %arg11[%swap3A_1289, %swap3A_1290] {strides = array<i32>} : memref<64x64xf32, #tpu.memory_space<vmem>>, vector<16xf32>,
        tpu.vector_store %arg11[%swap3A_1289, %swap3A_1290], %mul3A_1288 {strides = array<i32>} : memref<64x64xf32, #tpu.memory_space<vmem>>, vector<16xf32>,
        %add3A_1292 = arith.constant 4 : i32
        %add3A_1293 = arith.addi %add3A_1012, %add3A_1292 : i32
        %lt3A_1294 = arith.constant 64 : i32
        %lt3A_1295 = arith.cmpi slt, %add3A_1293, %lt3A_1294 : i32
        %convert_element_type3A_1296 = arith.extui %lt3A_1295 : i1 to i32
        %cond3A_1297 = arith.constant 0 : i32
        %cond3A_1298 = arith.cmpi ne, %convert_element_type3A_1296, %cond3A_1297 : i32
        scf.if %cond3A_1298 {
          %add3A_1299 = arith.constant 4 : i32
          %add3A_1300 = arith.addi %add3A_1012, %add3A_1299 : i32
          %dma_start3A_1301 = arith.constant 3 : i32
          %dma_start3A_1302 = arith.constant 0 : i32
          %dma_start3A_1303 = arith.constant 0 : i32
          %dma_start3A_1304 = tpu.memref_slice %arg10[%dma_start3A_1301, %dma_start3A_1302, %dma_start3A_1303] : memref<4x200x64xf32, #tpu.memory_space<vmem>> -> memref<1x128x64xf32, #tpu.memory_space<vmem>>
          %dma_start3A_1305 = tpu.memref_squeeze %dma_start3A_1304 : memref<1x128x64xf32, #tpu.memory_space<vmem>> -> memref<128x64xf32, #tpu.memory_space<vmem>>
          %dma_start3A_1306 = arith.constant 0 : i32
          %dma_start3A_1307 = tpu.memref_slice %arg8[%add3A_1300, %dma_start3A_1306] : memref<64x128xi32, #tpu.memory_space<vmem>> -> memref<1x128xi32, #tpu.memory_space<vmem>>
          %dma_start3A_1308 = tpu.memref_squeeze %dma_start3A_1307 : memref<1x128xi32, #tpu.memory_space<vmem>> -> memref<128xi32, #tpu.memory_space<vmem>>
          %dma_start3A_1309 = arith.constant 0 : i32
          %dma_start3A_1310 = arith.constant 0 : i32
          %dma_start3A_1311 = tpu.memref_slice %arg5[%dma_start3A_1309, %dma_start3A_1310] : memref<1000000x64xf32, #tpu.memory_space<hbm>> -> memref<1000000x64xf32, #tpu.memory_space<hbm>>
          tpu.enqueue_indirect_dma source(%dma_start3A_1311 : memref<1000000x64xf32, #tpu.memory_space<hbm>>) target(%dma_start3A_1305 : memref<128x64xf32, #tpu.memory_space<vmem>>) offsets(%dma_start3A_1308 : memref<128xi32, #tpu.memory_space<vmem>>) semaphore(%arg17 : memref<!tpu.dma_semaphore, #tpu.memory_space<semaphore_mem>>)
          %dma_start3A_1312 = arith.constant 3 : i32
          %dma_start3A_1313 = arith.constant 128 : i32
          %dma_start3A_1314 = arith.constant 0 : i32
          %dma_start3A_1315 = tpu.memref_slice %arg10[%dma_start3A_1312, %dma_start3A_1313, %dma_start3A_1314] : memref<4x200x64xf32, #tpu.memory_space<vmem>> -> memref<1x72x64xf32, #tpu.memory_space<vmem>>
          %dma_start3A_1316 = tpu.memref_squeeze %dma_start3A_1315 : memref<1x72x64xf32, #tpu.memory_space<vmem>> -> memref<72x64xf32, #tpu.memory_space<vmem>>
          %dma_start3A_1317 = arith.constant 0 : i32
          %dma_start3A_1318 = tpu.memref_slice %arg9[%add3A_1300, %dma_start3A_1317] : memref<64x128xi32, #tpu.memory_space<vmem>> -> memref<1x72xi32, #tpu.memory_space<vmem>>
          %dma_start3A_1319 = tpu.memref_squeeze %dma_start3A_1318 : memref<1x72xi32, #tpu.memory_space<vmem>> -> memref<72xi32, #tpu.memory_space<vmem>>
          %dma_start3A_1320 = arith.constant 0 : i32
          %dma_start3A_1321 = arith.constant 0 : i32
          %dma_start3A_1322 = tpu.memref_slice %arg5[%dma_start3A_1320, %dma_start3A_1321] : memref<1000000x64xf32, #tpu.memory_space<hbm>> -> memref<1000000x64xf32, #tpu.memory_space<hbm>>
          tpu.enqueue_indirect_dma source(%dma_start3A_1322 : memref<1000000x64xf32, #tpu.memory_space<hbm>>) target(%dma_start3A_1316 : memref<72x64xf32, #tpu.memory_space<vmem>>) offsets(%dma_start3A_1319 : memref<72xi32, #tpu.memory_space<vmem>>) semaphore(%arg17 : memref<!tpu.dma_semaphore, #tpu.memory_space<semaphore_mem>>)
        } else {
        }
      }
      %scan3A_153 = arith.constant 16 : i32
      "tpu.region"() ({
        %run_scoped3A = tpu.sem_alloc : memref<!tpu.dma_semaphore, #tpu.memory_space<semaphore_mem>>
        %dma_start3A_154 = arith.constant 64 : i32
        %dma_start3A_155 = tpu.memref_slice %arg7[%add3A_52, %dma_start3A_154] : memref<16384x128xf32, #tpu.memory_space<hbm>> -> memref<64x64xf32, #tpu.memory_space<hbm>>
        %dma_start3A_156 = arith.constant 64 : i32
        %dma_start3A_157 = tpu.memref_slice %arg7[%add3A_52, %dma_start3A_156] : memref<16384x128xf32, #tpu.memory_space<hbm>> -> memref<64x64xf32, #tpu.memory_space<hbm>>
        tpu.enqueue_dma source(%arg11 : memref<64x64xf32, #tpu.memory_space<vmem>>) target(%dma_start3A_157 : memref<64x64xf32, #tpu.memory_space<hbm>>) target_semaphore(%run_scoped3A : memref<!tpu.dma_semaphore, #tpu.memory_space<semaphore_mem>>)
        %dma_wait3A_158 = arith.constant 64 : i32
        %dma_wait3A_159 = tpu.memref_slice %arg7[%add3A_52, %dma_wait3A_158] : memref<16384x128xf32, #tpu.memory_space<hbm>> -> memref<64x64xf32, #tpu.memory_space<hbm>>
        %dma_wait3A_160 = arith.constant 64 : i32
        %dma_wait3A_161 = tpu.memref_slice %arg7[%add3A_52, %dma_wait3A_160] : memref<16384x128xf32, #tpu.memory_space<hbm>> -> memref<64x64xf32, #tpu.memory_space<hbm>>
        tpu.wait_dma2 semaphore(%run_scoped3A : memref<!tpu.dma_semaphore, #tpu.memory_space<semaphore_mem>>) src(%arg11 : memref<64x64xf32, #tpu.memory_space<vmem>>) dst(%dma_wait3A_161 : memref<64x64xf32, #tpu.memory_space<hbm>>)
        tpu.yield
      }) : () -> ()
    }
    %scan3A_44 = arith.constant 8 : i32
    return
  }
}

module attributes {stable_mosaic.version = 14 : i64} {
  func.func @_split_body(%arg0: i32, %arg1: memref<2048x200xi32, #tpu.memory_space<vmem>>, %arg2: memref<2048x128xi32, #tpu.memory_space<vmem>>, %arg3: memref<2048x128xi32, #tpu.memory_space<vmem>>) attributes {dimension_semantics = [#tpu.dimension_semantics<arbitrary>], iteration_bounds = array<i64: 8>, scalar_prefetch = 0 : i64, scratch_operands = 0 : i64, tpu.core_type = #tpu.core_type<tc>, window_params = [{transform_indices = @transform_0, window_bounds = array<i64: 2048, 200>}, {transform_indices = @transform_1, window_bounds = array<i64: 2048, 128>}, {transform_indices = @transform_2, window_bounds = array<i64: 2048, 128>}]} {
    %get3A = arith.constant 0 : index
    %get3A_0 = arith.constant 0 : index
    %get3A_1 = vector.load %arg1[%get3A, %get3A_0] : memref<2048x200xi32, #tpu.memory_space<vmem>>, vector<2048x128xi32>
    %swap3A = arith.constant 0 : index
    %swap3A_2 = arith.constant 0 : index
    %swap3A_3 = vector.load %arg2[%swap3A, %swap3A_2] : memref<2048x128xi32, #tpu.memory_space<vmem>>, vector<2048x128xi32>
    tpu.vector_store %arg2[%swap3A, %swap3A_2], %get3A_1 {strides = array<i32>} : memref<2048x128xi32, #tpu.memory_space<vmem>>, vector<2048x128xi32>,
    %broadcast_in_dim3A = arith.constant 0 : i32
    %broadcast_in_dim3A_4 = vector.broadcast %broadcast_in_dim3A : i32 to vector<2048x128xi32>
    %swap3A_5 = arith.constant 0 : index
    %swap3A_6 = arith.constant 0 : index
    %swap3A_7 = vector.load %arg3[%swap3A_5, %swap3A_6] : memref<2048x128xi32, #tpu.memory_space<vmem>>, vector<2048x128xi32>
    tpu.vector_store %arg3[%swap3A_5, %swap3A_6], %broadcast_in_dim3A_4 {strides = array<i32>} : memref<2048x128xi32, #tpu.memory_space<vmem>>, vector<2048x128xi32>,
    %get3A_8 = arith.constant 0 : index
    %get3A_9 = arith.constant 128 : index
    %get3A_10 = vector.load %arg1[%get3A_8, %get3A_9] : memref<2048x200xi32, #tpu.memory_space<vmem>>, vector<2048x72xi32>
    %swap3A_11 = arith.constant 0 : index
    %swap3A_12 = arith.constant 0 : index
    %swap3A_13 = vector.load %arg3[%swap3A_11, %swap3A_12] : memref<2048x128xi32, #tpu.memory_space<vmem>>, vector<2048x72xi32>
    tpu.vector_store %arg3[%swap3A_11, %swap3A_12], %get3A_10 {strides = array<i32>} : memref<2048x128xi32, #tpu.memory_space<vmem>>, vector<2048x72xi32>,
    return
  }
  func.func @transform_0(%arg0: i32) -> (i32, i32) {
    %c0_i32 = arith.constant 0 : i32
    %c0_i32_0 = arith.constant 0 : i32
    return %arg0, %c0_i32 : i32, i32
  }
  func.func @transform_1(%arg0: i32) -> (i32, i32) {
    %c0_i32 = arith.constant 0 : i32
    %c0_i32_0 = arith.constant 0 : i32
    return %arg0, %c0_i32 : i32, i32
  }
  func.func @transform_2(%arg0: i32) -> (i32, i32) {
    %c0_i32 = arith.constant 0 : i32
    %c0_i32_0 = arith.constant 0 : i32
    return %arg0, %c0_i32 : i32, i32
  }
}

</mosaic_0001>

<sc_bundles>
// kernel: kernel.4.cloned.1.call-start
scs
__scs_entry_jumppad:
0x0: {  	(pc) =	sbr.rel $0x88, $3  }
0x1: {  	(tag) =	ssettag $0x0;
	lr =	simm.s32 $0x1  }
0x2: {  	[smem:$0x3F9D] =	sst lr;
	_ =	strace $0xD0000000  }
0x3: {  	_ = 	snop  }
0x4: {  	_ = 	snop  }
0x5: {  	_ = 	snop  }
0x6: {  	_ = 	snop  }
0x7: {  	_ = 	snop  }
__scs_overlays_trampoline_lowered:
0x8: {  	[smem:$0x3FAC] =	sst s0  }
0x9: {  	[smem:$0x3FAD] =	sst s1  }
0xa: {  	[smem:$0x3FAE] =	sst s2  }
0xb: {  	[smem:$0x3FAF] =	sst s3  }
0xc: {  	[smem:$0x3FB0] =	sst s4  }
0xd: {  	[smem:$0x3FB1] =	sst s5  }
0xe: {  	[smem:$0x3FB2] =	sst s6  }
0xf: {  	[smem:$0x3FB3] =	sst s7  }
0x10: {  	[smem:$0x3FB4] =	sst s8  }
0x11: {  	[smem:$0x3FB5] =	sst s9;
	s0 =	simm.s32 @!p0 $0x0  }
0x12: {  	s1 =	sld [smem:$0x3F9B];
	s0 =	simm.s32 @p0 $0x1  }
0x13: {  	[smem:$0x3FB6] =	sst s0;
	s0 =	simm.s32 @!p1 $0x0  }
0x14: {  	s2 =	sld [smem:$0x3F9A];
	s0 =	simm.s32 @p1 $0x1  }
0x15: {  	[smem:$0x3FB7] =	sst s0;
	s0 =	simm.s32 @!p2 $0x0  }
0x16: {  	s3 =	sld [smem:$0x3FDB];
	s0 =	simm.s32 @p2 $0x1  }
0x17: {  	s4 =	simm.s32 $0x1BF5;
	[smem:$0x3FB9] =	sst s0  }
0x18: {  	s0 =	sld [smem:$0x3F9C];
	_ =	swait.ge [sflag:s4], $0x0  }
0x19: {  	s7 =	sld [smem:$0x3F9D]  }
0x1a: {  	s8 =	sadd.s32 $0xFFFFE003, lr  }
0x1b: {  	s9 =	sadd.s32 $0xFFFFFEF7, lr;
	s5 =	simm.s32 $0xFFFFFFFF;
	p2 =	slt.u32 s8, $0xFFFFF086  }
0x1c: {  	p1 =	slt.u32 s9, $0xF7A;
	s5 =	simm.s32 @!p2 $0x0  }
0x1d: {  	s5 =	simm.s32 @p1 $0x1;
	p0 =	seq.s32 s7, s2  }
0x1e: {  	s7 =	smul.u32 @!p0 $0xF7A, s2;
	p2 =	seq.s32 @!p0 s5, $0x0  }
0x1f: {  	s9 =	smul.u32 $0xF7A, s1;
	s8 =	simm.s32 @!p0 $0x1BF5;
	p2 =	por !p2, p0  }
0x20: {  	[sflag:s8] =	ssyncset.s32 @!p0 $0xFFFFF086;
	s6 =	sadd.s32 @!p0 s3, s7;
	s7 =	simm.s32 @!p0 $0x108  }
0x21: {  	s3 =	sadd.s32 s3, s9;
	s6 =	sadd.s32 @!p0 $0x88, s6;
	s7 =	simm.s32 @p2 $0x1082  }
0x22: {  	[simem:s7], [sflag:s8] =	dma.local @!p0 [hbm:s6], $0xF7A  }
0x23: {  	s9 =	sor.u32 $0xD0000000, s2;
	s6 =	simm.s32 $0x108;
	_ =	swait.ge @!p0 [sflag:s8], $0x0  }
0x24: {  	s3 =	sadd.s32 $0x88, s3;
	s6 =	simm.s32 @!p1 $0x1082;
	[sflag:s4] =	ssyncset.s32 $0xFFFFF086  }
0x25: {  	[simem:s6], [sflag:s4] =	dma.local [hbm:s3], $0xF7A  }
0x26: {  	[smem:$0x3F9D] =	sst s1;
	(tag) =	ssettag s2;
	_ =	strace s9  }
0x27: {  	s1 =	sld [smem:$0x3FAD]  }
0x28: {  	s2 =	sld [smem:$0x3FAE]  }
0x29: {  	s4 =	sld [smem:$0x3FB0]  }
0x2a: {  	p0 =	seq.s32 s5, $0x0;
	s5 =	sld [smem:$0x3FB1]  }
0x2b: {  	s6 =	sld [smem:$0x3FB2]  }
0x2c: {  	s7 =	sld [smem:$0x3FB3]  }
0x2d: {  	s3 =	simm.s32 $0x108;
	s8 =	sld [smem:$0x3FB4]  }
0x2e: {  	s3 =	simm.s32 @!p0 $0x1082;
	s9 =	sld [smem:$0x3FB5]  }
0x2f: {  	lr =	sadd.s32 s0, s3;
	s0 =	sld [smem:$0x3FAC]  }
0x30: {  	s3 =	sld [smem:$0x3FAF]  }
0x31: {  	[smem:$0x3FB8] =	sst s10  }
0x32: {  	s10 =	sld [smem:$0x3FB6];
	_ =	sdelay $0x3  }
0x33: {  	p0 =	seq.s32 s10, $0x1;
	s10 =	sld [smem:$0x3FB8];
	_ =	sdelay $0x3  }
0x34: {  	[smem:$0x3FB8] =	sst s10  }
0x35: {  	s10 =	sld [smem:$0x3FB7];
	_ =	sdelay $0x3  }
0x36: {  	p1 =	seq.s32 s10, $0x1;
	s10 =	sld [smem:$0x3FB8];
	_ =	sdelay $0x3  }
0x37: {  	[smem:$0x3FB8] =	sst s10  }
0x38: {  	s10 =	sld [smem:$0x3FB9]  }
0x39: {  	_ = 	snop;
	(pc) =	sbr.ind lr, $3  }
0x3a: {  	_ = 	snop  }
0x3b: {  	_ = 	snop  }
0x3c: {  	p2 =	seq.s32 s10, $0x1;
	s10 =	sld [smem:$0x3FB8]  }
0x3d: {  	_ =	shalt  }
0x3e: {  	_ =	shalt  }
0x3f: {  	_ =	shalt  }
0x40: {  	_ =	shalt  }
0x41: {  	_ =	shalt  }
0x42: {  	_ =	shalt  }
0x43: {  	_ =	shalt  }
0x44: {  	_ =	shalt  }
0x45: {  	_ =	shalt  }
0x46: {  	_ =	shalt  }
0x47: {  	_ =	shalt  }
0x48: {  	_ =	shalt  }
0x49: {  	_ =	shalt  }
0x4a: {  	_ =	shalt  }
0x4b: {  	_ =	shalt  }
0x4c: {  	_ =	shalt  }
0x4d: {  	_ =	shalt  }
0x4e: {  	_ =	shalt  }
0x4f: {  	_ =	shalt  }
0x50: {  	_ =	shalt  }
0x51: {  	_ =	shalt  }
0x52: {  	_ =	shalt  }
0x53: {  	_ =	shalt  }
0x54: {  	_ =	shalt  }
0x55: {  	_ =	shalt  }
0x56: {  	_ =	shalt  }
0x57: {  	_ =	shalt  }
0x58: {  	_ =	shalt  }
0x59: {  	_ =	shalt  }
0x5a: {  	_ =	shalt  }
0x5b: {  	_ =	shalt  }
0x5c: {  	_ =	shalt  }
0x5d: {  	_ =	shalt  }
0x5e: {  	_ =	shalt  }
0x5f: {  	_ =	shalt  }
0x60: {  	_ =	shalt  }
0x61: {  	_ =	shalt  }
0x62: {  	_ =	shalt  }
0x63: {  	_ =	shalt  }
0x64: {  	_ =	shalt  }
0x65: {  	_ =	shalt  }
0x66: {  	_ =	shalt  }
0x67: {  	_ =	shalt  }
0x68: {  	_ =	shalt  }
0x69: {  	_ =	shalt  }
0x6a: {  	_ =	shalt  }
0x6b: {  	_ =	shalt  }
0x6c: {  	_ =	shalt  }
0x6d: {  	_ =	shalt  }
0x6e: {  	_ =	shalt  }
0x6f: {  	_ =	shalt  }
0x70: {  	_ =	shalt  }
0x71: {  	_ =	shalt  }
0x72: {  	_ =	shalt  }
0x73: {  	_ =	shalt  }
0x74: {  	_ =	shalt  }
0x75: {  	_ =	shalt  }
0x76: {  	_ =	shalt  }
0x77: {  	_ =	shalt  }
0x78: {  	_ =	shalt  }
0x79: {  	_ =	shalt  }
0x7a: {  	_ =	shalt  }
0x7b: {  	_ =	shalt  }
0x7c: {  	_ =	shalt  }
0x7d: {  	_ =	shalt  }
0x7e: {  	_ =	shalt  }
0x7f: {  	_ =	shalt  }
0x80: {  	_ =	shalt  }
0x81: {  	_ =	shalt  }
0x82: {  	_ =	shalt  }
0x83: {  	_ =	shalt  }
0x84: {  	_ =	shalt  }
0x85: {  	_ =	shalt  }
0x86: {  	_ =	shalt  }
0x87: {  	_ =	shalt  }
.Lfunc_end0:
.L_simem_size_0:
called_computation_lowered:
.L_overlay_start_0:
0x88: {  	s2 =	sld [smem:$0x3FD9]  }
0x89: {  	s3 =	sld [smem:$0x3FFE];
	_ =	sdelay $0x1  }
0x8a: {  	s1 =	srdreg.scid  }
0x8b: {  	s0 =	sand.u32 $0x1, s1  }
0x8c: {  	s17 =	sshll.u32 s0, $0xA;
	s2 =	sadd.s32 s3, s2  }
0x8d: {  	s2 =	sadd.s32 s2, s17  }
0x8e: {  	[smem:$0x3FC4] =	sst s2  }
0x8f: {  	_ = 	snop  }
0x90: {  	s2 =	sld [smem:$0x3FC8]  }
0x91: {  	s18 =	sld [smem:$0x3FD0];
	(tm) =	ssettm $0x1  }
0x92: {  	s4 =	sld [smem:$0x3FFB];
	_ =	sdelay $0x3  }
0x93: {  	_ =	strace s4  }
0x94: {  	s4 =	sld [smem:$0x3FFC];
	_ =	sdelay $0x3  }
0x95: {  	_ =	strace s4  }
0x96: {  	s4 =	sld [smem:$0x3FFD];
	_ =	sdelay $0x3  }
0x97: {  	_ =	strace s4  }
0x98: {  	_ =	strace $0x8FFFFFFF  }
0x99: {  	s19 =	sld [smem:$0x3FDB];
	_ =	sdelay $0x1  }
0x9a: {  	s5 =	simm.s32 $_scs_section_size  }
0x9b: {  	s6 =	simm.s32 $_size__tile_overlayer_lowered;
	s7 =	simm.s32 $_tile_overlayer_lowered  }
0x9c: {  	s22 =	simm.s32 $0x1BFF;
	s21 =	sshll.u32 s7, $0x1;
	s4 =	sadd.s32 s5, s19  }
0x9d: {  	s8 =	simm.s32 $0x0;
	s20 =	sshll.u32 s6, $0x1;
	s6 =	sadd.s32 s21, s4  }
0x9e: {  	[timem:s8], [sflag:s22] =	dma.local [hbm:s6], s20  }
0x9f: {  	_ =	swait.ge [sflag:s22], s20  }
0xa0: {  	s5 =	ssub.s32 $0x0, s20;
	[sflag:s22] =	ssyncset.done $0x0  }
0xa1: {  	[sflag:s22] =	ssyncadd.s32 s5;
	_ =	sdelay $0x1  }
0xa2: {  	s23 =	simm.s32 $0x1B8B  }
0xa3: {  	_ =	swait.ge [sflag:s23], $0x1  }
0xa4: {  	[sflag:s23] =	ssyncset.done $0x0  }
0xa5: {  	s25 =	simm.s32 $0x1B8E;
	s24 =	sld [smem:$0x3FFE];
	[sflag:s23] =	ssyncadd.s32 $0xFFFFFFFF  }
0xa6: {  	s26 =	simm.s32 $execute0_lowered;
	[smem:$0x3FD2] =	sst s25  }
0xa7: {  	s6 =	sshll.u32 s26, $0x1;
	_ =	strace $0x80000046;
	[dreg:$0x1] =	wrdreg $0xFFFFFFFF  }
0xa8: {  	s28 =	simm.s32 $_size_execute0_lowered;
	s4 =	sadd.s32 s4, s6;
	[dreg:$0x0] =	wrdreg $0x0  }
0xa9: {  	s6 =	sshll.u32 s28, $0x1;
	[dreg:$0x2] =	wrdreg s4  }
0xaa: {  	[dreg:$0x3] =	wrdreg s6  }
0xab: {  	[dreg:$0x4] =	wrdreg $0xC0  }
0xac: {  	_ =	task [dreg:s8], $0x5FFFF  }
0xad: {  	[dreg:$0x1] =	wrdreg $0xFFFFFFFF  }
0xae: {  	[dreg:$0x0] =	wrdreg $0x60  }
0xaf: {  	[dreg:$0x2] =	wrdreg s24  }
0xb0: {  	[dreg:$0x3] =	wrdreg s2  }
0xb1: {  	[dreg:$0x4] =	wrdreg s18  }
0xb2: {  	[dreg:$0x5] =	wrdreg $0x9  }
0xb3: {  	_ =	task.clear_ibuf [dreg:s8], $0x6FFFF;
	_ =	strace $0x90000046  }
0xb4: {  	s29 =	simm.s32 $0x9;
	_ =	strace $0x80000048  }
0xb5: {  	_ =	swait.ge [sflag:s29], $0x1  }
0xb6: {  	[sflag:s29] =	ssyncadd.s32 $0xFFFFFFFF  }
0xb7: {  	_ =	strace $0x90000048  }
0xb8: {  	_ =	sfence  }
0xb9: {  	s30 =	sld [smem:$0x0];
	_ =	sdelay $0x2  }
0xba: {  	s31 =	sshll.u32 s1, $0xD;
	s1 =	sshrl.u32 s1, $0x2  }
0xbb: {  	s3 =	sand.u32 $0x4000, s31;
	s1 =	sadd.s32 s1, s30  }
0xbc: {  	s0 =	sor.u32 s3, s0;
	s1 =	sshll.u32 s1, $0x11  }
0xbd: {  	s0 =	sor.u32 s1, s0  }
0xbe: {  	s0 =	sadd.s32 $0x8F2B, s0  }
0xbf: {  	[sflag:s0] =	ssyncadd.remote.s32 $0x1  }
0xc0: {  	_ =	sfence.sel $0xFFFF  }
0xc1: {  	[dreg:$0x0] =	wrdreg $0xFFFFFFFF;
	(pc) =	sbr.abs _section_cstart, $3  }
0xc2: {  	[dreg:$0x1] =	wrdreg $0xFFFFFFFF  }
0xc3: {  	_ =	task.clear_ibuf [dreg:s8], $0x2FFFF;
	_ =	strace $0x9FFFFFFF  }
0xc4: {  	(tm) =	ssettm $0x7FFFFFFF  }
0xc5: {  	_ =	shalt  }
tec
execute0_lowered:
.L_overlay_start_1:
0x0: {  	(tag) =	ssettag $0x1  }
0x1: {  	s0 =	rddreg [dreg:$0x0]  }
0x2: {  	s1 =	rddreg [dreg:$0x1]  }
0x3: {  	s2 =	rddreg [dreg:$0x2];
	s3 =	simm.s32 $0x0  }
0x4: {  	s5 =	srdreg.scid;
	s9 =	stileid.u32;
	s19 =	simm.s32 $0x6  }
0x5: {  	s20 =	simm.s32 $0x80;
	s10 =	simm.s32 $0x180;
	s11 =	simm.s32 $0xD600  }
0x6: {  	s12 =	simm.s32 $0x2180;
	s13 =	simm.s32 $0xF600;
	s14 =	simm.s32 $0x1  }
0x7: {  	s15 =	simm.s32 $0x2;
	s17 =	simm.s32 $0x3;
	[smem:$0x7FF] =	sst s3  }
0x8: {  	s3 =	sadd.s32 $0xA00, s0;
	s6 =	sand.u32 $0x1, s5;
	s5 =	sadd.s32 $0xFC2E00, s0  }
0x9: {  	s4 =	sadd.s32 $0x40A00, s0;
	s9 =	sshll.u32 s9, $0xA;
	s0 =	sadd.s32 $0x207400, s0  }
0xa: {  	s16 =	sadd.s32 $0x8, s2;
	s7 =	ssub.s32 $0x2, s6;
	s6 =	sshll.u32 s6, $0x9  }
0xb: {  	_ =	strace $0x80000047;
	s8 =	sshrl.u32 s7, $0x1;
	s6 =	sor.u32 s6, s9  }
0xc: {  	[dreg:$0x4] =	wrdreg s0;
	s21 =	ssub.s32 s7, s8;
	s22 =	sshrl.u32 s6, $0x3  }
0xd: {  	s7 =	sshll.u32 s6, $0x4;
	s9 =	sor.u32 $0x80, s6;
	s26 =	sor.u32 $0x100, s6  }
0xe: {  	s6 =	sor.u32 $0x180, s6;
	s8 =	sadd.s32 s1, s22;
	s23 =	sadd.s32 s2, s7  }
0xf: {  	s24 =	sshrl.u32 s9, $0x3;
	s25 =	sshll.u32 s9, $0x4;
	s28 =	sshrl.u32 s26, $0x3  }
0x10: {  	s29 =	sshll.u32 s26, $0x4;
	s30 =	sshrl.u32 s6, $0x3;
	s31 =	sshll.u32 s6, $0x4  }
0x11: {  	s0 =	smax.u32 s21, $0x1;
	s26 =	simm.s32 $0x48;
	[dreg:$0x5] =	wrdreg s8  }
0x12: {  	s9 =	simm.s32 $0xC400;
	s6 =	simm.s32 $0x10800;
	[dreg:$0x6] =	wrdreg s23  }
0x13: {  	s21 =	simm.s32 $0x0;
	s8 =	sadd.s32 s1, s24;
	[dreg:$0xd] =	wrdreg s0  }
0x14: {  	s23 =	simm.s32 $0x40;
	[dreg:$0x7] =	wrdreg s8;
	s8 =	sadd.s32 s2, s25  }
.Ltmp0:
0x15: {  	[dreg:$0x8] =	wrdreg s8;
	s8 =	sadd.s32 s1, s28;
	(pc) =	sbr.rel .LBB2_1-.Ltmp0, $4  }
0x16: {  	s24 =	simm.s32 $0x2000;
	s1 =	sadd.s32 s1, s30;
	[dreg:$0x9] =	wrdreg s8  }
0x17: {  	s0 =	simm.s32 $0x100;
	s8 =	sadd.s32 s2, s29;
	[dreg:$0xb] =	wrdreg s1  }
0x18: {  	s1 =	sadd.s32 s2, s31;
	s2 =	simm.s32 $0xA400;
	[dreg:$0xa] =	wrdreg s8  }
0x19: {  	v0 =	vimm.s32 $0x0;
	[dreg:$0xc] =	wrdreg s1;
	s8 =	simm.s32 $0x2100;
	s1 =	simm.s32 $0x4  }
.LBB2_14:
0x1a: {  	s21 =	rddreg [dreg:$0xe]  }
0x1b: {  	s18 =	rddreg [dreg:$0xd];
	s21 =	sadd.s32 $0x1, s21  }
0x1c: {  	p0 =	sne.s32 s21, s18  }
.Ltmp1:
0x1d: {  	_ = 	snop;
	(pc) =	sbr.rel @!p0 .LBB2_15-.Ltmp1, $1  }
0x1e: {  	_ =	sdelay $0x3  }
.LBB2_1:
0x1f: {  	[dreg:$0xe] =	wrdreg s21  }
0x20: {  	s18 =	simm.s32 $0x0;
	s29 =	rddreg [dreg:$0x5];
	s25 =	simm.s32 $0x11800  }
0x21: {  	[tilespmem:s25], [sflag:$0x6] =	stream.linear.gather [hbm4b:s29+s18], $0x80, $0x38;
	[tilespmem:$0x13880] =	vst v63  }
0x22: {  	_ =	swait.ge [sflag:s19], $0x80  }
0x23: {  	s28 =	simm.s32 $0x11880;
	[sflag:s19] =	ssyncset.done $0x0  }
0x24: {  	s29 =	simm.s32 $0x5;
	s21 =	rddreg [dreg:$0x4];
	[sflag:s19] =	ssyncadd.s32 $0xFFFFFF80  }
0x25: {  	[tilespmem:s28], [sflag:$0x5] =	stream.indirect.gather [hbm4b:s21+s20], $0x40, s25, s20, $0xb8;
	[tilespmem:$0x13880] =	vst v63  }
0x26: {  	_ =	swait.ge [sflag:s29], $0x2000  }
0x27: {  	[sflag:s29] =	ssyncset.done $0x0  }
0x28: {  	s22 =	rddreg [dreg:$0x6];
	[sflag:s29] =	ssyncadd.s32 $0xFFFFE000  }
0x29: {  	[hbm4b:s22+s23] =	stream.strided.scatter [tilespmem:s28], [sflag:$0x6], $0x2000, s20, s23, $0x38;
	[tilespmem:$0x13880] =	vst v63  }
0x2a: {  	_ =	swait.ge [sflag:s19], $0x2000  }
0x2b: {  	[sflag:s19] =	ssyncset.done $0x0  }
0x2c: {  	s30 =	rddreg [dreg:$0x7];
	[sflag:s19] =	ssyncadd.s32 $0xFFFFE000  }
0x2d: {  	[tilespmem:s25], [sflag:$0x6] =	stream.linear.gather [hbm4b:s30+s18], $0x80, $0x38;
	[tilespmem:$0x13880] =	vst v63  }
0x2e: {  	_ =	swait.ge [sflag:s19], $0x80  }
0x2f: {  	[sflag:s19] =	ssyncset.done $0x0  }
0x30: {  	[sflag:s19] =	ssyncadd.s32 $0xFFFFFF80  }
0x31: {  	[tilespmem:s28], [sflag:$0x5] =	stream.indirect.gather [hbm4b:s21+s20], $0x40, s25, s20, $0xb8;
	[tilespmem:$0x13880] =	vst v63  }
0x32: {  	_ =	swait.ge [sflag:s29], $0x2000  }
0x33: {  	[sflag:s29] =	ssyncset.done $0x0  }
0x34: {  	s31 =	rddreg [dreg:$0x8];
	[sflag:s29] =	ssyncadd.s32 $0xFFFFE000  }
0x35: {  	[hbm4b:s31+s23] =	stream.strided.scatter [tilespmem:s28], [sflag:$0x6], $0x2000, s20, s23, $0x38;
	[tilespmem:$0x13880] =	vst v63  }
0x36: {  	_ =	swait.ge [sflag:s19], $0x2000  }
0x37: {  	[sflag:s19] =	ssyncset.done $0x0  }
0x38: {  	s30 =	rddreg [dreg:$0x9];
	[sflag:s19] =	ssyncadd.s32 $0xFFFFE000  }
0x39: {  	[tilespmem:s25], [sflag:$0x6] =	stream.linear.gather [hbm4b:s30+s18], $0x80, $0x38;
	[tilespmem:$0x13880] =	vst v63  }
0x3a: {  	_ =	swait.ge [sflag:s19], $0x80  }
0x3b: {  	[sflag:s19] =	ssyncset.done $0x0  }
0x3c: {  	[sflag:s19] =	ssyncadd.s32 $0xFFFFFF80  }
0x3d: {  	[tilespmem:s28], [sflag:$0x5] =	stream.indirect.gather [hbm4b:s21+s20], $0x40, s25, s20, $0xb8;
	[tilespmem:$0x13880] =	vst v63  }
0x3e: {  	_ =	swait.ge [sflag:s29], $0x2000  }
0x3f: {  	[sflag:s29] =	ssyncset.done $0x0  }
0x40: {  	s31 =	rddreg [dreg:$0xa];
	[sflag:s29] =	ssyncadd.s32 $0xFFFFE000  }
0x41: {  	[hbm4b:s31+s23] =	stream.strided.scatter [tilespmem:s28], [sflag:$0x6], $0x2000, s20, s23, $0x38;
	[tilespmem:$0x13880] =	vst v63  }
0x42: {  	_ =	swait.ge [sflag:s19], $0x2000  }
0x43: {  	[sflag:s19] =	ssyncset.done $0x0  }
0x44: {  	s30 =	rddreg [dreg:$0xb];
	[sflag:s19] =	ssyncadd.s32 $0xFFFFE000  }
0x45: {  	[tilespmem:s25], [sflag:$0x6] =	stream.linear.gather [hbm4b:s30+s18], $0x80, $0x38;
	[tilespmem:$0x13880] =	vst v63  }
0x46: {  	_ =	swait.ge [sflag:s19], $0x80  }
0x47: {  	[sflag:s19] =	ssyncset.done $0x0  }
0x48: {  	[sflag:s19] =	ssyncadd.s32 $0xFFFFFF80  }
0x49: {  	[tilespmem:s28], [sflag:$0x5] =	stream.indirect.gather [hbm4b:s21+s20], $0x40, s25, s20, $0xb8;
	[tilespmem:$0x13880] =	vst v63  }
0x4a: {  	_ =	swait.ge [sflag:s29], $0x2000  }
0x4b: {  	[sflag:s29] =	ssyncset.done $0x0  }
.Ltmp2:
0x4c: {  	s31 =	rddreg [dreg:$0xc];
	[sflag:s29] =	ssyncadd.s32 $0xFFFFE000;
	(pc) =	sbr.rel .LBB2_2-.Ltmp2, $4  }
0x4d: {  	[hbm4b:s31+s23] =	stream.strided.scatter [tilespmem:s28], [sflag:$0x6], $0x2000, s20, s23, $0x38;
	[tilespmem:$0x13880] =	vst v63  }
0x4e: {  	_ =	swait.ge [sflag:s19], $0x2000  }
0x4f: {  	[sflag:s19] =	ssyncset.done $0x0  }
0x50: {  	s21 =	simm.s32 $0x0;
	[sflag:s19] =	ssyncadd.s32 $0xFFFFE000  }
.LBB2_13:
0x51: {  	s21 =	sadd.s32 $0x1, s21  }
0x52: {  	p0 =	sne.s32 s21, $0x8  }
.Ltmp3:
0x53: {  	s18 =	sadd.s32 s22, s16;
	(pc) =	sbr.rel @!p0 .LBB2_14-.Ltmp3, $4  }
0x54: {  	[hbm4b:s18+s23] =	stream.strided.scatter [tilespmem:s6], [sflag:$0x6], $0x1000, s20, s23, $0x38;
	[tilespmem:$0x13880] =	vst v63  }
0x55: {  	_ =	swait.ge [sflag:s19], $0x1000  }
0x56: {  	[sflag:s19] =	ssyncset.done $0x0  }
0x57: {  	[sflag:s19] =	ssyncadd.s32 $0xFFFFF000  }
.LBB2_2:
0x58: {  	s18 =	sshll.u32 s21, $0xA  }
0x59: {  	s22 =	sadd.s32 s7, s18  }
0x5a: {  	s18 =	simm.s32 $0x0;
	s25 =	sadd.s32 s3, s22  }
0x5b: {  	[tilespmem:s18], [sflag:$0x6] =	stream.linear.gather [hbm4b:s25+s18], $0x2000, $0x38;
	[tilespmem:$0x13880] =	vst v63  }
0x5c: {  	_ =	swait.ge [sflag:s19], $0x2000  }
0x5d: {  	[sflag:s19] =	ssyncset.done $0x0  }
0x5e: {  	s31 =	sadd.s32 s4, s22;
	[sflag:s19] =	ssyncadd.s32 $0xFFFFE000  }
0x5f: {  	[tilespmem:s24], [sflag:$0x6] =	stream.linear.gather [hbm4b:s31+s18], $0x2000, $0x38;
	[tilespmem:$0x13880] =	vst v63  }
0x60: {  	_ =	swait.ge [sflag:s19], $0x2000  }
0x61: {  	[sflag:s19] =	ssyncset.done $0x0  }
0x62: {  	s28 =	simm.s32 $0x4000;
	[sflag:s19] =	ssyncadd.s32 $0xFFFFE000  }
0x63: {  	[tilespmem:s28], [sflag:$0x1] =	stream.indirect.gather [hbm4b:s5+s20], $0x40, s18, s20, $0xb8;
	[tilespmem:$0x13880] =	vst v63  }
0x64: {  	s29 =	simm.s32 $0x6000  }
0x65: {  	[tilespmem:s29], [sflag:$0x1] =	stream.indirect.gather [hbm4b:s5+s26], $0x40, s24, s26, $0xb8;
	[tilespmem:$0x13880] =	vst v63  }
0x66: {  	s30 =	simm.s32 $0x7200  }
0x67: {  	[tilespmem:s30], [sflag:$0x2] =	stream.indirect.gather [hbm4b:s5+s20], $0x40, s20, s20, $0xb8;
	[tilespmem:$0x13880] =	vst v63  }
0x68: {  	s31 =	simm.s32 $0x2080;
	s28 =	simm.s32 $0x9200  }
0x69: {  	[tilespmem:s28], [sflag:$0x2] =	stream.indirect.gather [hbm4b:s5+s26], $0x40, s31, s26, $0xb8;
	[tilespmem:$0x13880] =	vst v63  }
0x6a: {  	_ = 	snop  }
0x6b: {  	[tilespmem:s2], [sflag:$0x3] =	stream.indirect.gather [hbm4b:s5+s20], $0x40, s0, s20, $0xb8;
	[tilespmem:$0x13880] =	vst v63  }
0x6c: {  	_ = 	snop  }
0x6d: {  	[tilespmem:s9], [sflag:$0x3] =	stream.indirect.gather [hbm4b:s5+s26], $0x40, s8, s26, $0xb8;
	[tilespmem:$0x13880] =	vst v63  }
0x6e: {  	_ = 	snop  }
0x6f: {  	[tilespmem:s11], [sflag:$0x4] =	stream.indirect.gather [hbm4b:s5+s20], $0x40, s10, s20, $0xb8;
	[tilespmem:$0x13880] =	vst v63  }
0x70: {  	_ = 	snop  }
0x71: {  	[tilespmem:s13], [sflag:$0x4] =	stream.indirect.gather [hbm4b:s5+s26], $0x40, s12, s26, $0xb8;
	[tilespmem:$0x13880] =	vst v63  }
.LBB2_3:
0x72: {  	_ =	swait.ge [sflag:s14], $0x3200  }
0x73: {  	[sflag:s14] =	ssyncset.done $0x0  }
0x74: {  	s25 =	simm.s32 $0x0;
	[sflag:s14] =	ssyncadd.s32 $0xFFFFCE00  }
0x75: {  	v1 =	vld [tilespmem:s25+$0x4040]  }
0x76: {  	v2 =	vld [tilespmem:s25+$0x4050]  }
0x77: {  	v3 =	vld [tilespmem:s25+$0x4070]  }
0x78: {  	v4 =	vld [tilespmem:s25+$0x4060]  }
0x79: {  	v5 =	vld [tilespmem:s25+$0x4000]  }
0x7a: {  	v6 =	vld [tilespmem:s25+$0x4010]  }
0x7b: {  	v7 =	vld [tilespmem:s25+$0x4020]  }
0x7c: {  	s31 =	simm.s32 $0x80;
	v8 =	vld [tilespmem:s25+$0x4030]  }
0x7d: {  	v9 =	vld [tilespmem:s31+$0x4040]  }
0x7e: {  	v10 =	vld [tilespmem:s31+$0x4050];
	v1 =	vmul.f32 $6.000000000e+00, v1  }
0x7f: {  	v2 =	vmul.f32 $6.000000000e+00, v2;
	v4 =	vmul.f32 $6.000000000e+00, v4  }
0x80: {  	v3 =	vmul.f32 $6.000000000e+00, v3;
	v5 =	vmul.f32 $6.000000000e+00, v5  }
0x81: {  	v6 =	vmul.f32 $6.000000000e+00, v6;
	v7 =	vmul.f32 $6.000000000e+00, v7  }
0x82: {  	v8 =	vmul.f32 $6.000000000e+00, v8;
	v9 =	vmul.f32 $6.000000000e+00, v9  }
0x83: {  	v10 =	vmul.f32 $6.000000000e+00, v10;
	v1 =	vmul.f32 $1.442695020e+00, v1  }
0x84: {  	v3 =	vmul.f32 $1.442695020e+00, v3;
	v2 =	vmul.f32 $1.442695020e+00, v2  }
0x85: {  	v6 =	vmul.f32 $1.442695020e+00, v6;
	(erf) = vpow2.f32 v1;
	v1 =	vld [tilespmem:s31+$0x4060]  }
0x86: {  	v5 =	vmul.f32 $1.442695020e+00, v5;
	(erf) = vpow2.f32 v2  }
0x87: {  	v7 =	vmul.f32 $1.442695020e+00, v7;
	v2 =	vld [tilespmem:s31+$0x4070];
	(erf) = vpow2.f32 v3  }
0x88: {  	v4 =	vmul.f32 $1.442695020e+00, v4;
	v3 =	vld [tilespmem:s31+$0x4000];
	(erf) = vpow2.f32 v6  }
0x89: {  	v8 =	vmul.f32 $1.442695020e+00, v8;
	v6 =	vld [tilespmem:s31+$0x4010];
	(erf) = vpow2.f32 v7  }
0x8a: {  	v7 =	vld [tilespmem:s31+$0x4020];
	(erf) = vpow2.f32 v4;
	v11 =	vmul.f32 $6.000000000e+00, v1  }
0x8b: {  	(erf) = vpow2.f32 v8;
	v8 =	vmul.f32 $1.442695020e+00, v9  }
0x8c: {  	v4 =	vld [tilespmem:s31+$0x4030];
	v1 =	vmul.f32 $6.000000000e+00, v2;
	v9 =	vmul.f32 $1.442695020e+00, v10  }
0x8d: {  	s28 =	simm.s32 $0x100;
	v3 =	vmul.f32 $6.000000000e+00, v3;
	(erf) = vpow2.f32 v5  }
0x8e: {  	v10 =	vld [tilespmem:s28+$0x4040];
	v5 =	vmul.f32 $6.000000000e+00, v6;
	v6 =	vmul.f32 $1.442695020e+00, v1  }
0x8f: {  	v2 =	vpop (erf);
	v7 =	vmul.f32 $6.000000000e+00, v7;
	v15 =	vmul.f32 $1.442695020e+00, v3  }
0x90: {  	(erf) = vpow2.f32 v8;
	v12 =	vpop (erf);
	v5 =	vmul.f32 $1.442695020e+00, v5  }
0x91: {  	v13 =	vld [tilespmem:s28+$0x4050];
	v4 =	vmul.f32 $6.000000000e+00, v4;
	(erf) = vpow2.f32 v9;
	v1 =	vpop (erf)  }
0x92: {  	v14 =	vld [tilespmem:s28+$0x4060];
	v9 =	vimm.f32 $0.0e+00;
	v7 =	vmul.f32 $1.442695020e+00, v7;
	(erf) = vpow2.f32 v6;
	v3 =	vpop (erf)  }
0x93: {  	v16 =	vld [tilespmem:s28+$0x4070];
	v6 =	vmul.f32 $1.442695020e+00, v11;
	v10 =	vmul.f32 $6.000000000e+00, v10;
	v3 =	vadd.f32 v3, v9  }
0x94: {  	v19 =	vld [tilespmem:s28+$0x4000];
	v4 =	vmul.f32 $1.442695020e+00, v4;
	(erf) = vpow2.f32 v5;
	v8 =	vpop (erf)  }
0x95: {  	(erf) = vpow2.f32 v7;
	v11 =	vmul.f32 $1.442695020e+00, v10;
	v18 =	vpop (erf);
	v3 =	vadd.f32 v12, v3;
	v12 =	vld [tilespmem:s28+$0x4010]  }
0x96: {  	v17 =	vadd.f32 v8, v9;
	v8 =	vmul.f32 $6.000000000e+00, v13;
	(erf) = vpow2.f32 v6;
	v13 =	vld [tilespmem:s28+$0x4020];
	v5 =	vpop (erf)  }
0x97: {  	v7 =	vld [tilespmem:s28+$0x4030];
	v6 =	vmul.f32 $6.000000000e+00, v14;
	(erf) = vpow2.f32 v4;
	v20 =	vpop (erf)  }
0x98: {  	v14 =	vmul.f32 $6.000000000e+00, v16;
	v5 =	vadd.f32 v5, v9;
	v10 =	vadd.f32 v20, v9  }
0x99: {  	s25 =	simm.s32 $0x600;
	v4 =	vadd.f32 v18, v17;
	(erf) = vpow2.f32 v15;
	v9 =	vmul.f32 $6.000000000e+00, v19  }
.LBB2_4:
0x9a: {  	s28 =	sshra.s32 s25, $0x2;
	p0 =	sne.s32 s25, $0xC600;
	s25 =	sadd.s32 $0x200, s25;
	v12 =	vmul.f32 $6.000000000e+00, v12;
	v14 =	vmul.f32 $1.442695020e+00, v14;
	v10 =	vadd.f32 v2, v10;
	v2 =	vpop (erf)  }
0x9b: {  	v21 =	vmul.f32 $1.442695020e+00, v8;
	v5 =	vadd.f32 v1, v5;
	v15 =	vld [tilespmem:s28+$0x4040];
	v13 =	vmul.f32 $6.000000000e+00, v13;
	v16 =	vpop (erf)  }
0x9c: {  	v7 =	vmul.f32 $6.000000000e+00, v7;
	v17 =	vld [tilespmem:s28+$0x4050];
	v12 =	vmul.f32 $1.442695020e+00, v12;
	v1 =	vpop (erf)  }
0x9d: {  	v19 =	vmul.f32 $1.442695020e+00, v9;
	v18 =	vld [tilespmem:s28+$0x4070];
	(erf) = vpow2.f32 v11;
	v9 =	vpop (erf)  }
0x9e: {  	v20 =	vmul.f32 $1.442695020e+00, v7;
	v11 =	vld [tilespmem:s28+$0x4060];
	(erf) = vpow2.f32 v21;
	v8 =	vpop (erf)  }
0x9f: {  	v13 =	vmul.f32 $1.442695020e+00, v13;
	v7 =	vld [tilespmem:s28+$0x4030];
	(erf) = vpow2.f32 v14;
	v4 =	vadd.f32 v8, v4;
	v14 =	vpop (erf)  }
0xa0: {  	v6 =	vmul.f32 $1.442695020e+00, v6;
	v3 =	vadd.f32 v9, v3;
	v21 =	vld [tilespmem:s28+$0x4000];
	(erf) = vpow2.f32 v12;
	v8 =	vpop (erf)  }
.Ltmp4:
0xa1: {  	v9 =	vmul.f32 $6.000000000e+00, v15;
	v12 =	vld [tilespmem:s28+$0x4010];
	(erf) = vpow2.f32 v13;
	v5 =	vadd.f32 v8, v5;
	(pc) =	sbr.rel @p0 .LBB2_4-.Ltmp4, $4  }
0xa2: {  	v3 =	vadd.f32 v16, v3;
	v8 =	vmul.f32 $6.000000000e+00, v17;
	v13 =	vld [tilespmem:s28+$0x4020];
	(erf) = vpow2.f32 v6;
	v15 =	vpop (erf)  }
0xa3: {  	v4 =	vadd.f32 v14, v4;
	v6 =	vmul.f32 $6.000000000e+00, v11;
	(erf) = vpow2.f32 v20  }
0xa4: {  	v14 =	vmul.f32 $6.000000000e+00, v18;
	v11 =	vmul.f32 $1.442695020e+00, v9;
	v10 =	vadd.f32 v15, v10  }
0xa5: {  	v9 =	vmul.f32 $6.000000000e+00, v21;
	(erf) = vpow2.f32 v19  }
0xa6: {  	v12 =	vmul.f32 $6.000000000e+00, v12  }
0xa7: {  	v14 =	vmul.f32 $1.442695020e+00, v14;
	v8 =	vmul.f32 $1.442695020e+00, v8  }
0xa8: {  	(erf) = vpow2.f32 v11;
	v13 =	vmul.f32 $6.000000000e+00, v13  }
0xa9: {  	v7 =	vmul.f32 $6.000000000e+00, v7;
	v12 =	vmul.f32 $1.442695020e+00, v12  }
0xaa: {  	v11 =	vpop (erf);
	(erf) = vpow2.f32 v8;
	v13 =	vmul.f32 $1.442695020e+00, v13  }
0xab: {  	v6 =	vmul.f32 $1.442695020e+00, v6;
	v8 =	vpop (erf);
	(erf) = vpow2.f32 v14  }
0xac: {  	v7 =	vmul.f32 $1.442695020e+00, v7;
	v14 =	vpop (erf);
	(erf) = vpow2.f32 v12  }
0xad: {  	v9 =	vmul.f32 $1.442695020e+00, v9;
	v12 =	vpop (erf);
	(erf) = vpow2.f32 v13  }
0xae: {  	v13 =	vpop (erf);
	(erf) = vpow2.f32 v6  }
0xaf: {  	v6 =	vpop (erf);
	(erf) = vpow2.f32 v7  }
0xb0: {  	v7 =	vpop (erf);
	(erf) = vpow2.f32 v9  }
0xb1: {  	v9 =	vpop (erf)  }
0xb2: {  	v15 =	vpop (erf)  }
0xb3: {  	v16 =	vpop (erf)  }
0xb4: {  	v2 =	vadd.f32 v2, v10;
	v10 =	vpop (erf)  }
0xb5: {  	v17 =	vpop (erf)  }
0xb6: {  	v2 =	vadd.f32 v9, v2;
	v9 =	vpop (erf)  }
0xb7: {  	v18 =	vpop (erf)  }
0xb8: {  	v2 =	vadd.f32 v11, v2;
	v11 =	vpop (erf)  }
0xb9: {  	v19 =	vpop (erf)  }
0xba: {  	v2 =	vadd.f32 v19, v2  }
0xbb: {  	v3 =	vadd.f32 v12, v3  }
0xbc: {  	v1 =	vadd.f32 v1, v5;
	v2 =	vadd.f32 v15, v2  }
0xbd: {  	v3 =	vadd.f32 v8, v3  }
0xbe: {  	v1 =	vadd.f32 v7, v1;
	v5 =	vand.u32 $0x7FFFFF, v2  }
0xbf: {  	v4 =	vadd.f32 v13, v4;
	v3 =	vadd.f32 v17, v3;
	v5 =	vor.u32 $0x3F800000, v5  }
0xc0: {  	v1 =	vadd.f32 v14, v1;
	v7 =	vmul.f32 $5.000000000e-01, v5  }
0xc1: {  	v4 =	vadd.f32 v6, v4;
	v3 =	vadd.f32 v16, v3;
	vm3 =	vge.f32 v5, $1.414213540e+00  }
0xc2: {  	v1 =	vadd.f32 v11, v1;
	v5 =	vsel vm3, v7, v5  }
0xc3: {  	v4 =	vadd.f32 v9, v4;
	v6 =	vand.u32 $0x7FFFFF, v3;
	v5 =	vadd.f32 $-1.000000000e+00, v5  }
0xc4: {  	v6 =	vor.u32 $0x3F800000, v6;
	v1 =	vadd.f32 v10, v1  }
0xc5: {  	v4 =	vadd.f32 v18, v4;
	v8 =	vmul.f32 $5.000000000e-01, v6;
	v7 =	vmul.f32 $1.178442760e-01, v5  }
0xc6: {  	vm2 =	vge.f32 v6, $1.414213540e+00;
	v9 =	vand.u32 $0x7FFFFF, v1  }
0xc7: {  	v6 =	vsel vm2, v8, v6;
	v8 =	vand.u32 $0x7FFFFF, v4;
	v7 =	vadd.f32 $-1.845583470e-01, v7  }
0xc8: {  	v9 =	vor.u32 $0x3F800000, v9;
	v8 =	vor.u32 $0x3F800000, v8  }
0xc9: {  	v6 =	vadd.f32 $-1.000000000e+00, v6;
	v10 =	vmul.f32 $5.000000000e-01, v8;
	v7 =	vmul.f32 v7, v5  }
0xca: {  	v12 =	vmul.f32 $5.000000000e-01, v9;
	vm0 =	vge.f32 v9, $1.414213540e+00;
	vm1 =	vge.f32 v8, $1.414213540e+00  }
0xcb: {  	v11 =	vmul.f32 $1.178442760e-01, v6;
	v8 =	vsel vm1, v10, v8;
	v7 =	vadd.f32 $2.045542000e-01, v7  }
0xcc: {  	v9 =	vsel vm0, v12, v9;
	v8 =	vadd.f32 $-1.000000000e+00, v8  }
0xcd: {  	v9 =	vadd.f32 $-1.000000000e+00, v9;
	v10 =	vadd.f32 $-1.845583470e-01, v11;
	v7 =	vmul.f32 v7, v5  }
0xce: {  	v11 =	vmul.f32 $1.178442760e-01, v8  }
0xcf: {  	v12 =	vmul.f32 $1.178442760e-01, v9;
	v10 =	vmul.f32 v10, v6;
	v7 =	vadd.f32 $-2.492950410e-01, v7  }
0xd0: {  	v11 =	vadd.f32 $-1.845583470e-01, v11  }
0xd1: {  	v12 =	vadd.f32 $-1.845583470e-01, v12;
	v10 =	vadd.f32 $2.045542000e-01, v10;
	v7 =	vmul.f32 v7, v5  }
0xd2: {  	v11 =	vmul.f32 v11, v8  }
0xd3: {  	v12 =	vmul.f32 v12, v9;
	v10 =	vmul.f32 v10, v6;
	v7 =	vadd.f32 $3.331793250e-01, v7  }
0xd4: {  	v3 =	vshrl.u32 v3, $0x17;
	v11 =	vadd.f32 $2.045542000e-01, v11  }
0xd5: {  	v12 =	vadd.f32 $2.045542000e-01, v12;
	v10 =	vadd.f32 $-2.492950410e-01, v10;
	v7 =	vmul.f32 v7, v5  }
0xd6: {  	v2 =	vshrl.u32 v2, $0x17;
	v13 =	vsel vm3, $0x1, v0;
	v11 =	vmul.f32 v11, v8  }
0xd7: {  	v12 =	vmul.f32 v12, v9;
	v10 =	vmul.f32 v10, v6;
	v7 =	vadd.f32 $-5.000073310e-01, v7  }
0xd8: {  	v2 =	vadd.s32 v13, v2;
	v13 =	vsel vm2, $0x1, v0;
	v11 =	vadd.f32 $-2.492950410e-01, v11  }
0xd9: {  	v12 =	vadd.f32 $-2.492950410e-01, v12;
	v10 =	vadd.f32 $3.331793250e-01, v10;
	v7 =	vmul.f32 v7, v5  }
0xda: {  	v2 =	vadd.s32 $0xFFFFFF81, v2;
	v3 =	vadd.s32 v13, v3;
	v11 =	vmul.f32 v11, v8  }
0xdb: {  	v12 =	vmul.f32 v12, v9;
	v10 =	vmul.f32 v10, v6;
	v7 =	vadd.f32 $1.000000720e+00, v7  }
0xdc: {  	v2 =	vcvt.s32.f32 v2;
	v3 =	vadd.s32 $0xFFFFFF81, v3;
	v11 =	vadd.f32 $3.331793250e-01, v11  }
0xdd: {  	v10 =	vadd.f32 $-5.000073310e-01, v10;
	v5 =	vmul.f32 v7, v5;
	v7 =	vadd.f32 $3.331793250e-01, v12  }
0xde: {  	v1 =	vshrl.u32 v1, $0x17;
	v3 =	vcvt.s32.f32 v3;
	v11 =	vmul.f32 v11, v8  }
0xdf: {  	v4 =	vshrl.u32 v4, $0x17;
	v10 =	vmul.f32 v10, v6;
	v7 =	vmul.f32 v7, v9  }
0xe0: {  	v2 =	vmul.f32 $6.931471820e-01, v2;
	v3 =	vmul.f32 $6.931471820e-01, v3;
	v11 =	vadd.f32 $-5.000073310e-01, v11  }
0xe1: {  	v10 =	vadd.f32 $1.000000720e+00, v10;
	v12 =	vsel vm1, $0x1, v0;
	v7 =	vadd.f32 $-5.000073310e-01, v7  }
0xe2: {  	v11 =	vmul.f32 v11, v8;
	v4 =	vadd.s32 v12, v4;
	v12 =	vsel vm0, $0x1, v0  }
0xe3: {  	v4 =	vadd.s32 $0xFFFFFF81, v4;
	v1 =	vadd.s32 v12, v1;
	v7 =	vmul.f32 v7, v9  }
0xe4: {  	v11 =	vadd.f32 $1.000000720e+00, v11;
	v4 =	vcvt.s32.f32 v4;
	v1 =	vadd.s32 $0xFFFFFF81, v1  }
0xe5: {  	v6 =	vmul.f32 v10, v6;
	v1 =	vcvt.s32.f32 v1;
	v7 =	vadd.f32 $1.000000720e+00, v7  }
0xe6: {  	v2 =	vadd.f32 v5, v2;
	v5 =	vmul.f32 v11, v8;
	v4 =	vmul.f32 $6.931471820e-01, v4  }
0xe7: {  	v3 =	vadd.f32 v6, v3;
	v1 =	vmul.f32 $6.931471820e-01, v1;
	v6 =	vmul.f32 v7, v9  }
0xe8: {  	s25 =	sshll.u32 s18, $0x8;
	v2 =	vmul.f32 $1.666666720e-01, v2;
	v4 =	vadd.f32 v5, v4  }
0xe9: {  	s25 =	sand.u32 $0x3FFFFF00, s25;
	v3 =	vmul.f32 $1.666666720e-01, v3;
	v1 =	vadd.f32 v6, v1  }
0xea: {  	[tilespmem:s25+$0x10800] =	vst v2;
	v2 =	vmul.f32 $1.666666720e-01, v4  }
0xeb: {  	[tilespmem:s25+$0x10810] =	vst v3;
	v1 =	vmul.f32 $1.666666720e-01, v1  }
0xec: {  	s28 =	sshll.u32 s18, $0x9;
	p0 =	seq.s32 s18, $0xF;
	[tilespmem:s25+$0x10820] =	vst v2  }
0xed: {  	s29 =	sadd.s32 @!p0 $0x200, s28;
	s30 =	simm.s32 @!p0 $0x80;
	s31 =	simm.s32 @!p0 $0x4000;
	[tilespmem:s25+$0x10830] =	vst v1  }
0xee: {  	[tilespmem:s31], [sflag:$0x1] =	stream.indirect.gather @!p0 [hbm4b:s5+s30], $0x40, s29, s30, $0xb8;
	[tilespmem:$0x13880] =	vst v63  }
0xef: {  	s29 =	sadd.s32 @!p0 $0x2200, s28;
	s30 =	simm.s32 @!p0 $0x48;
	s31 =	simm.s32 @!p0 $0x6000  }
0xf0: {  	[tilespmem:s31], [sflag:$0x1] =	stream.indirect.gather @!p0 [hbm4b:s5+s30], $0x40, s29, s30, $0xb8;
	[tilespmem:$0x13880] =	vst v63  }
0xf1: {  	_ =	swait.ge [sflag:s15], $0x3200  }
0xf2: {  	[sflag:s15] =	ssyncset.done $0x0  }
0xf3: {  	s29 =	simm.s32 $0x0;
	[sflag:s15] =	ssyncadd.s32 $0xFFFFCE00  }
0xf4: {  	v1 =	vld [tilespmem:s29+$0x7240]  }
0xf5: {  	v2 =	vld [tilespmem:s29+$0x7250]  }
0xf6: {  	v3 =	vld [tilespmem:s29+$0x7270]  }
0xf7: {  	v4 =	vld [tilespmem:s29+$0x7260]  }
0xf8: {  	v5 =	vld [tilespmem:s29+$0x7200]  }
0xf9: {  	v6 =	vld [tilespmem:s29+$0x7210]  }
0xfa: {  	v7 =	vld [tilespmem:s29+$0x7220]  }
0xfb: {  	v8 =	vld [tilespmem:s29+$0x7230];
	s29 =	simm.s32 $0x80  }
0xfc: {  	v9 =	vld [tilespmem:s29+$0x7240]  }
0xfd: {  	v10 =	vld [tilespmem:s29+$0x7250];
	v1 =	vmul.f32 $6.000000000e+00, v1  }
0xfe: {  	v2 =	vmul.f32 $6.000000000e+00, v2;
	v4 =	vmul.f32 $6.000000000e+00, v4  }
0xff: {  	v3 =	vmul.f32 $6.000000000e+00, v3;
	v5 =	vmul.f32 $6.000000000e+00, v5  }
0x100: {  	v6 =	vmul.f32 $6.000000000e+00, v6;
	v7 =	vmul.f32 $6.000000000e+00, v7  }
0x101: {  	v8 =	vmul.f32 $6.000000000e+00, v8;
	v9 =	vmul.f32 $6.000000000e+00, v9  }
0x102: {  	v10 =	vmul.f32 $6.000000000e+00, v10;
	v1 =	vmul.f32 $1.442695020e+00, v1  }
0x103: {  	v3 =	vmul.f32 $1.442695020e+00, v3;
	v2 =	vmul.f32 $1.442695020e+00, v2  }
0x104: {  	v6 =	vmul.f32 $1.442695020e+00, v6;
	(erf) = vpow2.f32 v1;
	v1 =	vld [tilespmem:s29+$0x7260]  }
0x105: {  	v5 =	vmul.f32 $1.442695020e+00, v5;
	(erf) = vpow2.f32 v2  }
0x106: {  	v7 =	vmul.f32 $1.442695020e+00, v7;
	v2 =	vld [tilespmem:s29+$0x7270];
	(erf) = vpow2.f32 v3  }
0x107: {  	v4 =	vmul.f32 $1.442695020e+00, v4;
	v3 =	vld [tilespmem:s29+$0x7200];
	(erf) = vpow2.f32 v6  }
0x108: {  	v8 =	vmul.f32 $1.442695020e+00, v8;
	v6 =	vld [tilespmem:s29+$0x7210];
	(erf) = vpow2.f32 v7  }
0x109: {  	v7 =	vld [tilespmem:s29+$0x7220];
	(erf) = vpow2.f32 v4;
	v11 =	vmul.f32 $6.000000000e+00, v1  }
0x10a: {  	(erf) = vpow2.f32 v8;
	v8 =	vmul.f32 $1.442695020e+00, v9  }
0x10b: {  	v4 =	vld [tilespmem:s29+$0x7230];
	v1 =	vmul.f32 $6.000000000e+00, v2;
	v9 =	vmul.f32 $1.442695020e+00, v10  }
0x10c: {  	s31 =	simm.s32 $0x100;
	v3 =	vmul.f32 $6.000000000e+00, v3;
	(erf) = vpow2.f32 v5  }
0x10d: {  	v10 =	vld [tilespmem:s31+$0x7240];
	v5 =	vmul.f32 $6.000000000e+00, v6;
	v6 =	vmul.f32 $1.442695020e+00, v1  }
0x10e: {  	v2 =	vpop (erf);
	v7 =	vmul.f32 $6.000000000e+00, v7;
	v15 =	vmul.f32 $1.442695020e+00, v3  }
0x10f: {  	(erf) = vpow2.f32 v8;
	v12 =	vpop (erf);
	v5 =	vmul.f32 $1.442695020e+00, v5  }
0x110: {  	v13 =	vld [tilespmem:s31+$0x7250];
	v4 =	vmul.f32 $6.000000000e+00, v4;
	(erf) = vpow2.f32 v9;
	v1 =	vpop (erf)  }
0x111: {  	v14 =	vld [tilespmem:s31+$0x7260];
	v9 =	vimm.f32 $0.0e+00;
	v7 =	vmul.f32 $1.442695020e+00, v7;
	(erf) = vpow2.f32 v6;
	v3 =	vpop (erf)  }
0x112: {  	v60 =	vld [tilespmem:s31+$0x7270];
	v6 =	vmul.f32 $1.442695020e+00, v11;
	v10 =	vmul.f32 $6.000000000e+00, v10;
	v3 =	vadd.f32 v3, v9  }
0x113: {  	v63 =	vld [tilespmem:s31+$0x7200];
	v4 =	vmul.f32 $1.442695020e+00, v4;
	(erf) = vpow2.f32 v5;
	v8 =	vpop (erf)  }
0x114: {  	(erf) = vpow2.f32 v7;
	v11 =	vmul.f32 $1.442695020e+00, v10;
	v62 =	vpop (erf);
	v3 =	vadd.f32 v12, v3;
	v12 =	vld [tilespmem:s31+$0x7210]  }
0x115: {  	v61 =	vadd.f32 v8, v9;
	v8 =	vmul.f32 $6.000000000e+00, v13;
	(erf) = vpow2.f32 v6;
	v13 =	vld [tilespmem:s31+$0x7220];
	v5 =	vpop (erf)  }
0x116: {  	v7 =	vld [tilespmem:s31+$0x7230];
	v6 =	vmul.f32 $6.000000000e+00, v14;
	(erf) = vpow2.f32 v4;
	v20 =	vpop (erf)  }
0x117: {  	v14 =	vmul.f32 $6.000000000e+00, v60;
	v5 =	vadd.f32 v5, v9;
	v10 =	vadd.f32 v20, v9  }
0x118: {  	s29 =	simm.s32 $0x600;
	v4 =	vadd.f32 v62, v61;
	(erf) = vpow2.f32 v15;
	v9 =	vmul.f32 $6.000000000e+00, v63  }
.LBB2_6:
0x119: {  	s30 =	sshra.s32 s29, $0x2;
	p1 =	sne.s32 s29, $0xC600;
	s29 =	sadd.s32 $0x200, s29;
	v12 =	vmul.f32 $6.000000000e+00, v12;
	v14 =	vmul.f32 $1.442695020e+00, v14;
	v10 =	vadd.f32 v2, v10;
	v2 =	vpop (erf)  }
0x11a: {  	v21 =	vmul.f32 $1.442695020e+00, v8;
	v5 =	vadd.f32 v1, v5;
	v15 =	vld [tilespmem:s30+$0x7240];
	v13 =	vmul.f32 $6.000000000e+00, v13;
	v16 =	vpop (erf)  }
0x11b: {  	v7 =	vmul.f32 $6.000000000e+00, v7;
	v17 =	vld [tilespmem:s30+$0x7250];
	v12 =	vmul.f32 $1.442695020e+00, v12;
	v1 =	vpop (erf)  }
0x11c: {  	v19 =	vmul.f32 $1.442695020e+00, v9;
	v18 =	vld [tilespmem:s30+$0x7270];
	(erf) = vpow2.f32 v11;
	v9 =	vpop (erf)  }
0x11d: {  	v20 =	vmul.f32 $1.442695020e+00, v7;
	v11 =	vld [tilespmem:s30+$0x7260];
	(erf) = vpow2.f32 v21;
	v8 =	vpop (erf)  }
0x11e: {  	v13 =	vmul.f32 $1.442695020e+00, v13;
	v7 =	vld [tilespmem:s30+$0x7230];
	(erf) = vpow2.f32 v14;
	v4 =	vadd.f32 v8, v4;
	v14 =	vpop (erf)  }
0x11f: {  	v6 =	vmul.f32 $1.442695020e+00, v6;
	v3 =	vadd.f32 v9, v3;
	v21 =	vld [tilespmem:s30+$0x7200];
	(erf) = vpow2.f32 v12;
	v8 =	vpop (erf)  }
.Ltmp5:
0x120: {  	v9 =	vmul.f32 $6.000000000e+00, v15;
	v12 =	vld [tilespmem:s30+$0x7210];
	(erf) = vpow2.f32 v13;
	v5 =	vadd.f32 v8, v5;
	(pc) =	sbr.rel @p1 .LBB2_6-.Ltmp5, $4  }
0x121: {  	v3 =	vadd.f32 v16, v3;
	v8 =	vmul.f32 $6.000000000e+00, v17;
	v13 =	vld [tilespmem:s30+$0x7220];
	(erf) = vpow2.f32 v6;
	v15 =	vpop (erf)  }
0x122: {  	v4 =	vadd.f32 v14, v4;
	v6 =	vmul.f32 $6.000000000e+00, v11;
	(erf) = vpow2.f32 v20  }
0x123: {  	v14 =	vmul.f32 $6.000000000e+00, v18;
	v11 =	vmul.f32 $1.442695020e+00, v9;
	v10 =	vadd.f32 v15, v10  }
0x124: {  	v9 =	vmul.f32 $6.000000000e+00, v21;
	(erf) = vpow2.f32 v19  }
0x125: {  	v12 =	vmul.f32 $6.000000000e+00, v12  }
0x126: {  	v14 =	vmul.f32 $1.442695020e+00, v14;
	v8 =	vmul.f32 $1.442695020e+00, v8  }
0x127: {  	(erf) = vpow2.f32 v11;
	v13 =	vmul.f32 $6.000000000e+00, v13  }
0x128: {  	v7 =	vmul.f32 $6.000000000e+00, v7;
	v12 =	vmul.f32 $1.442695020e+00, v12  }
0x129: {  	v11 =	vpop (erf);
	(erf) = vpow2.f32 v8;
	v13 =	vmul.f32 $1.442695020e+00, v13  }
0x12a: {  	v6 =	vmul.f32 $1.442695020e+00, v6;
	v8 =	vpop (erf);
	(erf) = vpow2.f32 v14  }
0x12b: {  	v7 =	vmul.f32 $1.442695020e+00, v7;
	v14 =	vpop (erf);
	(erf) = vpow2.f32 v12  }
0x12c: {  	v9 =	vmul.f32 $1.442695020e+00, v9;
	v12 =	vpop (erf);
	(erf) = vpow2.f32 v13  }
0x12d: {  	v13 =	vpop (erf);
	(erf) = vpow2.f32 v6  }
0x12e: {  	v6 =	vpop (erf);
	(erf) = vpow2.f32 v7  }
0x12f: {  	v7 =	vpop (erf);
	(erf) = vpow2.f32 v9  }
0x130: {  	v9 =	vpop (erf)  }
0x131: {  	v15 =	vpop (erf)  }
0x132: {  	v16 =	vpop (erf)  }
0x133: {  	v2 =	vadd.f32 v2, v10;
	v10 =	vpop (erf)  }
0x134: {  	v17 =	vpop (erf)  }
0x135: {  	v2 =	vadd.f32 v9, v2;
	v9 =	vpop (erf)  }
0x136: {  	v18 =	vpop (erf)  }
0x137: {  	v2 =	vadd.f32 v11, v2;
	v11 =	vpop (erf)  }
0x138: {  	v19 =	vpop (erf)  }
0x139: {  	v2 =	vadd.f32 v19, v2  }
0x13a: {  	v3 =	vadd.f32 v12, v3  }
0x13b: {  	v1 =	vadd.f32 v1, v5;
	v2 =	vadd.f32 v15, v2  }
0x13c: {  	v3 =	vadd.f32 v8, v3  }
0x13d: {  	v1 =	vadd.f32 v7, v1;
	v5 =	vand.u32 $0x7FFFFF, v2  }
0x13e: {  	v4 =	vadd.f32 v13, v4;
	v3 =	vadd.f32 v17, v3;
	v5 =	vor.u32 $0x3F800000, v5  }
0x13f: {  	v1 =	vadd.f32 v14, v1;
	v7 =	vmul.f32 $5.000000000e-01, v5  }
0x140: {  	v4 =	vadd.f32 v6, v4;
	v3 =	vadd.f32 v16, v3;
	vm3 =	vge.f32 v5, $1.414213540e+00  }
0x141: {  	v1 =	vadd.f32 v11, v1;
	v5 =	vsel vm3, v7, v5  }
0x142: {  	v4 =	vadd.f32 v9, v4;
	v6 =	vand.u32 $0x7FFFFF, v3;
	v5 =	vadd.f32 $-1.000000000e+00, v5  }
0x143: {  	v6 =	vor.u32 $0x3F800000, v6;
	v1 =	vadd.f32 v10, v1  }
0x144: {  	v4 =	vadd.f32 v18, v4;
	v8 =	vmul.f32 $5.000000000e-01, v6;
	v7 =	vmul.f32 $1.178442760e-01, v5  }
0x145: {  	vm2 =	vge.f32 v6, $1.414213540e+00;
	v9 =	vand.u32 $0x7FFFFF, v1  }
0x146: {  	v6 =	vsel vm2, v8, v6;
	v8 =	vand.u32 $0x7FFFFF, v4;
	v7 =	vadd.f32 $-1.845583470e-01, v7  }
0x147: {  	v9 =	vor.u32 $0x3F800000, v9;
	v8 =	vor.u32 $0x3F800000, v8  }
0x148: {  	v6 =	vadd.f32 $-1.000000000e+00, v6;
	v10 =	vmul.f32 $5.000000000e-01, v8;
	v7 =	vmul.f32 v7, v5  }
0x149: {  	v12 =	vmul.f32 $5.000000000e-01, v9;
	vm0 =	vge.f32 v9, $1.414213540e+00;
	vm1 =	vge.f32 v8, $1.414213540e+00  }
0x14a: {  	v11 =	vmul.f32 $1.178442760e-01, v6;
	v8 =	vsel vm1, v10, v8;
	v7 =	vadd.f32 $2.045542000e-01, v7  }
0x14b: {  	v9 =	vsel vm0, v12, v9;
	v8 =	vadd.f32 $-1.000000000e+00, v8  }
0x14c: {  	v9 =	vadd.f32 $-1.000000000e+00, v9;
	v10 =	vadd.f32 $-1.845583470e-01, v11;
	v7 =	vmul.f32 v7, v5  }
0x14d: {  	v11 =	vmul.f32 $1.178442760e-01, v8  }
0x14e: {  	v12 =	vmul.f32 $1.178442760e-01, v9;
	v10 =	vmul.f32 v10, v6;
	v7 =	vadd.f32 $-2.492950410e-01, v7  }
0x14f: {  	v11 =	vadd.f32 $-1.845583470e-01, v11  }
0x150: {  	v12 =	vadd.f32 $-1.845583470e-01, v12;
	v10 =	vadd.f32 $2.045542000e-01, v10;
	v7 =	vmul.f32 v7, v5  }
0x151: {  	v11 =	vmul.f32 v11, v8  }
0x152: {  	v12 =	vmul.f32 v12, v9;
	v10 =	vmul.f32 v10, v6;
	v7 =	vadd.f32 $3.331793250e-01, v7  }
0x153: {  	v3 =	vshrl.u32 v3, $0x17;
	v11 =	vadd.f32 $2.045542000e-01, v11  }
0x154: {  	v12 =	vadd.f32 $2.045542000e-01, v12;
	v10 =	vadd.f32 $-2.492950410e-01, v10;
	v7 =	vmul.f32 v7, v5  }
0x155: {  	v2 =	vshrl.u32 v2, $0x17;
	v13 =	vsel vm3, $0x1, v0;
	v11 =	vmul.f32 v11, v8  }
0x156: {  	v12 =	vmul.f32 v12, v9;
	v10 =	vmul.f32 v10, v6;
	v7 =	vadd.f32 $-5.000073310e-01, v7  }
0x157: {  	v2 =	vadd.s32 v13, v2;
	v13 =	vsel vm2, $0x1, v0;
	v11 =	vadd.f32 $-2.492950410e-01, v11  }
0x158: {  	v12 =	vadd.f32 $-2.492950410e-01, v12;
	v10 =	vadd.f32 $3.331793250e-01, v10;
	v7 =	vmul.f32 v7, v5  }
0x159: {  	v2 =	vadd.s32 $0xFFFFFF81, v2;
	v3 =	vadd.s32 v13, v3;
	v11 =	vmul.f32 v11, v8  }
0x15a: {  	v12 =	vmul.f32 v12, v9;
	v10 =	vmul.f32 v10, v6;
	v7 =	vadd.f32 $1.000000720e+00, v7  }
0x15b: {  	v2 =	vcvt.s32.f32 v2;
	v3 =	vadd.s32 $0xFFFFFF81, v3;
	v11 =	vadd.f32 $3.331793250e-01, v11  }
0x15c: {  	v10 =	vadd.f32 $-5.000073310e-01, v10;
	v5 =	vmul.f32 v7, v5;
	v7 =	vadd.f32 $3.331793250e-01, v12  }
0x15d: {  	v1 =	vshrl.u32 v1, $0x17;
	v3 =	vcvt.s32.f32 v3;
	v11 =	vmul.f32 v11, v8  }
0x15e: {  	v4 =	vshrl.u32 v4, $0x17;
	v10 =	vmul.f32 v10, v6;
	v7 =	vmul.f32 v7, v9  }
0x15f: {  	v2 =	vmul.f32 $6.931471820e-01, v2;
	v3 =	vmul.f32 $6.931471820e-01, v3;
	v11 =	vadd.f32 $-5.000073310e-01, v11  }
0x160: {  	v10 =	vadd.f32 $1.000000720e+00, v10;
	v12 =	vsel vm1, $0x1, v0;
	v7 =	vadd.f32 $-5.000073310e-01, v7  }
0x161: {  	v11 =	vmul.f32 v11, v8;
	v4 =	vadd.s32 v12, v4;
	v12 =	vsel vm0, $0x1, v0  }
0x162: {  	v4 =	vadd.s32 $0xFFFFFF81, v4;
	v1 =	vadd.s32 v12, v1;
	v7 =	vmul.f32 v7, v9  }
0x163: {  	v11 =	vadd.f32 $1.000000720e+00, v11;
	v4 =	vcvt.s32.f32 v4;
	v1 =	vadd.s32 $0xFFFFFF81, v1  }
0x164: {  	v6 =	vmul.f32 v10, v6;
	v1 =	vcvt.s32.f32 v1;
	v7 =	vadd.f32 $1.000000720e+00, v7  }
0x165: {  	v2 =	vadd.f32 v5, v2;
	v5 =	vmul.f32 v11, v8;
	v4 =	vmul.f32 $6.931471820e-01, v4  }
0x166: {  	v3 =	vadd.f32 v6, v3;
	v1 =	vmul.f32 $6.931471820e-01, v1;
	v6 =	vmul.f32 v7, v9  }
0x167: {  	v2 =	vmul.f32 $1.666666720e-01, v2;
	v4 =	vadd.f32 v5, v4  }
0x168: {  	v3 =	vmul.f32 $1.666666720e-01, v3;
	v1 =	vadd.f32 v6, v1  }
0x169: {  	[tilespmem:s25+$0x10840] =	vst v2;
	v2 =	vmul.f32 $1.666666720e-01, v4  }
0x16a: {  	[tilespmem:s25+$0x10850] =	vst v3;
	v1 =	vmul.f32 $1.666666720e-01, v1  }
0x16b: {  	[tilespmem:s25+$0x10860] =	vst v2  }
0x16c: {  	s29 =	sadd.s32 @!p0 $0x280, s28;
	s30 =	simm.s32 @!p0 $0x80;
	s31 =	simm.s32 @!p0 $0x7200;
	[tilespmem:s25+$0x10870] =	vst v1  }
0x16d: {  	[tilespmem:s31], [sflag:$0x2] =	stream.indirect.gather @!p0 [hbm4b:s5+s30], $0x40, s29, s30, $0xb8;
	[tilespmem:$0x13880] =	vst v63  }
0x16e: {  	s29 =	sadd.s32 @!p0 $0x2280, s28;
	s30 =	simm.s32 @!p0 $0x48;
	s31 =	simm.s32 @!p0 $0x9200  }
0x16f: {  	[tilespmem:s31], [sflag:$0x2] =	stream.indirect.gather @!p0 [hbm4b:s5+s30], $0x40, s29, s30, $0xb8;
	[tilespmem:$0x13880] =	vst v63  }
0x170: {  	_ =	swait.ge [sflag:s17], $0x3200  }
0x171: {  	[sflag:s17] =	ssyncset.done $0x0  }
0x172: {  	s29 =	simm.s32 $0x0;
	[sflag:s17] =	ssyncadd.s32 $0xFFFFCE00  }
0x173: {  	v1 =	vld [tilespmem:s29+$0xA440]  }
0x174: {  	v2 =	vld [tilespmem:s29+$0xA450]  }
0x175: {  	v3 =	vld [tilespmem:s29+$0xA470]  }
0x176: {  	v4 =	vld [tilespmem:s29+$0xA460]  }
0x177: {  	v5 =	vld [tilespmem:s29+$0xA400]  }
0x178: {  	v6 =	vld [tilespmem:s29+$0xA410]  }
0x179: {  	v7 =	vld [tilespmem:s29+$0xA420]  }
0x17a: {  	v8 =	vld [tilespmem:s29+$0xA430];
	s29 =	simm.s32 $0x80  }
0x17b: {  	v9 =	vld [tilespmem:s29+$0xA440]  }
0x17c: {  	v10 =	vld [tilespmem:s29+$0xA450];
	v1 =	vmul.f32 $6.000000000e+00, v1  }
0x17d: {  	v2 =	vmul.f32 $6.000000000e+00, v2;
	v4 =	vmul.f32 $6.000000000e+00, v4  }
0x17e: {  	v3 =	vmul.f32 $6.000000000e+00, v3;
	v5 =	vmul.f32 $6.000000000e+00, v5  }
0x17f: {  	v6 =	vmul.f32 $6.000000000e+00, v6;
	v7 =	vmul.f32 $6.000000000e+00, v7  }
0x180: {  	v8 =	vmul.f32 $6.000000000e+00, v8;
	v9 =	vmul.f32 $6.000000000e+00, v9  }
0x181: {  	v10 =	vmul.f32 $6.000000000e+00, v10;
	v1 =	vmul.f32 $1.442695020e+00, v1  }
0x182: {  	v3 =	vmul.f32 $1.442695020e+00, v3;
	v2 =	vmul.f32 $1.442695020e+00, v2  }
0x183: {  	v6 =	vmul.f32 $1.442695020e+00, v6;
	(erf) = vpow2.f32 v1;
	v1 =	vld [tilespmem:s29+$0xA460]  }
0x184: {  	v5 =	vmul.f32 $1.442695020e+00, v5;
	(erf) = vpow2.f32 v2  }
0x185: {  	v7 =	vmul.f32 $1.442695020e+00, v7;
	v2 =	vld [tilespmem:s29+$0xA470];
	(erf) = vpow2.f32 v3  }
0x186: {  	v4 =	vmul.f32 $1.442695020e+00, v4;
	v3 =	vld [tilespmem:s29+$0xA400];
	(erf) = vpow2.f32 v6  }
0x187: {  	v8 =	vmul.f32 $1.442695020e+00, v8;
	v6 =	vld [tilespmem:s29+$0xA410];
	(erf) = vpow2.f32 v7  }
0x188: {  	v7 =	vld [tilespmem:s29+$0xA420];
	(erf) = vpow2.f32 v4;
	v11 =	vmul.f32 $6.000000000e+00, v1  }
0x189: {  	(erf) = vpow2.f32 v8;
	v8 =	vmul.f32 $1.442695020e+00, v9  }
0x18a: {  	v4 =	vld [tilespmem:s29+$0xA430];
	v1 =	vmul.f32 $6.000000000e+00, v2;
	v9 =	vmul.f32 $1.442695020e+00, v10  }
0x18b: {  	s31 =	simm.s32 $0x100;
	v3 =	vmul.f32 $6.000000000e+00, v3;
	(erf) = vpow2.f32 v5  }
0x18c: {  	v10 =	vld [tilespmem:s31+$0xA440];
	v5 =	vmul.f32 $6.000000000e+00, v6;
	v6 =	vmul.f32 $1.442695020e+00, v1  }
0x18d: {  	v2 =	vpop (erf);
	v7 =	vmul.f32 $6.000000000e+00, v7;
	v15 =	vmul.f32 $1.442695020e+00, v3  }
0x18e: {  	(erf) = vpow2.f32 v8;
	v12 =	vpop (erf);
	v5 =	vmul.f32 $1.442695020e+00, v5  }
0x18f: {  	v13 =	vld [tilespmem:s31+$0xA450];
	v4 =	vmul.f32 $6.000000000e+00, v4;
	(erf) = vpow2.f32 v9;
	v1 =	vpop (erf)  }
0x190: {  	v14 =	vld [tilespmem:s31+$0xA460];
	v9 =	vimm.f32 $0.0e+00;
	v7 =	vmul.f32 $1.442695020e+00, v7;
	(erf) = vpow2.f32 v6;
	v3 =	vpop (erf)  }
0x191: {  	v60 =	vld [tilespmem:s31+$0xA470];
	v6 =	vmul.f32 $1.442695020e+00, v11;
	v10 =	vmul.f32 $6.000000000e+00, v10;
	v3 =	vadd.f32 v3, v9  }
0x192: {  	v63 =	vld [tilespmem:s31+$0xA400];
	v4 =	vmul.f32 $1.442695020e+00, v4;
	(erf) = vpow2.f32 v5;
	v8 =	vpop (erf)  }
0x193: {  	(erf) = vpow2.f32 v7;
	v11 =	vmul.f32 $1.442695020e+00, v10;
	v62 =	vpop (erf);
	v3 =	vadd.f32 v12, v3;
	v12 =	vld [tilespmem:s31+$0xA410]  }
0x194: {  	v61 =	vadd.f32 v8, v9;
	v8 =	vmul.f32 $6.000000000e+00, v13;
	(erf) = vpow2.f32 v6;
	v13 =	vld [tilespmem:s31+$0xA420];
	v5 =	vpop (erf)  }
0x195: {  	v7 =	vld [tilespmem:s31+$0xA430];
	v6 =	vmul.f32 $6.000000000e+00, v14;
	(erf) = vpow2.f32 v4;
	v20 =	vpop (erf)  }
0x196: {  	v14 =	vmul.f32 $6.000000000e+00, v60;
	v5 =	vadd.f32 v5, v9;
	v10 =	vadd.f32 v20, v9  }
0x197: {  	s29 =	simm.s32 $0x600;
	v4 =	vadd.f32 v62, v61;
	(erf) = vpow2.f32 v15;
	v9 =	vmul.f32 $6.000000000e+00, v63  }
.LBB2_8:
0x198: {  	s30 =	sshra.s32 s29, $0x2;
	p1 =	sne.s32 s29, $0xC600;
	s29 =	sadd.s32 $0x200, s29;
	v12 =	vmul.f32 $6.000000000e+00, v12;
	v14 =	vmul.f32 $1.442695020e+00, v14;
	v10 =	vadd.f32 v2, v10;
	v2 =	vpop (erf)  }
0x199: {  	v21 =	vmul.f32 $1.442695020e+00, v8;
	v5 =	vadd.f32 v1, v5;
	v15 =	vld [tilespmem:s30+$0xA440];
	v13 =	vmul.f32 $6.000000000e+00, v13;
	v16 =	vpop (erf)  }
0x19a: {  	v7 =	vmul.f32 $6.000000000e+00, v7;
	v17 =	vld [tilespmem:s30+$0xA450];
	v12 =	vmul.f32 $1.442695020e+00, v12;
	v1 =	vpop (erf)  }
0x19b: {  	v19 =	vmul.f32 $1.442695020e+00, v9;
	v18 =	vld [tilespmem:s30+$0xA470];
	(erf) = vpow2.f32 v11;
	v9 =	vpop (erf)  }
0x19c: {  	v20 =	vmul.f32 $1.442695020e+00, v7;
	v11 =	vld [tilespmem:s30+$0xA460];
	(erf) = vpow2.f32 v21;
	v8 =	vpop (erf)  }
0x19d: {  	v13 =	vmul.f32 $1.442695020e+00, v13;
	v7 =	vld [tilespmem:s30+$0xA430];
	(erf) = vpow2.f32 v14;
	v4 =	vadd.f32 v8, v4;
	v14 =	vpop (erf)  }
0x19e: {  	v6 =	vmul.f32 $1.442695020e+00, v6;
	v3 =	vadd.f32 v9, v3;
	v21 =	vld [tilespmem:s30+$0xA400];
	(erf) = vpow2.f32 v12;
	v8 =	vpop (erf)  }
.Ltmp6:
0x19f: {  	v9 =	vmul.f32 $6.000000000e+00, v15;
	v12 =	vld [tilespmem:s30+$0xA410];
	(erf) = vpow2.f32 v13;
	v5 =	vadd.f32 v8, v5;
	(pc) =	sbr.rel @p1 .LBB2_8-.Ltmp6, $4  }
0x1a0: {  	v3 =	vadd.f32 v16, v3;
	v8 =	vmul.f32 $6.000000000e+00, v17;
	v13 =	vld [tilespmem:s30+$0xA420];
	(erf) = vpow2.f32 v6;
	v15 =	vpop (erf)  }
0x1a1: {  	v4 =	vadd.f32 v14, v4;
	v6 =	vmul.f32 $6.000000000e+00, v11;
	(erf) = vpow2.f32 v20  }
0x1a2: {  	v14 =	vmul.f32 $6.000000000e+00, v18;
	v11 =	vmul.f32 $1.442695020e+00, v9;
	v10 =	vadd.f32 v15, v10  }
0x1a3: {  	v9 =	vmul.f32 $6.000000000e+00, v21;
	(erf) = vpow2.f32 v19  }
0x1a4: {  	v12 =	vmul.f32 $6.000000000e+00, v12  }
0x1a5: {  	v14 =	vmul.f32 $1.442695020e+00, v14;
	v8 =	vmul.f32 $1.442695020e+00, v8  }
0x1a6: {  	(erf) = vpow2.f32 v11;
	v13 =	vmul.f32 $6.000000000e+00, v13  }
0x1a7: {  	v7 =	vmul.f32 $6.000000000e+00, v7;
	v12 =	vmul.f32 $1.442695020e+00, v12  }
0x1a8: {  	v11 =	vpop (erf);
	(erf) = vpow2.f32 v8;
	v13 =	vmul.f32 $1.442695020e+00, v13  }
0x1a9: {  	v6 =	vmul.f32 $1.442695020e+00, v6;
	v8 =	vpop (erf);
	(erf) = vpow2.f32 v14  }
0x1aa: {  	v7 =	vmul.f32 $1.442695020e+00, v7;
	v14 =	vpop (erf);
	(erf) = vpow2.f32 v12  }
0x1ab: {  	v9 =	vmul.f32 $1.442695020e+00, v9;
	v12 =	vpop (erf);
	(erf) = vpow2.f32 v13  }
0x1ac: {  	v13 =	vpop (erf);
	(erf) = vpow2.f32 v6  }
0x1ad: {  	v6 =	vpop (erf);
	(erf) = vpow2.f32 v7  }
0x1ae: {  	v7 =	vpop (erf);
	(erf) = vpow2.f32 v9  }
0x1af: {  	v9 =	vpop (erf)  }
0x1b0: {  	v15 =	vpop (erf)  }
0x1b1: {  	v16 =	vpop (erf)  }
0x1b2: {  	v2 =	vadd.f32 v2, v10;
	v10 =	vpop (erf)  }
0x1b3: {  	v17 =	vpop (erf)  }
0x1b4: {  	v2 =	vadd.f32 v9, v2;
	v9 =	vpop (erf)  }
0x1b5: {  	v18 =	vpop (erf)  }
0x1b6: {  	v2 =	vadd.f32 v11, v2;
	v11 =	vpop (erf)  }
0x1b7: {  	v19 =	vpop (erf)  }
0x1b8: {  	v2 =	vadd.f32 v19, v2  }
0x1b9: {  	v3 =	vadd.f32 v12, v3  }
0x1ba: {  	v1 =	vadd.f32 v1, v5;
	v2 =	vadd.f32 v15, v2  }
0x1bb: {  	v3 =	vadd.f32 v8, v3  }
0x1bc: {  	v1 =	vadd.f32 v7, v1;
	v5 =	vand.u32 $0x7FFFFF, v2  }
0x1bd: {  	v4 =	vadd.f32 v13, v4;
	v3 =	vadd.f32 v17, v3;
	v5 =	vor.u32 $0x3F800000, v5  }
0x1be: {  	v1 =	vadd.f32 v14, v1;
	v7 =	vmul.f32 $5.000000000e-01, v5  }
0x1bf: {  	v4 =	vadd.f32 v6, v4;
	v3 =	vadd.f32 v16, v3;
	vm3 =	vge.f32 v5, $1.414213540e+00  }
0x1c0: {  	v1 =	vadd.f32 v11, v1;
	v5 =	vsel vm3, v7, v5  }
0x1c1: {  	v4 =	vadd.f32 v9, v4;
	v6 =	vand.u32 $0x7FFFFF, v3;
	v5 =	vadd.f32 $-1.000000000e+00, v5  }
0x1c2: {  	v6 =	vor.u32 $0x3F800000, v6;
	v1 =	vadd.f32 v10, v1  }
0x1c3: {  	v4 =	vadd.f32 v18, v4;
	v8 =	vmul.f32 $5.000000000e-01, v6;
	v7 =	vmul.f32 $1.178442760e-01, v5  }
0x1c4: {  	vm2 =	vge.f32 v6, $1.414213540e+00;
	v9 =	vand.u32 $0x7FFFFF, v1  }
0x1c5: {  	v6 =	vsel vm2, v8, v6;
	v8 =	vand.u32 $0x7FFFFF, v4;
	v7 =	vadd.f32 $-1.845583470e-01, v7  }
0x1c6: {  	v9 =	vor.u32 $0x3F800000, v9;
	v8 =	vor.u32 $0x3F800000, v8  }
0x1c7: {  	v6 =	vadd.f32 $-1.000000000e+00, v6;
	v10 =	vmul.f32 $5.000000000e-01, v8;
	v7 =	vmul.f32 v7, v5  }
0x1c8: {  	v12 =	vmul.f32 $5.000000000e-01, v9;
	vm0 =	vge.f32 v9, $1.414213540e+00;
	vm1 =	vge.f32 v8, $1.414213540e+00  }
0x1c9: {  	v11 =	vmul.f32 $1.178442760e-01, v6;
	v8 =	vsel vm1, v10, v8;
	v7 =	vadd.f32 $2.045542000e-01, v7  }
0x1ca: {  	v9 =	vsel vm0, v12, v9;
	v8 =	vadd.f32 $-1.000000000e+00, v8  }
0x1cb: {  	v9 =	vadd.f32 $-1.000000000e+00, v9;
	v10 =	vadd.f32 $-1.845583470e-01, v11;
	v7 =	vmul.f32 v7, v5  }
0x1cc: {  	v11 =	vmul.f32 $1.178442760e-01, v8  }
0x1cd: {  	v12 =	vmul.f32 $1.178442760e-01, v9;
	v10 =	vmul.f32 v10, v6;
	v7 =	vadd.f32 $-2.492950410e-01, v7  }
0x1ce: {  	v11 =	vadd.f32 $-1.845583470e-01, v11  }
0x1cf: {  	v12 =	vadd.f32 $-1.845583470e-01, v12;
	v10 =	vadd.f32 $2.045542000e-01, v10;
	v7 =	vmul.f32 v7, v5  }
0x1d0: {  	v11 =	vmul.f32 v11, v8  }
0x1d1: {  	v12 =	vmul.f32 v12, v9;
	v10 =	vmul.f32 v10, v6;
	v7 =	vadd.f32 $3.331793250e-01, v7  }
0x1d2: {  	v3 =	vshrl.u32 v3, $0x17;
	v11 =	vadd.f32 $2.045542000e-01, v11  }
0x1d3: {  	v12 =	vadd.f32 $2.045542000e-01, v12;
	v10 =	vadd.f32 $-2.492950410e-01, v10;
	v7 =	vmul.f32 v7, v5  }
0x1d4: {  	v2 =	vshrl.u32 v2, $0x17;
	v13 =	vsel vm3, $0x1, v0;
	v11 =	vmul.f32 v11, v8  }
0x1d5: {  	v12 =	vmul.f32 v12, v9;
	v10 =	vmul.f32 v10, v6;
	v7 =	vadd.f32 $-5.000073310e-01, v7  }
0x1d6: {  	v2 =	vadd.s32 v13, v2;
	v13 =	vsel vm2, $0x1, v0;
	v11 =	vadd.f32 $-2.492950410e-01, v11  }
0x1d7: {  	v12 =	vadd.f32 $-2.492950410e-01, v12;
	v10 =	vadd.f32 $3.331793250e-01, v10;
	v7 =	vmul.f32 v7, v5  }
0x1d8: {  	v2 =	vadd.s32 $0xFFFFFF81, v2;
	v3 =	vadd.s32 v13, v3;
	v11 =	vmul.f32 v11, v8  }
0x1d9: {  	v12 =	vmul.f32 v12, v9;
	v10 =	vmul.f32 v10, v6;
	v7 =	vadd.f32 $1.000000720e+00, v7  }
0x1da: {  	v2 =	vcvt.s32.f32 v2;
	v3 =	vadd.s32 $0xFFFFFF81, v3;
	v11 =	vadd.f32 $3.331793250e-01, v11  }
0x1db: {  	v10 =	vadd.f32 $-5.000073310e-01, v10;
	v5 =	vmul.f32 v7, v5;
	v7 =	vadd.f32 $3.331793250e-01, v12  }
0x1dc: {  	v1 =	vshrl.u32 v1, $0x17;
	v3 =	vcvt.s32.f32 v3;
	v11 =	vmul.f32 v11, v8  }
0x1dd: {  	v4 =	vshrl.u32 v4, $0x17;
	v10 =	vmul.f32 v10, v6;
	v7 =	vmul.f32 v7, v9  }
0x1de: {  	v2 =	vmul.f32 $6.931471820e-01, v2;
	v3 =	vmul.f32 $6.931471820e-01, v3;
	v11 =	vadd.f32 $-5.000073310e-01, v11  }
0x1df: {  	v10 =	vadd.f32 $1.000000720e+00, v10;
	v12 =	vsel vm1, $0x1, v0;
	v7 =	vadd.f32 $-5.000073310e-01, v7  }
0x1e0: {  	v11 =	vmul.f32 v11, v8;
	v4 =	vadd.s32 v12, v4;
	v12 =	vsel vm0, $0x1, v0  }
0x1e1: {  	v4 =	vadd.s32 $0xFFFFFF81, v4;
	v1 =	vadd.s32 v12, v1;
	v7 =	vmul.f32 v7, v9  }
0x1e2: {  	v11 =	vadd.f32 $1.000000720e+00, v11;
	v4 =	vcvt.s32.f32 v4;
	v1 =	vadd.s32 $0xFFFFFF81, v1  }
0x1e3: {  	v6 =	vmul.f32 v10, v6;
	v1 =	vcvt.s32.f32 v1;
	v7 =	vadd.f32 $1.000000720e+00, v7  }
0x1e4: {  	v2 =	vadd.f32 v5, v2;
	v5 =	vmul.f32 v11, v8;
	v4 =	vmul.f32 $6.931471820e-01, v4  }
0x1e5: {  	v3 =	vadd.f32 v6, v3;
	v1 =	vmul.f32 $6.931471820e-01, v1;
	v6 =	vmul.f32 v7, v9  }
0x1e6: {  	v2 =	vmul.f32 $1.666666720e-01, v2;
	v4 =	vadd.f32 v5, v4  }
0x1e7: {  	v3 =	vmul.f32 $1.666666720e-01, v3;
	v1 =	vadd.f32 v6, v1  }
0x1e8: {  	[tilespmem:s25+$0x10880] =	vst v2;
	v2 =	vmul.f32 $1.666666720e-01, v4  }
0x1e9: {  	[tilespmem:s25+$0x10890] =	vst v3;
	v1 =	vmul.f32 $1.666666720e-01, v1  }
0x1ea: {  	[tilespmem:s25+$0x108A0] =	vst v2  }
0x1eb: {  	s29 =	sadd.s32 @!p0 $0x300, s28;
	s30 =	simm.s32 @!p0 $0x80;
	s31 =	simm.s32 @!p0 $0xA400;
	[tilespmem:s25+$0x108B0] =	vst v1  }
0x1ec: {  	[tilespmem:s31], [sflag:$0x3] =	stream.indirect.gather @!p0 [hbm4b:s5+s30], $0x40, s29, s30, $0xb8;
	[tilespmem:$0x13880] =	vst v63  }
0x1ed: {  	s29 =	sadd.s32 @!p0 $0x2300, s28;
	s30 =	simm.s32 @!p0 $0x48;
	s31 =	simm.s32 @!p0 $0xC400  }
0x1ee: {  	[tilespmem:s31], [sflag:$0x3] =	stream.indirect.gather @!p0 [hbm4b:s5+s30], $0x40, s29, s30, $0xb8;
	[tilespmem:$0x13880] =	vst v63  }
0x1ef: {  	_ =	swait.ge [sflag:s1], $0x3200  }
0x1f0: {  	[sflag:s1] =	ssyncset.done $0x0  }
0x1f1: {  	s29 =	simm.s32 $0x0;
	[sflag:s1] =	ssyncadd.s32 $0xFFFFCE00  }
0x1f2: {  	v1 =	vld [tilespmem:s29+$0xD640]  }
0x1f3: {  	v2 =	vld [tilespmem:s29+$0xD650]  }
0x1f4: {  	v3 =	vld [tilespmem:s29+$0xD670]  }
0x1f5: {  	v4 =	vld [tilespmem:s29+$0xD660]  }
0x1f6: {  	v5 =	vld [tilespmem:s29+$0xD600]  }
0x1f7: {  	v6 =	vld [tilespmem:s29+$0xD610]  }
0x1f8: {  	v7 =	vld [tilespmem:s29+$0xD620]  }
0x1f9: {  	v8 =	vld [tilespmem:s29+$0xD630];
	s29 =	simm.s32 $0x80  }
0x1fa: {  	v9 =	vld [tilespmem:s29+$0xD640]  }
0x1fb: {  	v10 =	vld [tilespmem:s29+$0xD650];
	v1 =	vmul.f32 $6.000000000e+00, v1  }
0x1fc: {  	v2 =	vmul.f32 $6.000000000e+00, v2;
	v4 =	vmul.f32 $6.000000000e+00, v4  }
0x1fd: {  	v3 =	vmul.f32 $6.000000000e+00, v3;
	v5 =	vmul.f32 $6.000000000e+00, v5  }
0x1fe: {  	v6 =	vmul.f32 $6.000000000e+00, v6;
	v7 =	vmul.f32 $6.000000000e+00, v7  }
0x1ff: {  	v8 =	vmul.f32 $6.000000000e+00, v8;
	v9 =	vmul.f32 $6.000000000e+00, v9  }
0x200: {  	v10 =	vmul.f32 $6.000000000e+00, v10;
	v1 =	vmul.f32 $1.442695020e+00, v1  }
0x201: {  	v3 =	vmul.f32 $1.442695020e+00, v3;
	v2 =	vmul.f32 $1.442695020e+00, v2  }
0x202: {  	v6 =	vmul.f32 $1.442695020e+00, v6;
	(erf) = vpow2.f32 v1;
	v1 =	vld [tilespmem:s29+$0xD660]  }
0x203: {  	v5 =	vmul.f32 $1.442695020e+00, v5;
	(erf) = vpow2.f32 v2  }
0x204: {  	v7 =	vmul.f32 $1.442695020e+00, v7;
	v2 =	vld [tilespmem:s29+$0xD670];
	(erf) = vpow2.f32 v3  }
0x205: {  	v4 =	vmul.f32 $1.442695020e+00, v4;
	v3 =	vld [tilespmem:s29+$0xD600];
	(erf) = vpow2.f32 v6  }
0x206: {  	v8 =	vmul.f32 $1.442695020e+00, v8;
	v6 =	vld [tilespmem:s29+$0xD610];
	(erf) = vpow2.f32 v7  }
0x207: {  	v7 =	vld [tilespmem:s29+$0xD620];
	(erf) = vpow2.f32 v4;
	v11 =	vmul.f32 $6.000000000e+00, v1  }
0x208: {  	(erf) = vpow2.f32 v8;
	v8 =	vmul.f32 $1.442695020e+00, v9  }
0x209: {  	v4 =	vld [tilespmem:s29+$0xD630];
	v1 =	vmul.f32 $6.000000000e+00, v2;
	v9 =	vmul.f32 $1.442695020e+00, v10  }
0x20a: {  	s31 =	simm.s32 $0x100;
	v3 =	vmul.f32 $6.000000000e+00, v3;
	(erf) = vpow2.f32 v5  }
0x20b: {  	v10 =	vld [tilespmem:s31+$0xD640];
	v5 =	vmul.f32 $6.000000000e+00, v6;
	v6 =	vmul.f32 $1.442695020e+00, v1  }
0x20c: {  	v2 =	vpop (erf);
	v7 =	vmul.f32 $6.000000000e+00, v7;
	v15 =	vmul.f32 $1.442695020e+00, v3  }
0x20d: {  	(erf) = vpow2.f32 v8;
	v12 =	vpop (erf);
	v5 =	vmul.f32 $1.442695020e+00, v5  }
0x20e: {  	v13 =	vld [tilespmem:s31+$0xD650];
	v4 =	vmul.f32 $6.000000000e+00, v4;
	(erf) = vpow2.f32 v9;
	v1 =	vpop (erf)  }
0x20f: {  	v14 =	vld [tilespmem:s31+$0xD660];
	v9 =	vimm.f32 $0.0e+00;
	v7 =	vmul.f32 $1.442695020e+00, v7;
	(erf) = vpow2.f32 v6;
	v3 =	vpop (erf)  }
0x210: {  	v60 =	vld [tilespmem:s31+$0xD670];
	v6 =	vmul.f32 $1.442695020e+00, v11;
	v10 =	vmul.f32 $6.000000000e+00, v10;
	v3 =	vadd.f32 v3, v9  }
0x211: {  	v63 =	vld [tilespmem:s31+$0xD600];
	v4 =	vmul.f32 $1.442695020e+00, v4;
	(erf) = vpow2.f32 v5;
	v8 =	vpop (erf)  }
0x212: {  	(erf) = vpow2.f32 v7;
	v11 =	vmul.f32 $1.442695020e+00, v10;
	v62 =	vpop (erf);
	v3 =	vadd.f32 v12, v3;
	v12 =	vld [tilespmem:s31+$0xD610]  }
0x213: {  	v61 =	vadd.f32 v8, v9;
	v8 =	vmul.f32 $6.000000000e+00, v13;
	(erf) = vpow2.f32 v6;
	v13 =	vld [tilespmem:s31+$0xD620];
	v5 =	vpop (erf)  }
0x214: {  	v7 =	vld [tilespmem:s31+$0xD630];
	v6 =	vmul.f32 $6.000000000e+00, v14;
	(erf) = vpow2.f32 v4;
	v20 =	vpop (erf)  }
0x215: {  	v14 =	vmul.f32 $6.000000000e+00, v60;
	v5 =	vadd.f32 v5, v9;
	v10 =	vadd.f32 v20, v9  }
0x216: {  	s29 =	simm.s32 $0x600;
	v4 =	vadd.f32 v62, v61;
	(erf) = vpow2.f32 v15;
	v9 =	vmul.f32 $6.000000000e+00, v63  }
.LBB2_10:
0x217: {  	s30 =	sshra.s32 s29, $0x2;
	p1 =	sne.s32 s29, $0xC600;
	s29 =	sadd.s32 $0x200, s29;
	v12 =	vmul.f32 $6.000000000e+00, v12;
	v14 =	vmul.f32 $1.442695020e+00, v14;
	v10 =	vadd.f32 v2, v10;
	v2 =	vpop (erf)  }
0x218: {  	v21 =	vmul.f32 $1.442695020e+00, v8;
	v5 =	vadd.f32 v1, v5;
	v15 =	vld [tilespmem:s30+$0xD640];
	v13 =	vmul.f32 $6.000000000e+00, v13;
	v16 =	vpop (erf)  }
0x219: {  	v7 =	vmul.f32 $6.000000000e+00, v7;
	v17 =	vld [tilespmem:s30+$0xD650];
	v12 =	vmul.f32 $1.442695020e+00, v12;
	v1 =	vpop (erf)  }
0x21a: {  	v19 =	vmul.f32 $1.442695020e+00, v9;
	v18 =	vld [tilespmem:s30+$0xD670];
	(erf) = vpow2.f32 v11;
	v9 =	vpop (erf)  }
0x21b: {  	v20 =	vmul.f32 $1.442695020e+00, v7;
	v11 =	vld [tilespmem:s30+$0xD660];
	(erf) = vpow2.f32 v21;
	v8 =	vpop (erf)  }
0x21c: {  	v13 =	vmul.f32 $1.442695020e+00, v13;
	v7 =	vld [tilespmem:s30+$0xD630];
	(erf) = vpow2.f32 v14;
	v4 =	vadd.f32 v8, v4;
	v14 =	vpop (erf)  }
0x21d: {  	v6 =	vmul.f32 $1.442695020e+00, v6;
	v3 =	vadd.f32 v9, v3;
	v21 =	vld [tilespmem:s30+$0xD600];
	(erf) = vpow2.f32 v12;
	v8 =	vpop (erf)  }
.Ltmp7:
0x21e: {  	v9 =	vmul.f32 $6.000000000e+00, v15;
	v12 =	vld [tilespmem:s30+$0xD610];
	(erf) = vpow2.f32 v13;
	v5 =	vadd.f32 v8, v5;
	(pc) =	sbr.rel @p1 .LBB2_10-.Ltmp7, $4  }
0x21f: {  	v3 =	vadd.f32 v16, v3;
	v8 =	vmul.f32 $6.000000000e+00, v17;
	v13 =	vld [tilespmem:s30+$0xD620];
	(erf) = vpow2.f32 v6;
	v15 =	vpop (erf)  }
0x220: {  	v4 =	vadd.f32 v14, v4;
	v6 =	vmul.f32 $6.000000000e+00, v11;
	(erf) = vpow2.f32 v20  }
0x221: {  	v14 =	vmul.f32 $6.000000000e+00, v18;
	v11 =	vmul.f32 $1.442695020e+00, v9;
	v10 =	vadd.f32 v15, v10  }
0x222: {  	v9 =	vmul.f32 $6.000000000e+00, v21;
	(erf) = vpow2.f32 v19  }
0x223: {  	v12 =	vmul.f32 $6.000000000e+00, v12;
	v14 =	vmul.f32 $1.442695020e+00, v14  }
0x224: {  	v8 =	vmul.f32 $1.442695020e+00, v8;
	(erf) = vpow2.f32 v11  }
0x225: {  	v7 =	vmul.f32 $6.000000000e+00, v7;
	v13 =	vmul.f32 $6.000000000e+00, v13  }
0x226: {  	v33 =	vpop (erf);
	v12 =	vmul.f32 $1.442695020e+00, v12;
	(erf) = vpow2.f32 v8  }
0x227: {  	v34 =	vpop (erf);
	v13 =	vmul.f32 $1.442695020e+00, v13;
	(erf) = vpow2.f32 v14  }
0x228: {  	v6 =	vmul.f32 $1.442695020e+00, v6;
	v35 =	vpop (erf);
	(erf) = vpow2.f32 v12  }
0x229: {  	v7 =	vmul.f32 $1.442695020e+00, v7;
	v36 =	vpop (erf);
	(erf) = vpow2.f32 v13  }
0x22a: {  	v9 =	vmul.f32 $1.442695020e+00, v9;
	v37 =	vpop (erf);
	(erf) = vpow2.f32 v6  }
0x22b: {  	v38 =	vpop (erf);
	(erf) = vpow2.f32 v7  }
0x22c: {  	v39 =	vpop (erf);
	(erf) = vpow2.f32 v9  }
0x22d: {  	v40 =	vpop (erf)  }
0x22e: {  	v15 =	vpop (erf)  }
0x22f: {  	v16 =	vpop (erf)  }
0x230: {  	v2 =	vadd.f32 v2, v10;
	v41 =	vpop (erf)  }
0x231: {  	v17 =	vpop (erf)  }
0x232: {  	v2 =	vadd.f32 v40, v2;
	v42 =	vpop (erf)  }
0x233: {  	v18 =	vpop (erf)  }
0x234: {  	v2 =	vadd.f32 v33, v2;
	v43 =	vpop (erf)  }
0x235: {  	v19 =	vpop (erf)  }
0x236: {  	v2 =	vadd.f32 v19, v2  }
0x237: {  	v1 =	vadd.f32 v1, v5;
	v3 =	vadd.f32 v36, v3  }
0x238: {  	v4 =	vadd.f32 v37, v4;
	v2 =	vadd.f32 v15, v2  }
0x239: {  	v3 =	vadd.f32 v34, v3  }
0x23a: {  	v1 =	vadd.f32 v39, v1;
	v4 =	vadd.f32 v38, v4;
	v44 =	vand.u32 $0x7FFFFF, v2  }
0x23b: {  	v3 =	vadd.f32 v17, v3;
	v5 =	vor.u32 $0x3F800000, v44  }
0x23c: {  	v1 =	vadd.f32 v35, v1;
	v4 =	vadd.f32 v42, v4;
	v45 =	vmul.f32 $5.000000000e-01, v5  }
0x23d: {  	v3 =	vadd.f32 v16, v3;
	vm3 =	vge.f32 v5, $1.414213540e+00  }
0x23e: {  	v1 =	vadd.f32 v43, v1;
	v4 =	vadd.f32 v18, v4;
	v5 =	vsel vm3, v45, v5  }
0x23f: {  	v46 =	vand.u32 $0x7FFFFF, v3;
	v5 =	vadd.f32 $-1.000000000e+00, v5  }
0x240: {  	v6 =	vor.u32 $0x3F800000, v46;
	v1 =	vadd.f32 v41, v1;
	v49 =	vand.u32 $0x7FFFFF, v4  }
0x241: {  	v48 =	vmul.f32 $5.000000000e-01, v6;
	v8 =	vor.u32 $0x3F800000, v49;
	v47 =	vmul.f32 $1.178442760e-01, v5  }
0x242: {  	vm2 =	vge.f32 v6, $1.414213540e+00;
	v50 =	vand.u32 $0x7FFFFF, v1;
	v51 =	vmul.f32 $5.000000000e-01, v8  }
0x243: {  	v6 =	vsel vm2, v48, v6;
	v9 =	vor.u32 $0x3F800000, v50;
	v7 =	vadd.f32 $-1.845583470e-01, v47  }
0x244: {  	vm1 =	vge.f32 v8, $1.414213540e+00;
	v6 =	vadd.f32 $-1.000000000e+00, v6;
	v53 =	vmul.f32 $5.000000000e-01, v9  }
0x245: {  	v8 =	vsel vm1, v51, v8;
	vm0 =	vge.f32 v9, $1.414213540e+00;
	v7 =	vmul.f32 v7, v5  }
0x246: {  	v8 =	vadd.f32 $-1.000000000e+00, v8;
	v9 =	vsel vm0, v53, v9  }
0x247: {  	v52 =	vmul.f32 $1.178442760e-01, v6;
	v9 =	vadd.f32 $-1.000000000e+00, v9;
	v7 =	vadd.f32 $2.045542000e-01, v7  }
0x248: {  	v55 =	vmul.f32 $1.178442760e-01, v8  }
0x249: {  	v54 =	vadd.f32 $-1.845583470e-01, v52;
	v56 =	vmul.f32 $1.178442760e-01, v9;
	v7 =	vmul.f32 v7, v5  }
0x24a: {  	v11 =	vadd.f32 $-1.845583470e-01, v55  }
0x24b: {  	v10 =	vmul.f32 v54, v6;
	v12 =	vadd.f32 $-1.845583470e-01, v56;
	v7 =	vadd.f32 $-2.492950410e-01, v7  }
0x24c: {  	v3 =	vshrl.u32 v3, $0x17;
	v11 =	vmul.f32 v11, v8  }
0x24d: {  	v10 =	vadd.f32 $2.045542000e-01, v10;
	v12 =	vmul.f32 v12, v9;
	v7 =	vmul.f32 v7, v5  }
0x24e: {  	v4 =	vshrl.u32 v4, $0x17;
	v58 =	vsel vm2, $0x1, v0;
	v11 =	vadd.f32 $2.045542000e-01, v11  }
0x24f: {  	v10 =	vmul.f32 v10, v6;
	v12 =	vadd.f32 $2.045542000e-01, v12;
	v7 =	vadd.f32 $3.331793250e-01, v7  }
0x250: {  	v1 =	vshrl.u32 v1, $0x17;
	v2 =	vshrl.u32 v2, $0x17;
	v11 =	vmul.f32 v11, v8  }
0x251: {  	v10 =	vadd.f32 $-2.492950410e-01, v10;
	v12 =	vmul.f32 v12, v9;
	v7 =	vmul.f32 v7, v5  }
0x252: {  	v3 =	vadd.s32 v58, v3;
	v60 =	vsel vm1, $0x1, v0;
	v11 =	vadd.f32 $-2.492950410e-01, v11  }
0x253: {  	v10 =	vmul.f32 v10, v6;
	v12 =	vadd.f32 $-2.492950410e-01, v12;
	v7 =	vadd.f32 $-5.000073310e-01, v7  }
0x254: {  	v3 =	vadd.s32 $0xFFFFFF81, v3;
	v4 =	vadd.s32 v60, v4;
	v11 =	vmul.f32 v11, v8  }
0x255: {  	v10 =	vadd.f32 $3.331793250e-01, v10;
	v12 =	vmul.f32 v12, v9;
	v7 =	vmul.f32 v7, v5  }
0x256: {  	v3 =	vcvt.s32.f32 v3;
	v61 =	vsel vm0, $0x1, v0;
	v11 =	vadd.f32 $3.331793250e-01, v11  }
0x257: {  	v10 =	vmul.f32 v10, v6;
	v59 =	vadd.f32 $3.331793250e-01, v12;
	v7 =	vadd.f32 $1.000000720e+00, v7  }
0x258: {  	v4 =	vadd.s32 $0xFFFFFF81, v4;
	v57 =	vsel vm3, $0x1, v0;
	v11 =	vmul.f32 v11, v8  }
0x259: {  	v10 =	vadd.f32 $-5.000073310e-01, v10;
	v5 =	vmul.f32 v7, v5;
	v7 =	vmul.f32 v59, v9  }
0x25a: {  	v4 =	vcvt.s32.f32 v4;
	v2 =	vadd.s32 v57, v2;
	v11 =	vadd.f32 $-5.000073310e-01, v11  }
0x25b: {  	v2 =	vadd.s32 $0xFFFFFF81, v2;
	v10 =	vmul.f32 v10, v6;
	v7 =	vadd.f32 $-5.000073310e-01, v7  }
0x25c: {  	v1 =	vadd.s32 v61, v1;
	v2 =	vcvt.s32.f32 v2;
	v11 =	vmul.f32 v11, v8  }
0x25d: {  	v3 =	vmul.f32 $6.931471820e-01, v3;
	v10 =	vadd.f32 $1.000000720e+00, v10;
	v7 =	vmul.f32 v7, v9  }
0x25e: {  	v1 =	vadd.s32 $0xFFFFFF81, v1;
	v2 =	vmul.f32 $6.931471820e-01, v2;
	v11 =	vadd.f32 $1.000000720e+00, v11  }
0x25f: {  	v1 =	vcvt.s32.f32 v1;
	v6 =	vmul.f32 v10, v6;
	v7 =	vadd.f32 $1.000000720e+00, v7  }
0x260: {  	v4 =	vmul.f32 $6.931471820e-01, v4;
	v62 =	vmul.f32 v11, v8;
	v2 =	vadd.f32 v5, v2  }
0x261: {  	v1 =	vmul.f32 $6.931471820e-01, v1;
	v3 =	vadd.f32 v6, v3;
	v63 =	vmul.f32 v7, v9  }
0x262: {  	v4 =	vadd.f32 v62, v4;
	v2 =	vmul.f32 $1.666666720e-01, v2  }
.Ltmp8:
0x263: {  	v3 =	vmul.f32 $1.666666720e-01, v3;
	v1 =	vadd.f32 v63, v1;
	(pc) =	sbr.rel @p0 .LBB2_13-.Ltmp8, $4  }
0x264: {  	[tilespmem:s25+$0x108C0] =	vst v2;
	v2 =	vmul.f32 $1.666666720e-01, v4  }
0x265: {  	[tilespmem:s25+$0x108D0] =	vst v3;
	v1 =	vmul.f32 $1.666666720e-01, v1  }
0x266: {  	[tilespmem:s25+$0x108E0] =	vst v2  }
0x267: {  	[tilespmem:s25+$0x108F0] =	vst v1  }
.Ltmp9:
0x268: {  	(pc) =	sbr.rel .LBB2_3-.Ltmp9, $4  }
0x269: {  	s25 =	sadd.s32 $0x380, s28  }
0x26a: {  	[tilespmem:s11], [sflag:$0x4] =	stream.indirect.gather [hbm4b:s5+s20], $0x40, s25, s20, $0xb8;
	[tilespmem:$0x13880] =	vst v63  }
0x26b: {  	s31 =	sadd.s32 $0x2380, s28;
	s18 =	sadd.s32 $0x1, s18  }
0x26c: {  	[tilespmem:s13], [sflag:$0x4] =	stream.indirect.gather [hbm4b:s5+s26], $0x40, s31, s26, $0xb8;
	[tilespmem:$0x13880] =	vst v63  }
.LBB2_15:
0x26d: {  	_ =	sfence.sel $0x180000  }
0x26e: {  	[bflag:$0x0] =	sbarrier.arrive $0xFFFF  }
0x26f: {  	_ =	strace $0x90000047  }
0x270: {  	s0 =	stileid.u32;
	[bflag:$0x2] =	sbarrier.arrive $0xFFFF  }
0x271: {  	p0 =	sne.s32 s0, $0x0;
	s0 =	rddreg [dreg:$0x3]  }
0x272: {  	s0 =	sadd.s32 @!p0 $0x100000, s0  }
0x273: {  	[sflag:s0] =	ssyncadd.tile.s32 @!p0 $0x1;
	_ =	shalt  }
.Lfunc_end2:
_tile_overlayer_lowered:
.L_overlay_start_2:
0x274: {  	(tag) =	ssettag $0x2  }
0x275: {  	s0 =	rddreg [dreg:$0x0];
	s2 =	stileid.u32  }
0x276: {  	s1 =	rddreg [dreg:$0x1];
	p0 =	sne.s32 s2, $0x0  }
0x277: {  	s3 =	rddreg [dreg:$0x2];
	[bflag:$0x3] =	sbarrier.arrive $0xFFFF;
	s2 =	simm.s32 @!p0 $0x1C06  }
0x278: {  	[timem:s3], [sflag:s2] =	dma.local @!p0 [hbm:s0], s1  }
0x279: {  	s0 =	simm.s32 @!p0 $0x6  }
0x27a: {  	_ =	swait.ge @!p0 [sflag:s0], s1  }
0x27b: {  	s1 =	ssub.s32 @!p0 $0x0, s1;
	[sflag:s0] =	ssyncset.done @!p0 $0x0  }
0x27c: {  	[sflag:s0] =	ssyncadd.s32 @!p0 s1  }
0x27d: {  	[bflag:$0x3] =	sbarrier.arrive $0xFFFF  }
0x27e: {  	_ =	shalt  }

</sc_bundles>
